<compile_context>
chip_gen: v7x
topology: tpu7x:2x2x1
jax: 0.10.2.dev20260603
libtpu: 0.0.44.dev20260713+nightly
codegen_flags: <defaults>
</compile_context>

<pallas_src>
import functools

import jax
import jax.numpy as jnp
from jax import lax
from jax.experimental import pallas as pl
from jax.experimental.pallas import tpu as pltpu
from jax.experimental.pallas import tpu_sc as plsc

N = 10000
NP = 10240
E = 320000
NC = 2
NS = 16
NW = NC * NS
C = 80
NCHUNK = 125
EPW = NCHUNK * C
RPS = NP // NS

_mesh = plsc.VectorSubcoreMesh(core_axis_name="c", subcore_axis_name="s")



DW = 16


@functools.partial(
    pl.kernel,
    out_type=jax.ShapeDtypeStruct((NC, NP, DW), jnp.float32),
    mesh=_mesh,
    compiler_params=pltpu.CompilerParams(use_tc_tiling_on_sc=False),
    scratch_types=[
        pltpu.VMEM((NCHUNK, C), jnp.int32),
        pltpu.VMEM((C, DW), jnp.float32),
        pltpu.VMEM_SHARED((NP, DW), jnp.float32),
        pltpu.SemaphoreType.DMA,
    ],
)
def _deg_kernel(dst_hbm, ones_hbm, z_hbm, out_hbm, dst_v, ones_v, acc_sh, sem):
    c = lax.axis_index("c")
    s = lax.axis_index("s")
    w = c * NS + s
    pltpu.sync_copy(z_hbm, acc_sh.at[pl.ds(s * RPS, RPS)])
    pltpu.sync_copy(ones_hbm, ones_v)
    pltpu.sync_copy(dst_hbm.at[w], dst_v)
    plsc.subcore_barrier()

    def body(i, carry):
        pltpu.async_copy(ones_v, acc_sh.at[dst_v.at[i]], sem, add=True)
        return carry

    lax.fori_loop(0, NCHUNK, body, 0)

    def drain(i, carry):
        pltpu.make_async_copy(ones_v, acc_sh.at[dst_v.at[0]], sem).wait()
        return carry

    lax.fori_loop(0, NCHUNK, drain, 0)
    plsc.subcore_barrier()
    pltpu.sync_copy(acc_sh.at[pl.ds(s * RPS, RPS)],
                    out_hbm.at[c, pl.ds(s * RPS, RPS)])


def _make_msg_kernel(K, tc_tiling=True):
  cp = pltpu.CompilerParams(use_tc_tiling_on_sc=tc_tiling)

  @functools.partial(
      pl.kernel,
      out_type=jax.ShapeDtypeStruct((NC, NP, K), jnp.float32),
      mesh=_mesh,
      compiler_params=cp,
      scratch_types=[
          pltpu.VMEM((EPW,), jnp.int32),
          pltpu.VMEM((NCHUNK, C), jnp.int32),
          pltpu.VMEM((C, K), jnp.float32),
          pltpu.VMEM((C, K), jnp.float32),
          pltpu.VMEM_SHARED((NP, K), jnp.float32),
          pltpu.SemaphoreType.DMA,
          pltpu.SemaphoreType.DMA,
          pltpu.SemaphoreType.DMA,
          pltpu.SemaphoreType.DMA,
      ],
  )
  def _msg_kernel(hp_hbm, src_hbm, dst_hbm, z_hbm, out_hbm, src_v, dst_v,
                    rows0, rows1, acc_sh, sem0a, sem0b, sem1a, sem1b):
      c = lax.axis_index("c")
      s = lax.axis_index("s")
      w = c * NS + s
      pltpu.sync_copy(z_hbm, acc_sh.at[pl.ds(s * RPS, RPS)])
      pltpu.sync_copy(src_hbm.at[pl.ds(w * EPW, EPW)], src_v)
      pltpu.sync_copy(dst_hbm.at[w], dst_v)
      plsc.subcore_barrier()

      H = C // 2

      def _gather(i, buf, sa, sb):
          pltpu.async_copy(hp_hbm.at[src_v.at[pl.ds(i * C, H)]],
                           buf.at[pl.ds(0, H)], sa)
          pltpu.async_copy(hp_hbm.at[src_v.at[pl.ds(i * C + H, H)]],
                           buf.at[pl.ds(H, H)], sb)

      def _gwait(buf, sa, sb):
          pltpu.make_async_copy(hp_hbm.at[src_v.at[pl.ds(0, H)]],
                                buf.at[pl.ds(0, H)], sa).wait()
          pltpu.make_async_copy(hp_hbm.at[src_v.at[pl.ds(0, H)]],
                                buf.at[pl.ds(H, H)], sb).wait()

      _gather(0, rows0, sem0a, sem0b)

      def body(j, carry):
          i0 = 2 * j
          i1 = i0 + 1
          _gather(i1, rows1, sem1a, sem1b)
          _gwait(rows0, sem0a, sem0b)
          pltpu.sync_copy(rows0, acc_sh.at[dst_v.at[i0]], add=True)
          _gather(i0 + 2, rows0, sem0a, sem0b)
          _gwait(rows1, sem1a, sem1b)
          pltpu.sync_copy(rows1, acc_sh.at[dst_v.at[i1]], add=True)
          return carry

      lax.fori_loop(0, NCHUNK // 2, body, 0)
      _gwait(rows0, sem0a, sem0b)
      pltpu.sync_copy(rows0, acc_sh.at[dst_v.at[NCHUNK - 1]], add=True)
      plsc.subcore_barrier()
      pltpu.sync_copy(acc_sh.at[pl.ds(s * RPS, RPS)],
                      out_hbm.at[c, pl.ds(s * RPS, RPS)])


  return _msg_kernel


_msg128 = _make_msg_kernel(128, tc_tiling=False)
_msg64 = _make_msg_kernel(64, tc_tiling=False)



def _first_y_body(x_ref, w_ref, degp_ref, y_ref, gamma_ref, beta_ref,
                  tw1_ref, tb1_ref, tw2_ref, tb2_ref,
                  dinv_ref, up_ref, yemb_ref):
    deg = degp_ref[0, 0:N, 0:1] + degp_ref[1, 0:N, 0:1] + 1.0
    dinv = lax.rsqrt(deg)
    dinv_ref[...] = dinv
    u = jnp.dot(x_ref[...], w_ref[...], preferred_element_type=jnp.float32)
    up_ref[0:N, :] = dinv * u
    up_ref[N:NP, :] = jnp.zeros((NP - N, 128), jnp.float32)
    y = y_ref[...]
    mu = jnp.mean(y, axis=0, keepdims=True)
    var = jnp.mean((y - mu) * (y - mu), axis=0, keepdims=True)
    yn = (y - mu) / jnp.sqrt(var + 1e-5) * gamma_ref[...] + beta_ref[...]
    t = jnp.maximum(yn * tw1_ref[...] + tb1_ref[...], 0.0)
    t2 = jnp.dot(t, tw2_ref[...], preferred_element_type=jnp.float32)
    t2 = t2 + tb2_ref[...]
    nrm = jnp.sqrt(jnp.sum(t2 * t2, axis=1, keepdims=True))
    yemb_ref[...] = t2 / jnp.maximum(nrm, 1e-12)


def _mid_body(s_ref, up_ref, dinv_ref, b_ref, w_ref, out_ref):
    dinv = dinv_ref[...]
    z = dinv * (s_ref[0, 0:N] + s_ref[1, 0:N] + up_ref[0:N]) + b_ref[...]
    h = jnp.maximum(z, 0.0)
    u = jnp.dot(h, w_ref[...], preferred_element_type=jnp.float32)
    out_ref[0:N, :] = dinv * u
    out_ref[N:NP, :] = jnp.zeros((NP - N, u.shape[1]), jnp.float32)


def _last_body(s_ref, up_ref, dinv_ref, b_ref, out_ref):
    z = dinv_ref[...] * (s_ref[0, 0:N] + s_ref[1, 0:N] + up_ref[0:N])
    z = z + b_ref[...]
    nrm = jnp.sqrt(jnp.sum(z * z, axis=1, keepdims=True))
    out_ref[...] = z / jnp.maximum(nrm, 1e-12)


def _tc_call(body, out_shapes):
    return pl.pallas_call(body, out_shape=out_shapes)



def kernel(x, y, edge_index, W1, b1, W2, b2, W3, b3, gamma, beta,
           tW1, tb1, tW2, tb2):
    f32 = jnp.float32
    ones_dw = jnp.zeros((C, DW), f32).at[:, 0].set(1.0)
    zdw = jnp.zeros((RPS, DW), f32)
    z128 = jnp.zeros((RPS, 128), f32)

    e_src = edge_index[0]
    e_dst = edge_index[1].reshape(NW, NCHUNK, C)

    degp = _deg_kernel(e_dst, ones_dw, zdw)

    dinv, up1, y_emb = _tc_call(_first_y_body, (
        jax.ShapeDtypeStruct((N, 1), f32),
        jax.ShapeDtypeStruct((NP, 128), f32),
        jax.ShapeDtypeStruct((y.shape[0], 64), f32),
    ))(x, W1, degp, y, gamma.reshape(1, 1), beta.reshape(1, 1), tW1,
       tb1.reshape(1, -1), tW2, tb2.reshape(1, -1))

    s1 = _msg128(up1, e_src, e_dst, z128)
    up2 = _tc_call(_mid_body, jax.ShapeDtypeStruct((NP, 128), f32))(
        s1, up1, dinv, b1.reshape(1, -1), W2)

    s2 = _msg128(up2, e_src, e_dst, z128)
    up3 = _tc_call(_mid_body, jax.ShapeDtypeStruct((NP, 64), f32))(
        s2, up2, dinv, b2.reshape(1, -1), W3)

    z64 = jnp.zeros((RPS, 64), f32)
    s3 = _msg64(up3, e_src, e_dst, z64)
    x_emb = _tc_call(_last_body, jax.ShapeDtypeStruct((N, 64), f32))(
        s3, up3, dinv, b3.reshape(1, -1))

    return (x_emb, y_emb)

# --- scband reference (transcript-rebuilt; emitter-appended) ---
"""Pipeline reference for scband-gcn-11390253269678 (READ-ONLY COPY).

The authoritative reference and input builder live on the scoring server;
editing this copy changes nothing except your own understanding.
"""

import jax, jax.numpy as jnp
import numpy as np

N = 10000
E = 320000
D_FEAT = 128
HID = 128
OUT = 64
D_TGT = 1
B = 1024


def _glorot(key, shape):
    lim = np.sqrt(6.0 / (shape[0] + shape[1]))
    return jax.random.uniform(key, shape, jnp.float32, -lim, lim)


def setup_inputs(seed: int = 0):
    key = jax.random.key(seed)
    ks = jax.random.split(key, 12)
    x = jax.random.normal(ks[0], (N, D_FEAT), dtype=jnp.float32)
    y = jax.random.normal(ks[1], (B, D_TGT), dtype=jnp.float32)
    edge_index = jax.random.randint(ks[2], (2, E), 0, N, dtype=jnp.int32)
    return {
        "x": x,
        "y": y,
        "edge_index": edge_index,
        "W1": _glorot(ks[3], (D_FEAT, HID)), "b1": jnp.zeros((HID,), jnp.float32),
        "W2": _glorot(ks[4], (HID, HID)), "b2": jnp.zeros((HID,), jnp.float32),
        "W3": _glorot(ks[5], (HID, OUT)), "b3": jnp.zeros((OUT,), jnp.float32),
        "gamma": jnp.ones((D_TGT,), jnp.float32), "beta": jnp.zeros((D_TGT,), jnp.float32),
        "tW1": _glorot(ks[6], (D_TGT, HID)), "tb1": jnp.zeros((HID,), jnp.float32),
        "tW2": _glorot(ks[7], (HID, OUT)), "tb2": jnp.zeros((OUT,), jnp.float32),
    }


def _gcn_conv(xf, edge_index, W, b):
    # GCNConv: out = D^{-1/2} (A + I) D^{-1/2} X W + b (symmetric norm, self-loops)
    n = xf.shape[0]
    loop = jnp.arange(n, dtype=edge_index.dtype)
    src = jnp.concatenate([edge_index[0], loop])
    dst = jnp.concatenate([edge_index[1], loop])
    deg = jnp.zeros((n,), jnp.float32).at[dst].add(1.0)
    dinv = jnp.where(deg > 0, 1.0 / jnp.sqrt(deg), 0.0)
    norm = dinv[src] * dinv[dst]
    h = xf @ W
    msg = h[src] * norm[:, None]
    out = jnp.zeros((n, W.shape[1]), jnp.float32).at[dst].add(msg)
    return out + b


def _l2norm(v):
    nrm = jnp.sqrt(jnp.sum(v * v, axis=1, keepdims=True))
    return v / jnp.maximum(nrm, 1e-12)


def reference(x, y, edge_index, W1, b1, W2, b2, W3, b3, gamma, beta, tW1, tb1, tW2, tb2):
    # transform_feat: 3-layer GCN -> L2 normalize per node (global_mean_pool result is overwritten in original)
    h = jax.nn.relu(_gcn_conv(x, edge_index, W1, b1))
    h = jax.nn.relu(_gcn_conv(h, edge_index, W2, b2))
    h = _gcn_conv(h, edge_index, W3, b3)
    x_emb = _l2norm(h)
    # transform_targets: BatchNorm1d (train-mode batch stats) -> Linear -> ReLU -> (Dropout=identity in eval) -> Linear -> normalize
    mu = jnp.mean(y, axis=0, keepdims=True)
    var = jnp.var(y, axis=0, keepdims=True)
    yn = (y - mu) / jnp.sqrt(var + 1e-5) * gamma + beta
    t = jax.nn.relu(yn @ tW1 + tb1)
    t = t @ tW2 + tb2
    y_emb = _l2norm(t)
    return (x_emb, y_emb)

if __name__ == "__main__":
    import jax
    _d = setup_inputs()
    print(jax.jit(kernel)(*tuple(_d.values())))

</pallas_src>

<mosaic_0001>
#map = affine_map<(d0, d1) -> (0, 0, 0)>
#map1 = affine_map<(d0, d1) -> (0, 0)>
module attributes {stable_mosaic.version = 14 : i64} {
  func.func @_deg_kernel(%arg0: i32, %arg1: i32, %arg2: memref<32x125x80xi32, #tpu.memory_space<hbm>>, %arg3: memref<80x16xf32, #tpu.memory_space<hbm>>, %arg4: memref<640x16xf32, #tpu.memory_space<hbm>>, %arg5: memref<2x10240x16xf32, #tpu.memory_space<hbm>>, %arg6: memref<125x80xi32, #tpu.memory_space<vmem>>, %arg7: memref<80x16xf32, #tpu.memory_space<vmem>>, %arg8: memref<10240x16xf32, #tpu.memory_space<vmem_shared>>, %arg9: memref<!tpu.dma_semaphore, #tpu.memory_space<semaphore_mem>>) attributes {dimension_semantics = [#tpu.dimension_semantics<core_parallel>, #tpu.dimension_semantics<subcore_parallel>], iteration_bounds = array<i64: 2, 16>, scalar_prefetch = 0 : i64, scratch_operands = 4 : i64, tpu.core_type = #tpu.core_type<sc_vector_subcore>, window_params = [{transform_indices = #map}, {transform_indices = #map1}, {transform_indices = #map1}, {transform_indices = #map}]} {
    %mul3A = arith.constant 16 : i32
    %mul3A_0 = arith.muli %arg0, %mul3A : i32
    %add3A = arith.addi %mul3A_0, %arg1 : i32
    %mul3A_1 = arith.constant 640 : i32
    %mul3A_2 = arith.muli %arg1, %mul3A_1 : i32
    "tpu.region"() ({
      %run_scoped3A = tpu.sem_alloc : memref<!tpu.dma_semaphore, #tpu.memory_space<semaphore_mem>>
      %dma_start3A = arith.constant 0 : i32
      %dma_start3A_19 = tpu.memref_slice %arg8[%mul3A_2, %dma_start3A] : memref<10240x16xf32, #tpu.memory_space<vmem_shared>> -> memref<640x16xf32, #tpu.memory_space<vmem_shared>>
      tpu.enqueue_dma source(%arg4 : memref<640x16xf32, #tpu.memory_space<hbm>>) target(%dma_start3A_19 : memref<640x16xf32, #tpu.memory_space<vmem_shared>>) target_semaphore(%run_scoped3A : memref<!tpu.dma_semaphore, #tpu.memory_space<semaphore_mem>>)
      %dma_wait3A = arith.constant 0 : i32
      %dma_wait3A_20 = tpu.memref_slice %arg8[%mul3A_2, %dma_wait3A] : memref<10240x16xf32, #tpu.memory_space<vmem_shared>> -> memref<640x16xf32, #tpu.memory_space<vmem_shared>>
      tpu.wait_dma2 semaphore(%run_scoped3A : memref<!tpu.dma_semaphore, #tpu.memory_space<semaphore_mem>>) src(%arg4 : memref<640x16xf32, #tpu.memory_space<hbm>>) dst(%dma_wait3A_20 : memref<640x16xf32, #tpu.memory_space<vmem_shared>>)
      tpu.yield
    }) : () -> ()
    "tpu.region"() ({
      %run_scoped3A = tpu.sem_alloc : memref<!tpu.dma_semaphore, #tpu.memory_space<semaphore_mem>>
      tpu.enqueue_dma source(%arg3 : memref<80x16xf32, #tpu.memory_space<hbm>>) target(%arg7 : memref<80x16xf32, #tpu.memory_space<vmem>>) target_semaphore(%run_scoped3A : memref<!tpu.dma_semaphore, #tpu.memory_space<semaphore_mem>>)
      tpu.wait_dma2 semaphore(%run_scoped3A : memref<!tpu.dma_semaphore, #tpu.memory_space<semaphore_mem>>) src(%arg3 : memref<80x16xf32, #tpu.memory_space<hbm>>) dst(%arg7 : memref<80x16xf32, #tpu.memory_space<vmem>>)
      tpu.yield
    }) : () -> ()
    "tpu.region"() ({
      %run_scoped3A = tpu.sem_alloc : memref<!tpu.dma_semaphore, #tpu.memory_space<semaphore_mem>>
      %dma_start3A = arith.constant 0 : i32
      %dma_start3A_19 = arith.constant 0 : i32
      %dma_start3A_20 = tpu.memref_slice %arg2[%add3A, %dma_start3A, %dma_start3A_19] : memref<32x125x80xi32, #tpu.memory_space<hbm>> -> memref<1x125x80xi32, #tpu.memory_space<hbm>>
      %dma_start3A_21 = tpu.memref_squeeze %dma_start3A_20 : memref<1x125x80xi32, #tpu.memory_space<hbm>> -> memref<125x80xi32, #tpu.memory_space<hbm>>
      %dma_start3A_22 = arith.constant 0 : i32
      %dma_start3A_23 = arith.constant 0 : i32
      %dma_start3A_24 = tpu.memref_slice %arg2[%add3A, %dma_start3A_22, %dma_start3A_23] : memref<32x125x80xi32, #tpu.memory_space<hbm>> -> memref<1x125x80xi32, #tpu.memory_space<hbm>>
      %dma_start3A_25 = tpu.memref_squeeze %dma_start3A_24 : memref<1x125x80xi32, #tpu.memory_space<hbm>> -> memref<125x80xi32, #tpu.memory_space<hbm>>
      tpu.enqueue_dma source(%dma_start3A_25 : memref<125x80xi32, #tpu.memory_space<hbm>>) target(%arg6 : memref<125x80xi32, #tpu.memory_space<vmem>>) target_semaphore(%run_scoped3A : memref<!tpu.dma_semaphore, #tpu.memory_space<semaphore_mem>>)
      %dma_wait3A = arith.constant 0 : i32
      %dma_wait3A_26 = arith.constant 0 : i32
      %dma_wait3A_27 = tpu.memref_slice %arg2[%add3A, %dma_wait3A, %dma_wait3A_26] : memref<32x125x80xi32, #tpu.memory_space<hbm>> -> memref<1x125x80xi32, #tpu.memory_space<hbm>>
      %dma_wait3A_28 = tpu.memref_squeeze %dma_wait3A_27 : memref<1x125x80xi32, #tpu.memory_space<hbm>> -> memref<125x80xi32, #tpu.memory_space<hbm>>
      %dma_wait3A_29 = arith.constant 0 : i32
      %dma_wait3A_30 = arith.constant 0 : i32
      %dma_wait3A_31 = tpu.memref_slice %arg2[%add3A, %dma_wait3A_29, %dma_wait3A_30] : memref<32x125x80xi32, #tpu.memory_space<hbm>> -> memref<1x125x80xi32, #tpu.memory_space<hbm>>
      %dma_wait3A_32 = tpu.memref_squeeze %dma_wait3A_31 : memref<1x125x80xi32, #tpu.memory_space<hbm>> -> memref<125x80xi32, #tpu.memory_space<hbm>>
      tpu.wait_dma2 semaphore(%run_scoped3A : memref<!tpu.dma_semaphore, #tpu.memory_space<semaphore_mem>>) src(%dma_wait3A_32 : memref<125x80xi32, #tpu.memory_space<hbm>>) dst(%arg6 : memref<125x80xi32, #tpu.memory_space<vmem>>)
      tpu.yield
    }) : () -> ()
    %barrier3A = arith.constant 0 : index
    tpu.barrier barrier_id(%barrier3A)
    %scan3A = arith.constant 0 : i32
    %scan3A_3 = arith.constant 0 : i32
    %scan3A_4 = arith.constant 125 : i32
    %scan3A_5 = arith.addi %scan3A_3, %scan3A_4 : i32
    %scan3A_6 = arith.constant 1 : i32
    scf.for %scan3A_19 = %scan3A_3 to %scan3A_5 step %scan3A_6  : i32 {
      %dma_start3A = arith.constant 0 : i32
      %dma_start3A_20 = tpu.memref_slice %arg6[%scan3A_19, %dma_start3A] : memref<125x80xi32, #tpu.memory_space<vmem>> -> memref<1x80xi32, #tpu.memory_space<vmem>>
      %dma_start3A_21 = tpu.memref_squeeze %dma_start3A_20 : memref<1x80xi32, #tpu.memory_space<vmem>> -> memref<80xi32, #tpu.memory_space<vmem>>
      %dma_start3A_22 = arith.constant 0 : i32
      %dma_start3A_23 = arith.constant 0 : i32
      %dma_start3A_24 = tpu.memref_slice %arg8[%dma_start3A_22, %dma_start3A_23] : memref<10240x16xf32, #tpu.memory_space<vmem_shared>> -> memref<10240x16xf32, #tpu.memory_space<vmem_shared>>
      tpu.enqueue_indirect_dma source(%arg7 : memref<80x16xf32, #tpu.memory_space<vmem>>) target(%dma_start3A_24 : memref<10240x16xf32, #tpu.memory_space<vmem_shared>>) offsets(%dma_start3A_21 : memref<80xi32, #tpu.memory_space<vmem>>) semaphore(%arg9 : memref<!tpu.dma_semaphore, #tpu.memory_space<semaphore_mem>>) {add = true}
    }
    %scan3A_7 = arith.constant 125 : i32
    %scan3A_8 = arith.constant 0 : i32
    %scan3A_9 = arith.constant 0 : i32
    %scan3A_10 = arith.constant 125 : i32
    %scan3A_11 = arith.addi %scan3A_9, %scan3A_10 : i32
    %scan3A_12 = arith.constant 1 : i32
    scf.for %scan3A_19 = %scan3A_9 to %scan3A_11 step %scan3A_12  : i32 {
      %dma_wait3A = arith.constant 0 : i32
      %dma_wait3A_20 = arith.constant 0 : i32
      %dma_wait3A_21 = tpu.memref_slice %arg6[%dma_wait3A, %dma_wait3A_20] : memref<125x80xi32, #tpu.memory_space<vmem>> -> memref<1x80xi32, #tpu.memory_space<vmem>>
      %dma_wait3A_22 = tpu.memref_squeeze %dma_wait3A_21 : memref<1x80xi32, #tpu.memory_space<vmem>> -> memref<80xi32, #tpu.memory_space<vmem>>
      %dma_wait3A_23 = arith.constant 0 : i32
      %dma_wait3A_24 = arith.constant 0 : i32
      %dma_wait3A_25 = tpu.memref_slice %arg8[%dma_wait3A_23, %dma_wait3A_24] : memref<10240x16xf32, #tpu.memory_space<vmem_shared>> -> memref<10240x16xf32, #tpu.memory_space<vmem_shared>>
      tpu.wait_indirect_dma semaphore(%arg9 : memref<!tpu.dma_semaphore, #tpu.memory_space<semaphore_mem>>) src(%arg7 : memref<80x16xf32, #tpu.memory_space<vmem>>) dst(%dma_wait3A_25 : memref<10240x16xf32, #tpu.memory_space<vmem_shared>>)
    }
    %scan3A_13 = arith.constant 125 : i32
    %barrier3A_14 = arith.constant 0 : index
    tpu.barrier barrier_id(%barrier3A_14)
    %mul3A_15 = arith.constant 640 : i32
    %mul3A_16 = arith.muli %arg1, %mul3A_15 : i32
    %mul3A_17 = arith.constant 640 : i32
    %mul3A_18 = arith.muli %arg1, %mul3A_17 : i32
    "tpu.region"() ({
      %run_scoped3A = tpu.sem_alloc : memref<!tpu.dma_semaphore, #tpu.memory_space<semaphore_mem>>
      %dma_start3A = arith.constant 0 : i32
      %dma_start3A_19 = tpu.memref_slice %arg5[%arg0, %mul3A_18, %dma_start3A] : memref<2x10240x16xf32, #tpu.memory_space<hbm>> -> memref<1x640x16xf32, #tpu.memory_space<hbm>>
      %dma_start3A_20 = tpu.memref_squeeze %dma_start3A_19 : memref<1x640x16xf32, #tpu.memory_space<hbm>> -> memref<640x16xf32, #tpu.memory_space<hbm>>
      %dma_start3A_21 = arith.constant 0 : i32
      %dma_start3A_22 = tpu.memref_slice %arg8[%mul3A_16, %dma_start3A_21] : memref<10240x16xf32, #tpu.memory_space<vmem_shared>> -> memref<640x16xf32, #tpu.memory_space<vmem_shared>>
      tpu.enqueue_dma source(%dma_start3A_22 : memref<640x16xf32, #tpu.memory_space<vmem_shared>>) target(%dma_start3A_20 : memref<640x16xf32, #tpu.memory_space<hbm>>) target_semaphore(%run_scoped3A : memref<!tpu.dma_semaphore, #tpu.memory_space<semaphore_mem>>)
      %dma_wait3A = arith.constant 0 : i32
      %dma_wait3A_23 = tpu.memref_slice %arg5[%arg0, %mul3A_18, %dma_wait3A] : memref<2x10240x16xf32, #tpu.memory_space<hbm>> -> memref<1x640x16xf32, #tpu.memory_space<hbm>>
      %dma_wait3A_24 = tpu.memref_squeeze %dma_wait3A_23 : memref<1x640x16xf32, #tpu.memory_space<hbm>> -> memref<640x16xf32, #tpu.memory_space<hbm>>
      %dma_wait3A_25 = arith.constant 0 : i32
      %dma_wait3A_26 = tpu.memref_slice %arg8[%mul3A_16, %dma_wait3A_25] : memref<10240x16xf32, #tpu.memory_space<vmem_shared>> -> memref<640x16xf32, #tpu.memory_space<vmem_shared>>
      tpu.wait_dma2 semaphore(%run_scoped3A : memref<!tpu.dma_semaphore, #tpu.memory_space<semaphore_mem>>) src(%dma_wait3A_26 : memref<640x16xf32, #tpu.memory_space<vmem_shared>>) dst(%dma_wait3A_24 : memref<640x16xf32, #tpu.memory_space<hbm>>)
      tpu.yield
    }) : () -> ()
    return
  }
}

#map = affine_map<(d0, d1) -> (0, 0)>
#map1 = affine_map<(d0, d1) -> (0)>
#map2 = affine_map<(d0, d1) -> (0, 0, 0)>
module attributes {stable_mosaic.version = 14 : i64} {
  func.func @_msg_kernel(%arg0: i32, %arg1: i32, %arg2: memref<10240x128xf32, #tpu.memory_space<hbm>>, %arg3: memref<320000xi32, #tpu.memory_space<hbm>>, %arg4: memref<32x125x80xi32, #tpu.memory_space<hbm>>, %arg5: memref<640x128xf32, #tpu.memory_space<hbm>>, %arg6: memref<2x10240x128xf32, #tpu.memory_space<hbm>>, %arg7: memref<10000xi32, #tpu.memory_space<vmem>>, %arg8: memref<125x80xi32, #tpu.memory_space<vmem>>, %arg9: memref<80x128xf32, #tpu.memory_space<vmem>>, %arg10: memref<80x128xf32, #tpu.memory_space<vmem>>, %arg11: memref<10240x128xf32, #tpu.memory_space<vmem_shared>>, %arg12: memref<!tpu.dma_semaphore, #tpu.memory_space<semaphore_mem>>, %arg13: memref<!tpu.dma_semaphore, #tpu.memory_space<semaphore_mem>>, %arg14: memref<!tpu.dma_semaphore, #tpu.memory_space<semaphore_mem>>, %arg15: memref<!tpu.dma_semaphore, #tpu.memory_space<semaphore_mem>>) attributes {dimension_semantics = [#tpu.dimension_semantics<core_parallel>, #tpu.dimension_semantics<subcore_parallel>], iteration_bounds = array<i64: 2, 16>, scalar_prefetch = 0 : i64, scratch_operands = 9 : i64, tpu.core_type = #tpu.core_type<sc_vector_subcore>, window_params = [{transform_indices = #map}, {transform_indices = #map1}, {transform_indices = #map2}, {transform_indices = #map}, {transform_indices = #map2}]} {
    %mul3A = arith.constant 16 : i32
    %mul3A_0 = arith.muli %arg0, %mul3A : i32
    %add3A = arith.addi %mul3A_0, %arg1 : i32
    %mul3A_1 = arith.constant 640 : i32
    %mul3A_2 = arith.muli %arg1, %mul3A_1 : i32
    "tpu.region"() ({
      %run_scoped3A_45 = tpu.sem_alloc : memref<!tpu.dma_semaphore, #tpu.memory_space<semaphore_mem>>
      %dma_start3A_46 = arith.constant 0 : i32
      %dma_start3A_47 = tpu.memref_slice %arg11[%mul3A_2, %dma_start3A_46] : memref<10240x128xf32, #tpu.memory_space<vmem_shared>> -> memref<640x128xf32, #tpu.memory_space<vmem_shared>>
      tpu.enqueue_dma source(%arg5 : memref<640x128xf32, #tpu.memory_space<hbm>>) target(%dma_start3A_47 : memref<640x128xf32, #tpu.memory_space<vmem_shared>>) target_semaphore(%run_scoped3A_45 : memref<!tpu.dma_semaphore, #tpu.memory_space<semaphore_mem>>)
      %dma_wait3A_48 = arith.constant 0 : i32
      %dma_wait3A_49 = tpu.memref_slice %arg11[%mul3A_2, %dma_wait3A_48] : memref<10240x128xf32, #tpu.memory_space<vmem_shared>> -> memref<640x128xf32, #tpu.memory_space<vmem_shared>>
      tpu.wait_dma2 semaphore(%run_scoped3A_45 : memref<!tpu.dma_semaphore, #tpu.memory_space<semaphore_mem>>) src(%arg5 : memref<640x128xf32, #tpu.memory_space<hbm>>) dst(%dma_wait3A_49 : memref<640x128xf32, #tpu.memory_space<vmem_shared>>)
      tpu.yield
    }) : () -> ()
    %mul3A_3 = arith.constant 10000 : i32
    %mul3A_4 = arith.muli %add3A, %mul3A_3 : i32
    "tpu.region"() ({
      %run_scoped3A_45 = tpu.sem_alloc : memref<!tpu.dma_semaphore, #tpu.memory_space<semaphore_mem>>
      %dma_start3A_46 = tpu.memref_slice %arg3[%mul3A_4] : memref<320000xi32, #tpu.memory_space<hbm>> -> memref<10000xi32, #tpu.memory_space<hbm>>
      %dma_start3A_47 = tpu.memref_slice %arg3[%mul3A_4] : memref<320000xi32, #tpu.memory_space<hbm>> -> memref<10000xi32, #tpu.memory_space<hbm>>
      tpu.enqueue_dma source(%dma_start3A_47 : memref<10000xi32, #tpu.memory_space<hbm>>) target(%arg7 : memref<10000xi32, #tpu.memory_space<vmem>>) target_semaphore(%run_scoped3A_45 : memref<!tpu.dma_semaphore, #tpu.memory_space<semaphore_mem>>)
      %dma_wait3A_48 = tpu.memref_slice %arg3[%mul3A_4] : memref<320000xi32, #tpu.memory_space<hbm>> -> memref<10000xi32, #tpu.memory_space<hbm>>
      %dma_wait3A_49 = tpu.memref_slice %arg3[%mul3A_4] : memref<320000xi32, #tpu.memory_space<hbm>> -> memref<10000xi32, #tpu.memory_space<hbm>>
      tpu.wait_dma2 semaphore(%run_scoped3A_45 : memref<!tpu.dma_semaphore, #tpu.memory_space<semaphore_mem>>) src(%dma_wait3A_49 : memref<10000xi32, #tpu.memory_space<hbm>>) dst(%arg7 : memref<10000xi32, #tpu.memory_space<vmem>>)
      tpu.yield
    }) : () -> ()
    "tpu.region"() ({
      %run_scoped3A_45 = tpu.sem_alloc : memref<!tpu.dma_semaphore, #tpu.memory_space<semaphore_mem>>
      %dma_start3A_46 = arith.constant 0 : i32
      %dma_start3A_47 = arith.constant 0 : i32
      %dma_start3A_48 = tpu.memref_slice %arg4[%add3A, %dma_start3A_46, %dma_start3A_47] : memref<32x125x80xi32, #tpu.memory_space<hbm>> -> memref<1x125x80xi32, #tpu.memory_space<hbm>>
      %dma_start3A_49 = tpu.memref_squeeze %dma_start3A_48 : memref<1x125x80xi32, #tpu.memory_space<hbm>> -> memref<125x80xi32, #tpu.memory_space<hbm>>
      %dma_start3A_50 = arith.constant 0 : i32
      %dma_start3A_51 = arith.constant 0 : i32
      %dma_start3A_52 = tpu.memref_slice %arg4[%add3A, %dma_start3A_50, %dma_start3A_51] : memref<32x125x80xi32, #tpu.memory_space<hbm>> -> memref<1x125x80xi32, #tpu.memory_space<hbm>>
      %dma_start3A_53 = tpu.memref_squeeze %dma_start3A_52 : memref<1x125x80xi32, #tpu.memory_space<hbm>> -> memref<125x80xi32, #tpu.memory_space<hbm>>
      tpu.enqueue_dma source(%dma_start3A_53 : memref<125x80xi32, #tpu.memory_space<hbm>>) target(%arg8 : memref<125x80xi32, #tpu.memory_space<vmem>>) target_semaphore(%run_scoped3A_45 : memref<!tpu.dma_semaphore, #tpu.memory_space<semaphore_mem>>)
      %dma_wait3A_54 = arith.constant 0 : i32
      %dma_wait3A_55 = arith.constant 0 : i32
      %dma_wait3A_56 = tpu.memref_slice %arg4[%add3A, %dma_wait3A_54, %dma_wait3A_55] : memref<32x125x80xi32, #tpu.memory_space<hbm>> -> memref<1x125x80xi32, #tpu.memory_space<hbm>>
      %dma_wait3A_57 = tpu.memref_squeeze %dma_wait3A_56 : memref<1x125x80xi32, #tpu.memory_space<hbm>> -> memref<125x80xi32, #tpu.memory_space<hbm>>
      %dma_wait3A_58 = arith.constant 0 : i32
      %dma_wait3A_59 = arith.constant 0 : i32
      %dma_wait3A_60 = tpu.memref_slice %arg4[%add3A, %dma_wait3A_58, %dma_wait3A_59] : memref<32x125x80xi32, #tpu.memory_space<hbm>> -> memref<1x125x80xi32, #tpu.memory_space<hbm>>
      %dma_wait3A_61 = tpu.memref_squeeze %dma_wait3A_60 : memref<1x125x80xi32, #tpu.memory_space<hbm>> -> memref<125x80xi32, #tpu.memory_space<hbm>>
      tpu.wait_dma2 semaphore(%run_scoped3A_45 : memref<!tpu.dma_semaphore, #tpu.memory_space<semaphore_mem>>) src(%dma_wait3A_61 : memref<125x80xi32, #tpu.memory_space<hbm>>) dst(%arg8 : memref<125x80xi32, #tpu.memory_space<vmem>>)
      tpu.yield
    }) : () -> ()
    %barrier3A = arith.constant 0 : index
    tpu.barrier barrier_id(%barrier3A)
    %dma_start3A = arith.constant 0 : i32
    %dma_start3A_5 = arith.constant 0 : i32
    %dma_start3A_6 = tpu.memref_slice %arg9[%dma_start3A, %dma_start3A_5] : memref<80x128xf32, #tpu.memory_space<vmem>> -> memref<40x128xf32, #tpu.memory_space<vmem>>
    %dma_start3A_7 = arith.constant 0 : i32
    %dma_start3A_8 = tpu.memref_slice %arg7[%dma_start3A_7] : memref<10000xi32, #tpu.memory_space<vmem>> -> memref<40xi32, #tpu.memory_space<vmem>>
    %dma_start3A_9 = arith.constant 0 : i32
    %dma_start3A_10 = arith.constant 0 : i32
    %dma_start3A_11 = tpu.memref_slice %arg2[%dma_start3A_9, %dma_start3A_10] : memref<10240x128xf32, #tpu.memory_space<hbm>> -> memref<10240x128xf32, #tpu.memory_space<hbm>>
    tpu.enqueue_indirect_dma source(%dma_start3A_11 : memref<10240x128xf32, #tpu.memory_space<hbm>>) target(%dma_start3A_6 : memref<40x128xf32, #tpu.memory_space<vmem>>) offsets(%dma_start3A_8 : memref<40xi32, #tpu.memory_space<vmem>>) semaphore(%arg12 : memref<!tpu.dma_semaphore, #tpu.memory_space<semaphore_mem>>)
    %dma_start3A_12 = arith.constant 40 : i32
    %dma_start3A_13 = arith.constant 0 : i32
    %dma_start3A_14 = tpu.memref_slice %arg9[%dma_start3A_12, %dma_start3A_13] : memref<80x128xf32, #tpu.memory_space<vmem>> -> memref<40x128xf32, #tpu.memory_space<vmem>>
    %dma_start3A_15 = arith.constant 40 : i32
    %dma_start3A_16 = tpu.memref_slice %arg7[%dma_start3A_15] : memref<10000xi32, #tpu.memory_space<vmem>> -> memref<40xi32, #tpu.memory_space<vmem>>
    %dma_start3A_17 = arith.constant 0 : i32
    %dma_start3A_18 = arith.constant 0 : i32
    %dma_start3A_19 = tpu.memref_slice %arg2[%dma_start3A_17, %dma_start3A_18] : memref<10240x128xf32, #tpu.memory_space<hbm>> -> memref<10240x128xf32, #tpu.memory_space<hbm>>
    tpu.enqueue_indirect_dma source(%dma_start3A_19 : memref<10240x128xf32, #tpu.memory_space<hbm>>) target(%dma_start3A_14 : memref<40x128xf32, #tpu.memory_space<vmem>>) offsets(%dma_start3A_16 : memref<40xi32, #tpu.memory_space<vmem>>) semaphore(%arg13 : memref<!tpu.dma_semaphore, #tpu.memory_space<semaphore_mem>>)
    %scan3A = arith.constant 0 : i32
    %scan3A_20 = arith.constant 0 : i32
    %scan3A_21 = arith.constant 62 : i32
    %scan3A_22 = arith.addi %scan3A_20, %scan3A_21 : i32
    %scan3A_23 = arith.constant 1 : i32
    scf.for %scan3A_45 = %scan3A_20 to %scan3A_22 step %scan3A_23  : i32 {
      %mul3A_46 = arith.constant 2 : i32
      %mul3A_47 = arith.muli %mul3A_46, %scan3A_45 : i32
      %add3A_48 = arith.constant 1 : i32
      %add3A_49 = arith.addi %mul3A_47, %add3A_48 : i32
      %mul3A_50 = arith.constant 80 : i32
      %mul3A_51 = arith.muli %add3A_49, %mul3A_50 : i32
      %dma_start3A_52 = arith.constant 0 : i32
      %dma_start3A_53 = arith.constant 0 : i32
      %dma_start3A_54 = tpu.memref_slice %arg10[%dma_start3A_52, %dma_start3A_53] : memref<80x128xf32, #tpu.memory_space<vmem>> -> memref<40x128xf32, #tpu.memory_space<vmem>>
      %dma_start3A_55 = tpu.memref_slice %arg7[%mul3A_51] : memref<10000xi32, #tpu.memory_space<vmem>> -> memref<40xi32, #tpu.memory_space<vmem>>
      %dma_start3A_56 = arith.constant 0 : i32
      %dma_start3A_57 = arith.constant 0 : i32
      %dma_start3A_58 = tpu.memref_slice %arg2[%dma_start3A_56, %dma_start3A_57] : memref<10240x128xf32, #tpu.memory_space<hbm>> -> memref<10240x128xf32, #tpu.memory_space<hbm>>
      tpu.enqueue_indirect_dma source(%dma_start3A_58 : memref<10240x128xf32, #tpu.memory_space<hbm>>) target(%dma_start3A_54 : memref<40x128xf32, #tpu.memory_space<vmem>>) offsets(%dma_start3A_55 : memref<40xi32, #tpu.memory_space<vmem>>) semaphore(%arg14 : memref<!tpu.dma_semaphore, #tpu.memory_space<semaphore_mem>>)
      %mul3A_59 = arith.constant 80 : i32
      %mul3A_60 = arith.muli %add3A_49, %mul3A_59 : i32
      %add3A_61 = arith.constant 40 : i32
      %add3A_62 = arith.addi %mul3A_60, %add3A_61 : i32
      %dma_start3A_63 = arith.constant 40 : i32
      %dma_start3A_64 = arith.constant 0 : i32
      %dma_start3A_65 = tpu.memref_slice %arg10[%dma_start3A_63, %dma_start3A_64] : memref<80x128xf32, #tpu.memory_space<vmem>> -> memref<40x128xf32, #tpu.memory_space<vmem>>
      %dma_start3A_66 = tpu.memref_slice %arg7[%add3A_62] : memref<10000xi32, #tpu.memory_space<vmem>> -> memref<40xi32, #tpu.memory_space<vmem>>
      %dma_start3A_67 = arith.constant 0 : i32
      %dma_start3A_68 = arith.constant 0 : i32
      %dma_start3A_69 = tpu.memref_slice %arg2[%dma_start3A_67, %dma_start3A_68] : memref<10240x128xf32, #tpu.memory_space<hbm>> -> memref<10240x128xf32, #tpu.memory_space<hbm>>
      tpu.enqueue_indirect_dma source(%dma_start3A_69 : memref<10240x128xf32, #tpu.memory_space<hbm>>) target(%dma_start3A_65 : memref<40x128xf32, #tpu.memory_space<vmem>>) offsets(%dma_start3A_66 : memref<40xi32, #tpu.memory_space<vmem>>) semaphore(%arg15 : memref<!tpu.dma_semaphore, #tpu.memory_space<semaphore_mem>>)
      %dma_wait3A_70 = arith.constant 0 : i32
      %dma_wait3A_71 = arith.constant 0 : i32
      %dma_wait3A_72 = tpu.memref_slice %arg9[%dma_wait3A_70, %dma_wait3A_71] : memref<80x128xf32, #tpu.memory_space<vmem>> -> memref<40x128xf32, #tpu.memory_space<vmem>>
      %dma_wait3A_73 = arith.constant 0 : i32
      %dma_wait3A_74 = tpu.memref_slice %arg7[%dma_wait3A_73] : memref<10000xi32, #tpu.memory_space<vmem>> -> memref<40xi32, #tpu.memory_space<vmem>>
      %dma_wait3A_75 = arith.constant 0 : i32
      %dma_wait3A_76 = arith.constant 0 : i32
      %dma_wait3A_77 = tpu.memref_slice %arg2[%dma_wait3A_75, %dma_wait3A_76] : memref<10240x128xf32, #tpu.memory_space<hbm>> -> memref<10240x128xf32, #tpu.memory_space<hbm>>
      tpu.wait_indirect_dma semaphore(%arg12 : memref<!tpu.dma_semaphore, #tpu.memory_space<semaphore_mem>>) src(%dma_wait3A_77 : memref<10240x128xf32, #tpu.memory_space<hbm>>) dst(%dma_wait3A_72 : memref<40x128xf32, #tpu.memory_space<vmem>>)
      %dma_wait3A_78 = arith.constant 40 : i32
      %dma_wait3A_79 = arith.constant 0 : i32
      %dma_wait3A_80 = tpu.memref_slice %arg9[%dma_wait3A_78, %dma_wait3A_79] : memref<80x128xf32, #tpu.memory_space<vmem>> -> memref<40x128xf32, #tpu.memory_space<vmem>>
      %dma_wait3A_81 = arith.constant 0 : i32
      %dma_wait3A_82 = tpu.memref_slice %arg7[%dma_wait3A_81] : memref<10000xi32, #tpu.memory_space<vmem>> -> memref<40xi32, #tpu.memory_space<vmem>>
      %dma_wait3A_83 = arith.constant 0 : i32
      %dma_wait3A_84 = arith.constant 0 : i32
      %dma_wait3A_85 = tpu.memref_slice %arg2[%dma_wait3A_83, %dma_wait3A_84] : memref<10240x128xf32, #tpu.memory_space<hbm>> -> memref<10240x128xf32, #tpu.memory_space<hbm>>
      tpu.wait_indirect_dma semaphore(%arg13 : memref<!tpu.dma_semaphore, #tpu.memory_space<semaphore_mem>>) src(%dma_wait3A_85 : memref<10240x128xf32, #tpu.memory_space<hbm>>) dst(%dma_wait3A_80 : memref<40x128xf32, #tpu.memory_space<vmem>>)
      "tpu.region"() ({
        %run_scoped3A_124 = tpu.sem_alloc : memref<!tpu.dma_semaphore, #tpu.memory_space<semaphore_mem>>
        %dma_start3A_125 = arith.constant 0 : i32
        %dma_start3A_126 = tpu.memref_slice %arg8[%mul3A_47, %dma_start3A_125] : memref<125x80xi32, #tpu.memory_space<vmem>> -> memref<1x80xi32, #tpu.memory_space<vmem>>
        %dma_start3A_127 = tpu.memref_squeeze %dma_start3A_126 : memref<1x80xi32, #tpu.memory_space<vmem>> -> memref<80xi32, #tpu.memory_space<vmem>>
        %dma_start3A_128 = arith.constant 0 : i32
        %dma_start3A_129 = arith.constant 0 : i32
        %dma_start3A_130 = tpu.memref_slice %arg11[%dma_start3A_128, %dma_start3A_129] : memref<10240x128xf32, #tpu.memory_space<vmem_shared>> -> memref<10240x128xf32, #tpu.memory_space<vmem_shared>>
        tpu.enqueue_indirect_dma source(%arg9 : memref<80x128xf32, #tpu.memory_space<vmem>>) target(%dma_start3A_130 : memref<10240x128xf32, #tpu.memory_space<vmem_shared>>) offsets(%dma_start3A_127 : memref<80xi32, #tpu.memory_space<vmem>>) semaphore(%run_scoped3A_124 : memref<!tpu.dma_semaphore, #tpu.memory_space<semaphore_mem>>) {add = true}
        %dma_wait3A_131 = arith.constant 0 : i32
        %dma_wait3A_132 = tpu.memref_slice %arg8[%mul3A_47, %dma_wait3A_131] : memref<125x80xi32, #tpu.memory_space<vmem>> -> memref<1x80xi32, #tpu.memory_space<vmem>>
        %dma_wait3A_133 = tpu.memref_squeeze %dma_wait3A_132 : memref<1x80xi32, #tpu.memory_space<vmem>> -> memref<80xi32, #tpu.memory_space<vmem>>
        %dma_wait3A_134 = arith.constant 0 : i32
        %dma_wait3A_135 = arith.constant 0 : i32
        %dma_wait3A_136 = tpu.memref_slice %arg11[%dma_wait3A_134, %dma_wait3A_135] : memref<10240x128xf32, #tpu.memory_space<vmem_shared>> -> memref<10240x128xf32, #tpu.memory_space<vmem_shared>>
        tpu.wait_indirect_dma semaphore(%run_scoped3A_124 : memref<!tpu.dma_semaphore, #tpu.memory_space<semaphore_mem>>) src(%arg9 : memref<80x128xf32, #tpu.memory_space<vmem>>) dst(%dma_wait3A_136 : memref<10240x128xf32, #tpu.memory_space<vmem_shared>>)
        tpu.yield
      }) : () -> ()
      %add3A_86 = arith.constant 2 : i32
      %add3A_87 = arith.addi %mul3A_47, %add3A_86 : i32
      %mul3A_88 = arith.constant 80 : i32
      %mul3A_89 = arith.muli %add3A_87, %mul3A_88 : i32
      %dma_start3A_90 = arith.constant 0 : i32
      %dma_start3A_91 = arith.constant 0 : i32
      %dma_start3A_92 = tpu.memref_slice %arg9[%dma_start3A_90, %dma_start3A_91] : memref<80x128xf32, #tpu.memory_space<vmem>> -> memref<40x128xf32, #tpu.memory_space<vmem>>
      %dma_start3A_93 = tpu.memref_slice %arg7[%mul3A_89] : memref<10000xi32, #tpu.memory_space<vmem>> -> memref<40xi32, #tpu.memory_space<vmem>>
      %dma_start3A_94 = arith.constant 0 : i32
      %dma_start3A_95 = arith.constant 0 : i32
      %dma_start3A_96 = tpu.memref_slice %arg2[%dma_start3A_94, %dma_start3A_95] : memref<10240x128xf32, #tpu.memory_space<hbm>> -> memref<10240x128xf32, #tpu.memory_space<hbm>>
      tpu.enqueue_indirect_dma source(%dma_start3A_96 : memref<10240x128xf32, #tpu.memory_space<hbm>>) target(%dma_start3A_92 : memref<40x128xf32, #tpu.memory_space<vmem>>) offsets(%dma_start3A_93 : memref<40xi32, #tpu.memory_space<vmem>>) semaphore(%arg12 : memref<!tpu.dma_semaphore, #tpu.memory_space<semaphore_mem>>)
      %mul3A_97 = arith.constant 80 : i32
      %mul3A_98 = arith.muli %add3A_87, %mul3A_97 : i32
      %add3A_99 = arith.constant 40 : i32
      %add3A_100 = arith.addi %mul3A_98, %add3A_99 : i32
      %dma_start3A_101 = arith.constant 40 : i32
      %dma_start3A_102 = arith.constant 0 : i32
      %dma_start3A_103 = tpu.memref_slice %arg9[%dma_start3A_101, %dma_start3A_102] : memref<80x128xf32, #tpu.memory_space<vmem>> -> memref<40x128xf32, #tpu.memory_space<vmem>>
      %dma_start3A_104 = tpu.memref_slice %arg7[%add3A_100] : memref<10000xi32, #tpu.memory_space<vmem>> -> memref<40xi32, #tpu.memory_space<vmem>>
      %dma_start3A_105 = arith.constant 0 : i32
      %dma_start3A_106 = arith.constant 0 : i32
      %dma_start3A_107 = tpu.memref_slice %arg2[%dma_start3A_105, %dma_start3A_106] : memref<10240x128xf32, #tpu.memory_space<hbm>> -> memref<10240x128xf32, #tpu.memory_space<hbm>>
      tpu.enqueue_indirect_dma source(%dma_start3A_107 : memref<10240x128xf32, #tpu.memory_space<hbm>>) target(%dma_start3A_103 : memref<40x128xf32, #tpu.memory_space<vmem>>) offsets(%dma_start3A_104 : memref<40xi32, #tpu.memory_space<vmem>>) semaphore(%arg13 : memref<!tpu.dma_semaphore, #tpu.memory_space<semaphore_mem>>)
      %dma_wait3A_108 = arith.constant 0 : i32
      %dma_wait3A_109 = arith.constant 0 : i32
      %dma_wait3A_110 = tpu.memref_slice %arg10[%dma_wait3A_108, %dma_wait3A_109] : memref<80x128xf32, #tpu.memory_space<vmem>> -> memref<40x128xf32, #tpu.memory_space<vmem>>
      %dma_wait3A_111 = arith.constant 0 : i32
      %dma_wait3A_112 = tpu.memref_slice %arg7[%dma_wait3A_111] : memref<10000xi32, #tpu.memory_space<vmem>> -> memref<40xi32, #tpu.memory_space<vmem>>
      %dma_wait3A_113 = arith.constant 0 : i32
      %dma_wait3A_114 = arith.constant 0 : i32
      %dma_wait3A_115 = tpu.memref_slice %arg2[%dma_wait3A_113, %dma_wait3A_114] : memref<10240x128xf32, #tpu.memory_space<hbm>> -> memref<10240x128xf32, #tpu.memory_space<hbm>>
      tpu.wait_indirect_dma semaphore(%arg14 : memref<!tpu.dma_semaphore, #tpu.memory_space<semaphore_mem>>) src(%dma_wait3A_115 : memref<10240x128xf32, #tpu.memory_space<hbm>>) dst(%dma_wait3A_110 : memref<40x128xf32, #tpu.memory_space<vmem>>)
      %dma_wait3A_116 = arith.constant 40 : i32
      %dma_wait3A_117 = arith.constant 0 : i32
      %dma_wait3A_118 = tpu.memref_slice %arg10[%dma_wait3A_116, %dma_wait3A_117] : memref<80x128xf32, #tpu.memory_space<vmem>> -> memref<40x128xf32, #tpu.memory_space<vmem>>
      %dma_wait3A_119 = arith.constant 0 : i32
      %dma_wait3A_120 = tpu.memref_slice %arg7[%dma_wait3A_119] : memref<10000xi32, #tpu.memory_space<vmem>> -> memref<40xi32, #tpu.memory_space<vmem>>
      %dma_wait3A_121 = arith.constant 0 : i32
      %dma_wait3A_122 = arith.constant 0 : i32
      %dma_wait3A_123 = tpu.memref_slice %arg2[%dma_wait3A_121, %dma_wait3A_122] : memref<10240x128xf32, #tpu.memory_space<hbm>> -> memref<10240x128xf32, #tpu.memory_space<hbm>>
      tpu.wait_indirect_dma semaphore(%arg15 : memref<!tpu.dma_semaphore, #tpu.memory_space<semaphore_mem>>) src(%dma_wait3A_123 : memref<10240x128xf32, #tpu.memory_space<hbm>>) dst(%dma_wait3A_118 : memref<40x128xf32, #tpu.memory_space<vmem>>)
      "tpu.region"() ({
        %run_scoped3A_124 = tpu.sem_alloc : memref<!tpu.dma_semaphore, #tpu.memory_space<semaphore_mem>>
        %dma_start3A_125 = arith.constant 0 : i32
        %dma_start3A_126 = tpu.memref_slice %arg8[%add3A_49, %dma_start3A_125] : memref<125x80xi32, #tpu.memory_space<vmem>> -> memref<1x80xi32, #tpu.memory_space<vmem>>
        %dma_start3A_127 = tpu.memref_squeeze %dma_start3A_126 : memref<1x80xi32, #tpu.memory_space<vmem>> -> memref<80xi32, #tpu.memory_space<vmem>>
        %dma_start3A_128 = arith.constant 0 : i32
        %dma_start3A_129 = arith.constant 0 : i32
        %dma_start3A_130 = tpu.memref_slice %arg11[%dma_start3A_128, %dma_start3A_129] : memref<10240x128xf32, #tpu.memory_space<vmem_shared>> -> memref<10240x128xf32, #tpu.memory_space<vmem_shared>>
        tpu.enqueue_indirect_dma source(%arg10 : memref<80x128xf32, #tpu.memory_space<vmem>>) target(%dma_start3A_130 : memref<10240x128xf32, #tpu.memory_space<vmem_shared>>) offsets(%dma_start3A_127 : memref<80xi32, #tpu.memory_space<vmem>>) semaphore(%run_scoped3A_124 : memref<!tpu.dma_semaphore, #tpu.memory_space<semaphore_mem>>) {add = true}
        %dma_wait3A_131 = arith.constant 0 : i32
        %dma_wait3A_132 = tpu.memref_slice %arg8[%add3A_49, %dma_wait3A_131] : memref<125x80xi32, #tpu.memory_space<vmem>> -> memref<1x80xi32, #tpu.memory_space<vmem>>
        %dma_wait3A_133 = tpu.memref_squeeze %dma_wait3A_132 : memref<1x80xi32, #tpu.memory_space<vmem>> -> memref<80xi32, #tpu.memory_space<vmem>>
        %dma_wait3A_134 = arith.constant 0 : i32
        %dma_wait3A_135 = arith.constant 0 : i32
        %dma_wait3A_136 = tpu.memref_slice %arg11[%dma_wait3A_134, %dma_wait3A_135] : memref<10240x128xf32, #tpu.memory_space<vmem_shared>> -> memref<10240x128xf32, #tpu.memory_space<vmem_shared>>
        tpu.wait_indirect_dma semaphore(%run_scoped3A_124 : memref<!tpu.dma_semaphore, #tpu.memory_space<semaphore_mem>>) src(%arg10 : memref<80x128xf32, #tpu.memory_space<vmem>>) dst(%dma_wait3A_136 : memref<10240x128xf32, #tpu.memory_space<vmem_shared>>)
        tpu.yield
      }) : () -> ()
    }
    %scan3A_24 = arith.constant 62 : i32
    %dma_wait3A = arith.constant 0 : i32
    %dma_wait3A_25 = arith.constant 0 : i32
    %dma_wait3A_26 = tpu.memref_slice %arg9[%dma_wait3A, %dma_wait3A_25] : memref<80x128xf32, #tpu.memory_space<vmem>> -> memref<40x128xf32, #tpu.memory_space<vmem>>
    %dma_wait3A_27 = arith.constant 0 : i32
    %dma_wait3A_28 = tpu.memref_slice %arg7[%dma_wait3A_27] : memref<10000xi32, #tpu.memory_space<vmem>> -> memref<40xi32, #tpu.memory_space<vmem>>
    %dma_wait3A_29 = arith.constant 0 : i32
    %dma_wait3A_30 = arith.constant 0 : i32
    %dma_wait3A_31 = tpu.memref_slice %arg2[%dma_wait3A_29, %dma_wait3A_30] : memref<10240x128xf32, #tpu.memory_space<hbm>> -> memref<10240x128xf32, #tpu.memory_space<hbm>>
    tpu.wait_indirect_dma semaphore(%arg12 : memref<!tpu.dma_semaphore, #tpu.memory_space<semaphore_mem>>) src(%dma_wait3A_31 : memref<10240x128xf32, #tpu.memory_space<hbm>>) dst(%dma_wait3A_26 : memref<40x128xf32, #tpu.memory_space<vmem>>)
    %dma_wait3A_32 = arith.constant 40 : i32
    %dma_wait3A_33 = arith.constant 0 : i32
    %dma_wait3A_34 = tpu.memref_slice %arg9[%dma_wait3A_32, %dma_wait3A_33] : memref<80x128xf32, #tpu.memory_space<vmem>> -> memref<40x128xf32, #tpu.memory_space<vmem>>
    %dma_wait3A_35 = arith.constant 0 : i32
    %dma_wait3A_36 = tpu.memref_slice %arg7[%dma_wait3A_35] : memref<10000xi32, #tpu.memory_space<vmem>> -> memref<40xi32, #tpu.memory_space<vmem>>
    %dma_wait3A_37 = arith.constant 0 : i32
    %dma_wait3A_38 = arith.constant 0 : i32
    %dma_wait3A_39 = tpu.memref_slice %arg2[%dma_wait3A_37, %dma_wait3A_38] : memref<10240x128xf32, #tpu.memory_space<hbm>> -> memref<10240x128xf32, #tpu.memory_space<hbm>>
    tpu.wait_indirect_dma semaphore(%arg13 : memref<!tpu.dma_semaphore, #tpu.memory_space<semaphore_mem>>) src(%dma_wait3A_39 : memref<10240x128xf32, #tpu.memory_space<hbm>>) dst(%dma_wait3A_34 : memref<40x128xf32, #tpu.memory_space<vmem>>)
    %run_scoped3A = arith.constant 124 : i32
    "tpu.region"() ({
      %run_scoped3A_45 = tpu.sem_alloc : memref<!tpu.dma_semaphore, #tpu.memory_space<semaphore_mem>>
      %dma_start3A_46 = arith.constant 0 : i32
      %dma_start3A_47 = tpu.memref_slice %arg8[%run_scoped3A, %dma_start3A_46] : memref<125x80xi32, #tpu.memory_space<vmem>> -> memref<1x80xi32, #tpu.memory_space<vmem>>
      %dma_start3A_48 = tpu.memref_squeeze %dma_start3A_47 : memref<1x80xi32, #tpu.memory_space<vmem>> -> memref<80xi32, #tpu.memory_space<vmem>>
      %dma_start3A_49 = arith.constant 0 : i32
      %dma_start3A_50 = arith.constant 0 : i32
      %dma_start3A_51 = tpu.memref_slice %arg11[%dma_start3A_49, %dma_start3A_50] : memref<10240x128xf32, #tpu.memory_space<vmem_shared>> -> memref<10240x128xf32, #tpu.memory_space<vmem_shared>>
      tpu.enqueue_indirect_dma source(%arg9 : memref<80x128xf32, #tpu.memory_space<vmem>>) target(%dma_start3A_51 : memref<10240x128xf32, #tpu.memory_space<vmem_shared>>) offsets(%dma_start3A_48 : memref<80xi32, #tpu.memory_space<vmem>>) semaphore(%run_scoped3A_45 : memref<!tpu.dma_semaphore, #tpu.memory_space<semaphore_mem>>) {add = true}
      %dma_wait3A_52 = arith.constant 0 : i32
      %dma_wait3A_53 = tpu.memref_slice %arg8[%run_scoped3A, %dma_wait3A_52] : memref<125x80xi32, #tpu.memory_space<vmem>> -> memref<1x80xi32, #tpu.memory_space<vmem>>
      %dma_wait3A_54 = tpu.memref_squeeze %dma_wait3A_53 : memref<1x80xi32, #tpu.memory_space<vmem>> -> memref<80xi32, #tpu.memory_space<vmem>>
      %dma_wait3A_55 = arith.constant 0 : i32
      %dma_wait3A_56 = arith.constant 0 : i32
      %dma_wait3A_57 = tpu.memref_slice %arg11[%dma_wait3A_55, %dma_wait3A_56] : memref<10240x128xf32, #tpu.memory_space<vmem_shared>> -> memref<10240x128xf32, #tpu.memory_space<vmem_shared>>
      tpu.wait_indirect_dma semaphore(%run_scoped3A_45 : memref<!tpu.dma_semaphore, #tpu.memory_space<semaphore_mem>>) src(%arg9 : memref<80x128xf32, #tpu.memory_space<vmem>>) dst(%dma_wait3A_57 : memref<10240x128xf32, #tpu.memory_space<vmem_shared>>)
      tpu.yield
    }) : () -> ()
    %barrier3A_40 = arith.constant 0 : index
    tpu.barrier barrier_id(%barrier3A_40)
    %mul3A_41 = arith.constant 640 : i32
    %mul3A_42 = arith.muli %arg1, %mul3A_41 : i32
    %mul3A_43 = arith.constant 640 : i32
    %mul3A_44 = arith.muli %arg1, %mul3A_43 : i32
    "tpu.region"() ({
      %run_scoped3A_45 = tpu.sem_alloc : memref<!tpu.dma_semaphore, #tpu.memory_space<semaphore_mem>>
      %dma_start3A_46 = arith.constant 0 : i32
      %dma_start3A_47 = tpu.memref_slice %arg6[%arg0, %mul3A_44, %dma_start3A_46] : memref<2x10240x128xf32, #tpu.memory_space<hbm>> -> memref<1x640x128xf32, #tpu.memory_space<hbm>>
      %dma_start3A_48 = tpu.memref_squeeze %dma_start3A_47 : memref<1x640x128xf32, #tpu.memory_space<hbm>> -> memref<640x128xf32, #tpu.memory_space<hbm>>
      %dma_start3A_49 = arith.constant 0 : i32
      %dma_start3A_50 = tpu.memref_slice %arg11[%mul3A_42, %dma_start3A_49] : memref<10240x128xf32, #tpu.memory_space<vmem_shared>> -> memref<640x128xf32, #tpu.memory_space<vmem_shared>>
      tpu.enqueue_dma source(%dma_start3A_50 : memref<640x128xf32, #tpu.memory_space<vmem_shared>>) target(%dma_start3A_48 : memref<640x128xf32, #tpu.memory_space<hbm>>) target_semaphore(%run_scoped3A_45 : memref<!tpu.dma_semaphore, #tpu.memory_space<semaphore_mem>>)
      %dma_wait3A_51 = arith.constant 0 : i32
      %dma_wait3A_52 = tpu.memref_slice %arg6[%arg0, %mul3A_44, %dma_wait3A_51] : memref<2x10240x128xf32, #tpu.memory_space<hbm>> -> memref<1x640x128xf32, #tpu.memory_space<hbm>>
      %dma_wait3A_53 = tpu.memref_squeeze %dma_wait3A_52 : memref<1x640x128xf32, #tpu.memory_space<hbm>> -> memref<640x128xf32, #tpu.memory_space<hbm>>
      %dma_wait3A_54 = arith.constant 0 : i32
      %dma_wait3A_55 = tpu.memref_slice %arg11[%mul3A_42, %dma_wait3A_54] : memref<10240x128xf32, #tpu.memory_space<vmem_shared>> -> memref<640x128xf32, #tpu.memory_space<vmem_shared>>
      tpu.wait_dma2 semaphore(%run_scoped3A_45 : memref<!tpu.dma_semaphore, #tpu.memory_space<semaphore_mem>>) src(%dma_wait3A_55 : memref<640x128xf32, #tpu.memory_space<vmem_shared>>) dst(%dma_wait3A_53 : memref<640x128xf32, #tpu.memory_space<hbm>>)
      tpu.yield
    }) : () -> ()
    return
  }
}

#map = affine_map<(d0, d1) -> (0, 0)>
#map1 = affine_map<(d0, d1) -> (0)>
#map2 = affine_map<(d0, d1) -> (0, 0, 0)>
module attributes {stable_mosaic.version = 14 : i64} {
  func.func @_msg_kernel(%arg0: i32, %arg1: i32, %arg2: memref<10240x128xf32, #tpu.memory_space<hbm>>, %arg3: memref<320000xi32, #tpu.memory_space<hbm>>, %arg4: memref<32x125x80xi32, #tpu.memory_space<hbm>>, %arg5: memref<640x128xf32, #tpu.memory_space<hbm>>, %arg6: memref<2x10240x128xf32, #tpu.memory_space<hbm>>, %arg7: memref<10000xi32, #tpu.memory_space<vmem>>, %arg8: memref<125x80xi32, #tpu.memory_space<vmem>>, %arg9: memref<80x128xf32, #tpu.memory_space<vmem>>, %arg10: memref<80x128xf32, #tpu.memory_space<vmem>>, %arg11: memref<10240x128xf32, #tpu.memory_space<vmem_shared>>, %arg12: memref<!tpu.dma_semaphore, #tpu.memory_space<semaphore_mem>>, %arg13: memref<!tpu.dma_semaphore, #tpu.memory_space<semaphore_mem>>, %arg14: memref<!tpu.dma_semaphore, #tpu.memory_space<semaphore_mem>>, %arg15: memref<!tpu.dma_semaphore, #tpu.memory_space<semaphore_mem>>) attributes {dimension_semantics = [#tpu.dimension_semantics<core_parallel>, #tpu.dimension_semantics<subcore_parallel>], iteration_bounds = array<i64: 2, 16>, scalar_prefetch = 0 : i64, scratch_operands = 9 : i64, tpu.core_type = #tpu.core_type<sc_vector_subcore>, window_params = [{transform_indices = #map}, {transform_indices = #map1}, {transform_indices = #map2}, {transform_indices = #map}, {transform_indices = #map2}]} {
    %mul3A = arith.constant 16 : i32
    %mul3A_0 = arith.muli %arg0, %mul3A : i32
    %add3A = arith.addi %mul3A_0, %arg1 : i32
    %mul3A_1 = arith.constant 640 : i32
    %mul3A_2 = arith.muli %arg1, %mul3A_1 : i32
    "tpu.region"() ({
      %run_scoped3A_45 = tpu.sem_alloc : memref<!tpu.dma_semaphore, #tpu.memory_space<semaphore_mem>>
      %dma_start3A_46 = arith.constant 0 : i32
      %dma_start3A_47 = tpu.memref_slice %arg11[%mul3A_2, %dma_start3A_46] : memref<10240x128xf32, #tpu.memory_space<vmem_shared>> -> memref<640x128xf32, #tpu.memory_space<vmem_shared>>
      tpu.enqueue_dma source(%arg5 : memref<640x128xf32, #tpu.memory_space<hbm>>) target(%dma_start3A_47 : memref<640x128xf32, #tpu.memory_space<vmem_shared>>) target_semaphore(%run_scoped3A_45 : memref<!tpu.dma_semaphore, #tpu.memory_space<semaphore_mem>>)
      %dma_wait3A_48 = arith.constant 0 : i32
      %dma_wait3A_49 = tpu.memref_slice %arg11[%mul3A_2, %dma_wait3A_48] : memref<10240x128xf32, #tpu.memory_space<vmem_shared>> -> memref<640x128xf32, #tpu.memory_space<vmem_shared>>
      tpu.wait_dma2 semaphore(%run_scoped3A_45 : memref<!tpu.dma_semaphore, #tpu.memory_space<semaphore_mem>>) src(%arg5 : memref<640x128xf32, #tpu.memory_space<hbm>>) dst(%dma_wait3A_49 : memref<640x128xf32, #tpu.memory_space<vmem_shared>>)
      tpu.yield
    }) : () -> ()
    %mul3A_3 = arith.constant 10000 : i32
    %mul3A_4 = arith.muli %add3A, %mul3A_3 : i32
    "tpu.region"() ({
      %run_scoped3A_45 = tpu.sem_alloc : memref<!tpu.dma_semaphore, #tpu.memory_space<semaphore_mem>>
      %dma_start3A_46 = tpu.memref_slice %arg3[%mul3A_4] : memref<320000xi32, #tpu.memory_space<hbm>> -> memref<10000xi32, #tpu.memory_space<hbm>>
      %dma_start3A_47 = tpu.memref_slice %arg3[%mul3A_4] : memref<320000xi32, #tpu.memory_space<hbm>> -> memref<10000xi32, #tpu.memory_space<hbm>>
      tpu.enqueue_dma source(%dma_start3A_47 : memref<10000xi32, #tpu.memory_space<hbm>>) target(%arg7 : memref<10000xi32, #tpu.memory_space<vmem>>) target_semaphore(%run_scoped3A_45 : memref<!tpu.dma_semaphore, #tpu.memory_space<semaphore_mem>>)
      %dma_wait3A_48 = tpu.memref_slice %arg3[%mul3A_4] : memref<320000xi32, #tpu.memory_space<hbm>> -> memref<10000xi32, #tpu.memory_space<hbm>>
      %dma_wait3A_49 = tpu.memref_slice %arg3[%mul3A_4] : memref<320000xi32, #tpu.memory_space<hbm>> -> memref<10000xi32, #tpu.memory_space<hbm>>
      tpu.wait_dma2 semaphore(%run_scoped3A_45 : memref<!tpu.dma_semaphore, #tpu.memory_space<semaphore_mem>>) src(%dma_wait3A_49 : memref<10000xi32, #tpu.memory_space<hbm>>) dst(%arg7 : memref<10000xi32, #tpu.memory_space<vmem>>)
      tpu.yield
    }) : () -> ()
    "tpu.region"() ({
      %run_scoped3A_45 = tpu.sem_alloc : memref<!tpu.dma_semaphore, #tpu.memory_space<semaphore_mem>>
      %dma_start3A_46 = arith.constant 0 : i32
      %dma_start3A_47 = arith.constant 0 : i32
      %dma_start3A_48 = tpu.memref_slice %arg4[%add3A, %dma_start3A_46, %dma_start3A_47] : memref<32x125x80xi32, #tpu.memory_space<hbm>> -> memref<1x125x80xi32, #tpu.memory_space<hbm>>
      %dma_start3A_49 = tpu.memref_squeeze %dma_start3A_48 : memref<1x125x80xi32, #tpu.memory_space<hbm>> -> memref<125x80xi32, #tpu.memory_space<hbm>>
      %dma_start3A_50 = arith.constant 0 : i32
      %dma_start3A_51 = arith.constant 0 : i32
      %dma_start3A_52 = tpu.memref_slice %arg4[%add3A, %dma_start3A_50, %dma_start3A_51] : memref<32x125x80xi32, #tpu.memory_space<hbm>> -> memref<1x125x80xi32, #tpu.memory_space<hbm>>
      %dma_start3A_53 = tpu.memref_squeeze %dma_start3A_52 : memref<1x125x80xi32, #tpu.memory_space<hbm>> -> memref<125x80xi32, #tpu.memory_space<hbm>>
      tpu.enqueue_dma source(%dma_start3A_53 : memref<125x80xi32, #tpu.memory_space<hbm>>) target(%arg8 : memref<125x80xi32, #tpu.memory_space<vmem>>) target_semaphore(%run_scoped3A_45 : memref<!tpu.dma_semaphore, #tpu.memory_space<semaphore_mem>>)
      %dma_wait3A_54 = arith.constant 0 : i32
      %dma_wait3A_55 = arith.constant 0 : i32
      %dma_wait3A_56 = tpu.memref_slice %arg4[%add3A, %dma_wait3A_54, %dma_wait3A_55] : memref<32x125x80xi32, #tpu.memory_space<hbm>> -> memref<1x125x80xi32, #tpu.memory_space<hbm>>
      %dma_wait3A_57 = tpu.memref_squeeze %dma_wait3A_56 : memref<1x125x80xi32, #tpu.memory_space<hbm>> -> memref<125x80xi32, #tpu.memory_space<hbm>>
      %dma_wait3A_58 = arith.constant 0 : i32
      %dma_wait3A_59 = arith.constant 0 : i32
      %dma_wait3A_60 = tpu.memref_slice %arg4[%add3A, %dma_wait3A_58, %dma_wait3A_59] : memref<32x125x80xi32, #tpu.memory_space<hbm>> -> memref<1x125x80xi32, #tpu.memory_space<hbm>>
      %dma_wait3A_61 = tpu.memref_squeeze %dma_wait3A_60 : memref<1x125x80xi32, #tpu.memory_space<hbm>> -> memref<125x80xi32, #tpu.memory_space<hbm>>
      tpu.wait_dma2 semaphore(%run_scoped3A_45 : memref<!tpu.dma_semaphore, #tpu.memory_space<semaphore_mem>>) src(%dma_wait3A_61 : memref<125x80xi32, #tpu.memory_space<hbm>>) dst(%arg8 : memref<125x80xi32, #tpu.memory_space<vmem>>)
      tpu.yield
    }) : () -> ()
    %barrier3A = arith.constant 0 : index
    tpu.barrier barrier_id(%barrier3A)
    %dma_start3A = arith.constant 0 : i32
    %dma_start3A_5 = arith.constant 0 : i32
    %dma_start3A_6 = tpu.memref_slice %arg9[%dma_start3A, %dma_start3A_5] : memref<80x128xf32, #tpu.memory_space<vmem>> -> memref<40x128xf32, #tpu.memory_space<vmem>>
    %dma_start3A_7 = arith.constant 0 : i32
    %dma_start3A_8 = tpu.memref_slice %arg7[%dma_start3A_7] : memref<10000xi32, #tpu.memory_space<vmem>> -> memref<40xi32, #tpu.memory_space<vmem>>
    %dma_start3A_9 = arith.constant 0 : i32
    %dma_start3A_10 = arith.constant 0 : i32
    %dma_start3A_11 = tpu.memref_slice %arg2[%dma_start3A_9, %dma_start3A_10] : memref<10240x128xf32, #tpu.memory_space<hbm>> -> memref<10240x128xf32, #tpu.memory_space<hbm>>
    tpu.enqueue_indirect_dma source(%dma_start3A_11 : memref<10240x128xf32, #tpu.memory_space<hbm>>) target(%dma_start3A_6 : memref<40x128xf32, #tpu.memory_space<vmem>>) offsets(%dma_start3A_8 : memref<40xi32, #tpu.memory_space<vmem>>) semaphore(%arg12 : memref<!tpu.dma_semaphore, #tpu.memory_space<semaphore_mem>>)
    %dma_start3A_12 = arith.constant 40 : i32
    %dma_start3A_13 = arith.constant 0 : i32
    %dma_start3A_14 = tpu.memref_slice %arg9[%dma_start3A_12, %dma_start3A_13] : memref<80x128xf32, #tpu.memory_space<vmem>> -> memref<40x128xf32, #tpu.memory_space<vmem>>
    %dma_start3A_15 = arith.constant 40 : i32
    %dma_start3A_16 = tpu.memref_slice %arg7[%dma_start3A_15] : memref<10000xi32, #tpu.memory_space<vmem>> -> memref<40xi32, #tpu.memory_space<vmem>>
    %dma_start3A_17 = arith.constant 0 : i32
    %dma_start3A_18 = arith.constant 0 : i32
    %dma_start3A_19 = tpu.memref_slice %arg2[%dma_start3A_17, %dma_start3A_18] : memref<10240x128xf32, #tpu.memory_space<hbm>> -> memref<10240x128xf32, #tpu.memory_space<hbm>>
    tpu.enqueue_indirect_dma source(%dma_start3A_19 : memref<10240x128xf32, #tpu.memory_space<hbm>>) target(%dma_start3A_14 : memref<40x128xf32, #tpu.memory_space<vmem>>) offsets(%dma_start3A_16 : memref<40xi32, #tpu.memory_space<vmem>>) semaphore(%arg13 : memref<!tpu.dma_semaphore, #tpu.memory_space<semaphore_mem>>)
    %scan3A = arith.constant 0 : i32
    %scan3A_20 = arith.constant 0 : i32
    %scan3A_21 = arith.constant 62 : i32
    %scan3A_22 = arith.addi %scan3A_20, %scan3A_21 : i32
    %scan3A_23 = arith.constant 1 : i32
    scf.for %scan3A_45 = %scan3A_20 to %scan3A_22 step %scan3A_23  : i32 {
      %mul3A_46 = arith.constant 2 : i32
      %mul3A_47 = arith.muli %mul3A_46, %scan3A_45 : i32
      %add3A_48 = arith.constant 1 : i32
      %add3A_49 = arith.addi %mul3A_47, %add3A_48 : i32
      %mul3A_50 = arith.constant 80 : i32
      %mul3A_51 = arith.muli %add3A_49, %mul3A_50 : i32
      %dma_start3A_52 = arith.constant 0 : i32
      %dma_start3A_53 = arith.constant 0 : i32
      %dma_start3A_54 = tpu.memref_slice %arg10[%dma_start3A_52, %dma_start3A_53] : memref<80x128xf32, #tpu.memory_space<vmem>> -> memref<40x128xf32, #tpu.memory_space<vmem>>
      %dma_start3A_55 = tpu.memref_slice %arg7[%mul3A_51] : memref<10000xi32, #tpu.memory_space<vmem>> -> memref<40xi32, #tpu.memory_space<vmem>>
      %dma_start3A_56 = arith.constant 0 : i32
      %dma_start3A_57 = arith.constant 0 : i32
      %dma_start3A_58 = tpu.memref_slice %arg2[%dma_start3A_56, %dma_start3A_57] : memref<10240x128xf32, #tpu.memory_space<hbm>> -> memref<10240x128xf32, #tpu.memory_space<hbm>>
      tpu.enqueue_indirect_dma source(%dma_start3A_58 : memref<10240x128xf32, #tpu.memory_space<hbm>>) target(%dma_start3A_54 : memref<40x128xf32, #tpu.memory_space<vmem>>) offsets(%dma_start3A_55 : memref<40xi32, #tpu.memory_space<vmem>>) semaphore(%arg14 : memref<!tpu.dma_semaphore, #tpu.memory_space<semaphore_mem>>)
      %mul3A_59 = arith.constant 80 : i32
      %mul3A_60 = arith.muli %add3A_49, %mul3A_59 : i32
      %add3A_61 = arith.constant 40 : i32
      %add3A_62 = arith.addi %mul3A_60, %add3A_61 : i32
      %dma_start3A_63 = arith.constant 40 : i32
      %dma_start3A_64 = arith.constant 0 : i32
      %dma_start3A_65 = tpu.memref_slice %arg10[%dma_start3A_63, %dma_start3A_64] : memref<80x128xf32, #tpu.memory_space<vmem>> -> memref<40x128xf32, #tpu.memory_space<vmem>>
      %dma_start3A_66 = tpu.memref_slice %arg7[%add3A_62] : memref<10000xi32, #tpu.memory_space<vmem>> -> memref<40xi32, #tpu.memory_space<vmem>>
      %dma_start3A_67 = arith.constant 0 : i32
      %dma_start3A_68 = arith.constant 0 : i32
      %dma_start3A_69 = tpu.memref_slice %arg2[%dma_start3A_67, %dma_start3A_68] : memref<10240x128xf32, #tpu.memory_space<hbm>> -> memref<10240x128xf32, #tpu.memory_space<hbm>>
      tpu.enqueue_indirect_dma source(%dma_start3A_69 : memref<10240x128xf32, #tpu.memory_space<hbm>>) target(%dma_start3A_65 : memref<40x128xf32, #tpu.memory_space<vmem>>) offsets(%dma_start3A_66 : memref<40xi32, #tpu.memory_space<vmem>>) semaphore(%arg15 : memref<!tpu.dma_semaphore, #tpu.memory_space<semaphore_mem>>)
      %dma_wait3A_70 = arith.constant 0 : i32
      %dma_wait3A_71 = arith.constant 0 : i32
      %dma_wait3A_72 = tpu.memref_slice %arg9[%dma_wait3A_70, %dma_wait3A_71] : memref<80x128xf32, #tpu.memory_space<vmem>> -> memref<40x128xf32, #tpu.memory_space<vmem>>
      %dma_wait3A_73 = arith.constant 0 : i32
      %dma_wait3A_74 = tpu.memref_slice %arg7[%dma_wait3A_73] : memref<10000xi32, #tpu.memory_space<vmem>> -> memref<40xi32, #tpu.memory_space<vmem>>
      %dma_wait3A_75 = arith.constant 0 : i32
      %dma_wait3A_76 = arith.constant 0 : i32
      %dma_wait3A_77 = tpu.memref_slice %arg2[%dma_wait3A_75, %dma_wait3A_76] : memref<10240x128xf32, #tpu.memory_space<hbm>> -> memref<10240x128xf32, #tpu.memory_space<hbm>>
      tpu.wait_indirect_dma semaphore(%arg12 : memref<!tpu.dma_semaphore, #tpu.memory_space<semaphore_mem>>) src(%dma_wait3A_77 : memref<10240x128xf32, #tpu.memory_space<hbm>>) dst(%dma_wait3A_72 : memref<40x128xf32, #tpu.memory_space<vmem>>)
      %dma_wait3A_78 = arith.constant 40 : i32
      %dma_wait3A_79 = arith.constant 0 : i32
      %dma_wait3A_80 = tpu.memref_slice %arg9[%dma_wait3A_78, %dma_wait3A_79] : memref<80x128xf32, #tpu.memory_space<vmem>> -> memref<40x128xf32, #tpu.memory_space<vmem>>
      %dma_wait3A_81 = arith.constant 0 : i32
      %dma_wait3A_82 = tpu.memref_slice %arg7[%dma_wait3A_81] : memref<10000xi32, #tpu.memory_space<vmem>> -> memref<40xi32, #tpu.memory_space<vmem>>
      %dma_wait3A_83 = arith.constant 0 : i32
      %dma_wait3A_84 = arith.constant 0 : i32
      %dma_wait3A_85 = tpu.memref_slice %arg2[%dma_wait3A_83, %dma_wait3A_84] : memref<10240x128xf32, #tpu.memory_space<hbm>> -> memref<10240x128xf32, #tpu.memory_space<hbm>>
      tpu.wait_indirect_dma semaphore(%arg13 : memref<!tpu.dma_semaphore, #tpu.memory_space<semaphore_mem>>) src(%dma_wait3A_85 : memref<10240x128xf32, #tpu.memory_space<hbm>>) dst(%dma_wait3A_80 : memref<40x128xf32, #tpu.memory_space<vmem>>)
      "tpu.region"() ({
        %run_scoped3A_124 = tpu.sem_alloc : memref<!tpu.dma_semaphore, #tpu.memory_space<semaphore_mem>>
        %dma_start3A_125 = arith.constant 0 : i32
        %dma_start3A_126 = tpu.memref_slice %arg8[%mul3A_47, %dma_start3A_125] : memref<125x80xi32, #tpu.memory_space<vmem>> -> memref<1x80xi32, #tpu.memory_space<vmem>>
        %dma_start3A_127 = tpu.memref_squeeze %dma_start3A_126 : memref<1x80xi32, #tpu.memory_space<vmem>> -> memref<80xi32, #tpu.memory_space<vmem>>
        %dma_start3A_128 = arith.constant 0 : i32
        %dma_start3A_129 = arith.constant 0 : i32
        %dma_start3A_130 = tpu.memref_slice %arg11[%dma_start3A_128, %dma_start3A_129] : memref<10240x128xf32, #tpu.memory_space<vmem_shared>> -> memref<10240x128xf32, #tpu.memory_space<vmem_shared>>
        tpu.enqueue_indirect_dma source(%arg9 : memref<80x128xf32, #tpu.memory_space<vmem>>) target(%dma_start3A_130 : memref<10240x128xf32, #tpu.memory_space<vmem_shared>>) offsets(%dma_start3A_127 : memref<80xi32, #tpu.memory_space<vmem>>) semaphore(%run_scoped3A_124 : memref<!tpu.dma_semaphore, #tpu.memory_space<semaphore_mem>>) {add = true}
        %dma_wait3A_131 = arith.constant 0 : i32
        %dma_wait3A_132 = tpu.memref_slice %arg8[%mul3A_47, %dma_wait3A_131] : memref<125x80xi32, #tpu.memory_space<vmem>> -> memref<1x80xi32, #tpu.memory_space<vmem>>
        %dma_wait3A_133 = tpu.memref_squeeze %dma_wait3A_132 : memref<1x80xi32, #tpu.memory_space<vmem>> -> memref<80xi32, #tpu.memory_space<vmem>>
        %dma_wait3A_134 = arith.constant 0 : i32
        %dma_wait3A_135 = arith.constant 0 : i32
        %dma_wait3A_136 = tpu.memref_slice %arg11[%dma_wait3A_134, %dma_wait3A_135] : memref<10240x128xf32, #tpu.memory_space<vmem_shared>> -> memref<10240x128xf32, #tpu.memory_space<vmem_shared>>
        tpu.wait_indirect_dma semaphore(%run_scoped3A_124 : memref<!tpu.dma_semaphore, #tpu.memory_space<semaphore_mem>>) src(%arg9 : memref<80x128xf32, #tpu.memory_space<vmem>>) dst(%dma_wait3A_136 : memref<10240x128xf32, #tpu.memory_space<vmem_shared>>)
        tpu.yield
      }) : () -> ()
      %add3A_86 = arith.constant 2 : i32
      %add3A_87 = arith.addi %mul3A_47, %add3A_86 : i32
      %mul3A_88 = arith.constant 80 : i32
      %mul3A_89 = arith.muli %add3A_87, %mul3A_88 : i32
      %dma_start3A_90 = arith.constant 0 : i32
      %dma_start3A_91 = arith.constant 0 : i32
      %dma_start3A_92 = tpu.memref_slice %arg9[%dma_start3A_90, %dma_start3A_91] : memref<80x128xf32, #tpu.memory_space<vmem>> -> memref<40x128xf32, #tpu.memory_space<vmem>>
      %dma_start3A_93 = tpu.memref_slice %arg7[%mul3A_89] : memref<10000xi32, #tpu.memory_space<vmem>> -> memref<40xi32, #tpu.memory_space<vmem>>
      %dma_start3A_94 = arith.constant 0 : i32
      %dma_start3A_95 = arith.constant 0 : i32
      %dma_start3A_96 = tpu.memref_slice %arg2[%dma_start3A_94, %dma_start3A_95] : memref<10240x128xf32, #tpu.memory_space<hbm>> -> memref<10240x128xf32, #tpu.memory_space<hbm>>
      tpu.enqueue_indirect_dma source(%dma_start3A_96 : memref<10240x128xf32, #tpu.memory_space<hbm>>) target(%dma_start3A_92 : memref<40x128xf32, #tpu.memory_space<vmem>>) offsets(%dma_start3A_93 : memref<40xi32, #tpu.memory_space<vmem>>) semaphore(%arg12 : memref<!tpu.dma_semaphore, #tpu.memory_space<semaphore_mem>>)
      %mul3A_97 = arith.constant 80 : i32
      %mul3A_98 = arith.muli %add3A_87, %mul3A_97 : i32
      %add3A_99 = arith.constant 40 : i32
      %add3A_100 = arith.addi %mul3A_98, %add3A_99 : i32
      %dma_start3A_101 = arith.constant 40 : i32
      %dma_start3A_102 = arith.constant 0 : i32
      %dma_start3A_103 = tpu.memref_slice %arg9[%dma_start3A_101, %dma_start3A_102] : memref<80x128xf32, #tpu.memory_space<vmem>> -> memref<40x128xf32, #tpu.memory_space<vmem>>
      %dma_start3A_104 = tpu.memref_slice %arg7[%add3A_100] : memref<10000xi32, #tpu.memory_space<vmem>> -> memref<40xi32, #tpu.memory_space<vmem>>
      %dma_start3A_105 = arith.constant 0 : i32
      %dma_start3A_106 = arith.constant 0 : i32
      %dma_start3A_107 = tpu.memref_slice %arg2[%dma_start3A_105, %dma_start3A_106] : memref<10240x128xf32, #tpu.memory_space<hbm>> -> memref<10240x128xf32, #tpu.memory_space<hbm>>
      tpu.enqueue_indirect_dma source(%dma_start3A_107 : memref<10240x128xf32, #tpu.memory_space<hbm>>) target(%dma_start3A_103 : memref<40x128xf32, #tpu.memory_space<vmem>>) offsets(%dma_start3A_104 : memref<40xi32, #tpu.memory_space<vmem>>) semaphore(%arg13 : memref<!tpu.dma_semaphore, #tpu.memory_space<semaphore_mem>>)
      %dma_wait3A_108 = arith.constant 0 : i32
      %dma_wait3A_109 = arith.constant 0 : i32
      %dma_wait3A_110 = tpu.memref_slice %arg10[%dma_wait3A_108, %dma_wait3A_109] : memref<80x128xf32, #tpu.memory_space<vmem>> -> memref<40x128xf32, #tpu.memory_space<vmem>>
      %dma_wait3A_111 = arith.constant 0 : i32
      %dma_wait3A_112 = tpu.memref_slice %arg7[%dma_wait3A_111] : memref<10000xi32, #tpu.memory_space<vmem>> -> memref<40xi32, #tpu.memory_space<vmem>>
      %dma_wait3A_113 = arith.constant 0 : i32
      %dma_wait3A_114 = arith.constant 0 : i32
      %dma_wait3A_115 = tpu.memref_slice %arg2[%dma_wait3A_113, %dma_wait3A_114] : memref<10240x128xf32, #tpu.memory_space<hbm>> -> memref<10240x128xf32, #tpu.memory_space<hbm>>
      tpu.wait_indirect_dma semaphore(%arg14 : memref<!tpu.dma_semaphore, #tpu.memory_space<semaphore_mem>>) src(%dma_wait3A_115 : memref<10240x128xf32, #tpu.memory_space<hbm>>) dst(%dma_wait3A_110 : memref<40x128xf32, #tpu.memory_space<vmem>>)
      %dma_wait3A_116 = arith.constant 40 : i32
      %dma_wait3A_117 = arith.constant 0 : i32
      %dma_wait3A_118 = tpu.memref_slice %arg10[%dma_wait3A_116, %dma_wait3A_117] : memref<80x128xf32, #tpu.memory_space<vmem>> -> memref<40x128xf32, #tpu.memory_space<vmem>>
      %dma_wait3A_119 = arith.constant 0 : i32
      %dma_wait3A_120 = tpu.memref_slice %arg7[%dma_wait3A_119] : memref<10000xi32, #tpu.memory_space<vmem>> -> memref<40xi32, #tpu.memory_space<vmem>>
      %dma_wait3A_121 = arith.constant 0 : i32
      %dma_wait3A_122 = arith.constant 0 : i32
      %dma_wait3A_123 = tpu.memref_slice %arg2[%dma_wait3A_121, %dma_wait3A_122] : memref<10240x128xf32, #tpu.memory_space<hbm>> -> memref<10240x128xf32, #tpu.memory_space<hbm>>
      tpu.wait_indirect_dma semaphore(%arg15 : memref<!tpu.dma_semaphore, #tpu.memory_space<semaphore_mem>>) src(%dma_wait3A_123 : memref<10240x128xf32, #tpu.memory_space<hbm>>) dst(%dma_wait3A_118 : memref<40x128xf32, #tpu.memory_space<vmem>>)
      "tpu.region"() ({
        %run_scoped3A_124 = tpu.sem_alloc : memref<!tpu.dma_semaphore, #tpu.memory_space<semaphore_mem>>
        %dma_start3A_125 = arith.constant 0 : i32
        %dma_start3A_126 = tpu.memref_slice %arg8[%add3A_49, %dma_start3A_125] : memref<125x80xi32, #tpu.memory_space<vmem>> -> memref<1x80xi32, #tpu.memory_space<vmem>>
        %dma_start3A_127 = tpu.memref_squeeze %dma_start3A_126 : memref<1x80xi32, #tpu.memory_space<vmem>> -> memref<80xi32, #tpu.memory_space<vmem>>
        %dma_start3A_128 = arith.constant 0 : i32
        %dma_start3A_129 = arith.constant 0 : i32
        %dma_start3A_130 = tpu.memref_slice %arg11[%dma_start3A_128, %dma_start3A_129] : memref<10240x128xf32, #tpu.memory_space<vmem_shared>> -> memref<10240x128xf32, #tpu.memory_space<vmem_shared>>
        tpu.enqueue_indirect_dma source(%arg10 : memref<80x128xf32, #tpu.memory_space<vmem>>) target(%dma_start3A_130 : memref<10240x128xf32, #tpu.memory_space<vmem_shared>>) offsets(%dma_start3A_127 : memref<80xi32, #tpu.memory_space<vmem>>) semaphore(%run_scoped3A_124 : memref<!tpu.dma_semaphore, #tpu.memory_space<semaphore_mem>>) {add = true}
        %dma_wait3A_131 = arith.constant 0 : i32
        %dma_wait3A_132 = tpu.memref_slice %arg8[%add3A_49, %dma_wait3A_131] : memref<125x80xi32, #tpu.memory_space<vmem>> -> memref<1x80xi32, #tpu.memory_space<vmem>>
        %dma_wait3A_133 = tpu.memref_squeeze %dma_wait3A_132 : memref<1x80xi32, #tpu.memory_space<vmem>> -> memref<80xi32, #tpu.memory_space<vmem>>
        %dma_wait3A_134 = arith.constant 0 : i32
        %dma_wait3A_135 = arith.constant 0 : i32
        %dma_wait3A_136 = tpu.memref_slice %arg11[%dma_wait3A_134, %dma_wait3A_135] : memref<10240x128xf32, #tpu.memory_space<vmem_shared>> -> memref<10240x128xf32, #tpu.memory_space<vmem_shared>>
        tpu.wait_indirect_dma semaphore(%run_scoped3A_124 : memref<!tpu.dma_semaphore, #tpu.memory_space<semaphore_mem>>) src(%arg10 : memref<80x128xf32, #tpu.memory_space<vmem>>) dst(%dma_wait3A_136 : memref<10240x128xf32, #tpu.memory_space<vmem_shared>>)
        tpu.yield
      }) : () -> ()
    }
    %scan3A_24 = arith.constant 62 : i32
    %dma_wait3A = arith.constant 0 : i32
    %dma_wait3A_25 = arith.constant 0 : i32
    %dma_wait3A_26 = tpu.memref_slice %arg9[%dma_wait3A, %dma_wait3A_25] : memref<80x128xf32, #tpu.memory_space<vmem>> -> memref<40x128xf32, #tpu.memory_space<vmem>>
    %dma_wait3A_27 = arith.constant 0 : i32
    %dma_wait3A_28 = tpu.memref_slice %arg7[%dma_wait3A_27] : memref<10000xi32, #tpu.memory_space<vmem>> -> memref<40xi32, #tpu.memory_space<vmem>>
    %dma_wait3A_29 = arith.constant 0 : i32
    %dma_wait3A_30 = arith.constant 0 : i32
    %dma_wait3A_31 = tpu.memref_slice %arg2[%dma_wait3A_29, %dma_wait3A_30] : memref<10240x128xf32, #tpu.memory_space<hbm>> -> memref<10240x128xf32, #tpu.memory_space<hbm>>
    tpu.wait_indirect_dma semaphore(%arg12 : memref<!tpu.dma_semaphore, #tpu.memory_space<semaphore_mem>>) src(%dma_wait3A_31 : memref<10240x128xf32, #tpu.memory_space<hbm>>) dst(%dma_wait3A_26 : memref<40x128xf32, #tpu.memory_space<vmem>>)
    %dma_wait3A_32 = arith.constant 40 : i32
    %dma_wait3A_33 = arith.constant 0 : i32
    %dma_wait3A_34 = tpu.memref_slice %arg9[%dma_wait3A_32, %dma_wait3A_33] : memref<80x128xf32, #tpu.memory_space<vmem>> -> memref<40x128xf32, #tpu.memory_space<vmem>>
    %dma_wait3A_35 = arith.constant 0 : i32
    %dma_wait3A_36 = tpu.memref_slice %arg7[%dma_wait3A_35] : memref<10000xi32, #tpu.memory_space<vmem>> -> memref<40xi32, #tpu.memory_space<vmem>>
    %dma_wait3A_37 = arith.constant 0 : i32
    %dma_wait3A_38 = arith.constant 0 : i32
    %dma_wait3A_39 = tpu.memref_slice %arg2[%dma_wait3A_37, %dma_wait3A_38] : memref<10240x128xf32, #tpu.memory_space<hbm>> -> memref<10240x128xf32, #tpu.memory_space<hbm>>
    tpu.wait_indirect_dma semaphore(%arg13 : memref<!tpu.dma_semaphore, #tpu.memory_space<semaphore_mem>>) src(%dma_wait3A_39 : memref<10240x128xf32, #tpu.memory_space<hbm>>) dst(%dma_wait3A_34 : memref<40x128xf32, #tpu.memory_space<vmem>>)
    %run_scoped3A = arith.constant 124 : i32
    "tpu.region"() ({
      %run_scoped3A_45 = tpu.sem_alloc : memref<!tpu.dma_semaphore, #tpu.memory_space<semaphore_mem>>
      %dma_start3A_46 = arith.constant 0 : i32
      %dma_start3A_47 = tpu.memref_slice %arg8[%run_scoped3A, %dma_start3A_46] : memref<125x80xi32, #tpu.memory_space<vmem>> -> memref<1x80xi32, #tpu.memory_space<vmem>>
      %dma_start3A_48 = tpu.memref_squeeze %dma_start3A_47 : memref<1x80xi32, #tpu.memory_space<vmem>> -> memref<80xi32, #tpu.memory_space<vmem>>
      %dma_start3A_49 = arith.constant 0 : i32
      %dma_start3A_50 = arith.constant 0 : i32
      %dma_start3A_51 = tpu.memref_slice %arg11[%dma_start3A_49, %dma_start3A_50] : memref<10240x128xf32, #tpu.memory_space<vmem_shared>> -> memref<10240x128xf32, #tpu.memory_space<vmem_shared>>
      tpu.enqueue_indirect_dma source(%arg9 : memref<80x128xf32, #tpu.memory_space<vmem>>) target(%dma_start3A_51 : memref<10240x128xf32, #tpu.memory_space<vmem_shared>>) offsets(%dma_start3A_48 : memref<80xi32, #tpu.memory_space<vmem>>) semaphore(%run_scoped3A_45 : memref<!tpu.dma_semaphore, #tpu.memory_space<semaphore_mem>>) {add = true}
      %dma_wait3A_52 = arith.constant 0 : i32
      %dma_wait3A_53 = tpu.memref_slice %arg8[%run_scoped3A, %dma_wait3A_52] : memref<125x80xi32, #tpu.memory_space<vmem>> -> memref<1x80xi32, #tpu.memory_space<vmem>>
      %dma_wait3A_54 = tpu.memref_squeeze %dma_wait3A_53 : memref<1x80xi32, #tpu.memory_space<vmem>> -> memref<80xi32, #tpu.memory_space<vmem>>
      %dma_wait3A_55 = arith.constant 0 : i32
      %dma_wait3A_56 = arith.constant 0 : i32
      %dma_wait3A_57 = tpu.memref_slice %arg11[%dma_wait3A_55, %dma_wait3A_56] : memref<10240x128xf32, #tpu.memory_space<vmem_shared>> -> memref<10240x128xf32, #tpu.memory_space<vmem_shared>>
      tpu.wait_indirect_dma semaphore(%run_scoped3A_45 : memref<!tpu.dma_semaphore, #tpu.memory_space<semaphore_mem>>) src(%arg9 : memref<80x128xf32, #tpu.memory_space<vmem>>) dst(%dma_wait3A_57 : memref<10240x128xf32, #tpu.memory_space<vmem_shared>>)
      tpu.yield
    }) : () -> ()
    %barrier3A_40 = arith.constant 0 : index
    tpu.barrier barrier_id(%barrier3A_40)
    %mul3A_41 = arith.constant 640 : i32
    %mul3A_42 = arith.muli %arg1, %mul3A_41 : i32
    %mul3A_43 = arith.constant 640 : i32
    %mul3A_44 = arith.muli %arg1, %mul3A_43 : i32
    "tpu.region"() ({
      %run_scoped3A_45 = tpu.sem_alloc : memref<!tpu.dma_semaphore, #tpu.memory_space<semaphore_mem>>
      %dma_start3A_46 = arith.constant 0 : i32
      %dma_start3A_47 = tpu.memref_slice %arg6[%arg0, %mul3A_44, %dma_start3A_46] : memref<2x10240x128xf32, #tpu.memory_space<hbm>> -> memref<1x640x128xf32, #tpu.memory_space<hbm>>
      %dma_start3A_48 = tpu.memref_squeeze %dma_start3A_47 : memref<1x640x128xf32, #tpu.memory_space<hbm>> -> memref<640x128xf32, #tpu.memory_space<hbm>>
      %dma_start3A_49 = arith.constant 0 : i32
      %dma_start3A_50 = tpu.memref_slice %arg11[%mul3A_42, %dma_start3A_49] : memref<10240x128xf32, #tpu.memory_space<vmem_shared>> -> memref<640x128xf32, #tpu.memory_space<vmem_shared>>
      tpu.enqueue_dma source(%dma_start3A_50 : memref<640x128xf32, #tpu.memory_space<vmem_shared>>) target(%dma_start3A_48 : memref<640x128xf32, #tpu.memory_space<hbm>>) target_semaphore(%run_scoped3A_45 : memref<!tpu.dma_semaphore, #tpu.memory_space<semaphore_mem>>)
      %dma_wait3A_51 = arith.constant 0 : i32
      %dma_wait3A_52 = tpu.memref_slice %arg6[%arg0, %mul3A_44, %dma_wait3A_51] : memref<2x10240x128xf32, #tpu.memory_space<hbm>> -> memref<1x640x128xf32, #tpu.memory_space<hbm>>
      %dma_wait3A_53 = tpu.memref_squeeze %dma_wait3A_52 : memref<1x640x128xf32, #tpu.memory_space<hbm>> -> memref<640x128xf32, #tpu.memory_space<hbm>>
      %dma_wait3A_54 = arith.constant 0 : i32
      %dma_wait3A_55 = tpu.memref_slice %arg11[%mul3A_42, %dma_wait3A_54] : memref<10240x128xf32, #tpu.memory_space<vmem_shared>> -> memref<640x128xf32, #tpu.memory_space<vmem_shared>>
      tpu.wait_dma2 semaphore(%run_scoped3A_45 : memref<!tpu.dma_semaphore, #tpu.memory_space<semaphore_mem>>) src(%dma_wait3A_55 : memref<640x128xf32, #tpu.memory_space<vmem_shared>>) dst(%dma_wait3A_53 : memref<640x128xf32, #tpu.memory_space<hbm>>)
      tpu.yield
    }) : () -> ()
    return
  }
}

#map = affine_map<(d0, d1) -> (0, 0)>
#map1 = affine_map<(d0, d1) -> (0)>
#map2 = affine_map<(d0, d1) -> (0, 0, 0)>
module attributes {stable_mosaic.version = 14 : i64} {
  func.func @_msg_kernel(%arg0: i32, %arg1: i32, %arg2: memref<10240x64xf32, #tpu.memory_space<hbm>>, %arg3: memref<320000xi32, #tpu.memory_space<hbm>>, %arg4: memref<32x125x80xi32, #tpu.memory_space<hbm>>, %arg5: memref<640x64xf32, #tpu.memory_space<hbm>>, %arg6: memref<2x10240x64xf32, #tpu.memory_space<hbm>>, %arg7: memref<10000xi32, #tpu.memory_space<vmem>>, %arg8: memref<125x80xi32, #tpu.memory_space<vmem>>, %arg9: memref<80x64xf32, #tpu.memory_space<vmem>>, %arg10: memref<80x64xf32, #tpu.memory_space<vmem>>, %arg11: memref<10240x64xf32, #tpu.memory_space<vmem_shared>>, %arg12: memref<!tpu.dma_semaphore, #tpu.memory_space<semaphore_mem>>, %arg13: memref<!tpu.dma_semaphore, #tpu.memory_space<semaphore_mem>>, %arg14: memref<!tpu.dma_semaphore, #tpu.memory_space<semaphore_mem>>, %arg15: memref<!tpu.dma_semaphore, #tpu.memory_space<semaphore_mem>>) attributes {dimension_semantics = [#tpu.dimension_semantics<core_parallel>, #tpu.dimension_semantics<subcore_parallel>], iteration_bounds = array<i64: 2, 16>, scalar_prefetch = 0 : i64, scratch_operands = 9 : i64, tpu.core_type = #tpu.core_type<sc_vector_subcore>, window_params = [{transform_indices = #map}, {transform_indices = #map1}, {transform_indices = #map2}, {transform_indices = #map}, {transform_indices = #map2}]} {
    %mul3A = arith.constant 16 : i32
    %mul3A_0 = arith.muli %arg0, %mul3A : i32
    %add3A = arith.addi %mul3A_0, %arg1 : i32
    %mul3A_1 = arith.constant 640 : i32
    %mul3A_2 = arith.muli %arg1, %mul3A_1 : i32
    "tpu.region"() ({
      %run_scoped3A_45 = tpu.sem_alloc : memref<!tpu.dma_semaphore, #tpu.memory_space<semaphore_mem>>
      %dma_start3A_46 = arith.constant 0 : i32
      %dma_start3A_47 = tpu.memref_slice %arg11[%mul3A_2, %dma_start3A_46] : memref<10240x64xf32, #tpu.memory_space<vmem_shared>> -> memref<640x64xf32, #tpu.memory_space<vmem_shared>>
      tpu.enqueue_dma source(%arg5 : memref<640x64xf32, #tpu.memory_space<hbm>>) target(%dma_start3A_47 : memref<640x64xf32, #tpu.memory_space<vmem_shared>>) target_semaphore(%run_scoped3A_45 : memref<!tpu.dma_semaphore, #tpu.memory_space<semaphore_mem>>)
      %dma_wait3A_48 = arith.constant 0 : i32
      %dma_wait3A_49 = tpu.memref_slice %arg11[%mul3A_2, %dma_wait3A_48] : memref<10240x64xf32, #tpu.memory_space<vmem_shared>> -> memref<640x64xf32, #tpu.memory_space<vmem_shared>>
      tpu.wait_dma2 semaphore(%run_scoped3A_45 : memref<!tpu.dma_semaphore, #tpu.memory_space<semaphore_mem>>) src(%arg5 : memref<640x64xf32, #tpu.memory_space<hbm>>) dst(%dma_wait3A_49 : memref<640x64xf32, #tpu.memory_space<vmem_shared>>)
      tpu.yield
    }) : () -> ()
    %mul3A_3 = arith.constant 10000 : i32
    %mul3A_4 = arith.muli %add3A, %mul3A_3 : i32
    "tpu.region"() ({
      %run_scoped3A_45 = tpu.sem_alloc : memref<!tpu.dma_semaphore, #tpu.memory_space<semaphore_mem>>
      %dma_start3A_46 = tpu.memref_slice %arg3[%mul3A_4] : memref<320000xi32, #tpu.memory_space<hbm>> -> memref<10000xi32, #tpu.memory_space<hbm>>
      %dma_start3A_47 = tpu.memref_slice %arg3[%mul3A_4] : memref<320000xi32, #tpu.memory_space<hbm>> -> memref<10000xi32, #tpu.memory_space<hbm>>
      tpu.enqueue_dma source(%dma_start3A_47 : memref<10000xi32, #tpu.memory_space<hbm>>) target(%arg7 : memref<10000xi32, #tpu.memory_space<vmem>>) target_semaphore(%run_scoped3A_45 : memref<!tpu.dma_semaphore, #tpu.memory_space<semaphore_mem>>)
      %dma_wait3A_48 = tpu.memref_slice %arg3[%mul3A_4] : memref<320000xi32, #tpu.memory_space<hbm>> -> memref<10000xi32, #tpu.memory_space<hbm>>
      %dma_wait3A_49 = tpu.memref_slice %arg3[%mul3A_4] : memref<320000xi32, #tpu.memory_space<hbm>> -> memref<10000xi32, #tpu.memory_space<hbm>>
      tpu.wait_dma2 semaphore(%run_scoped3A_45 : memref<!tpu.dma_semaphore, #tpu.memory_space<semaphore_mem>>) src(%dma_wait3A_49 : memref<10000xi32, #tpu.memory_space<hbm>>) dst(%arg7 : memref<10000xi32, #tpu.memory_space<vmem>>)
      tpu.yield
    }) : () -> ()
    "tpu.region"() ({
      %run_scoped3A_45 = tpu.sem_alloc : memref<!tpu.dma_semaphore, #tpu.memory_space<semaphore_mem>>
      %dma_start3A_46 = arith.constant 0 : i32
      %dma_start3A_47 = arith.constant 0 : i32
      %dma_start3A_48 = tpu.memref_slice %arg4[%add3A, %dma_start3A_46, %dma_start3A_47] : memref<32x125x80xi32, #tpu.memory_space<hbm>> -> memref<1x125x80xi32, #tpu.memory_space<hbm>>
      %dma_start3A_49 = tpu.memref_squeeze %dma_start3A_48 : memref<1x125x80xi32, #tpu.memory_space<hbm>> -> memref<125x80xi32, #tpu.memory_space<hbm>>
      %dma_start3A_50 = arith.constant 0 : i32
      %dma_start3A_51 = arith.constant 0 : i32
      %dma_start3A_52 = tpu.memref_slice %arg4[%add3A, %dma_start3A_50, %dma_start3A_51] : memref<32x125x80xi32, #tpu.memory_space<hbm>> -> memref<1x125x80xi32, #tpu.memory_space<hbm>>
      %dma_start3A_53 = tpu.memref_squeeze %dma_start3A_52 : memref<1x125x80xi32, #tpu.memory_space<hbm>> -> memref<125x80xi32, #tpu.memory_space<hbm>>
      tpu.enqueue_dma source(%dma_start3A_53 : memref<125x80xi32, #tpu.memory_space<hbm>>) target(%arg8 : memref<125x80xi32, #tpu.memory_space<vmem>>) target_semaphore(%run_scoped3A_45 : memref<!tpu.dma_semaphore, #tpu.memory_space<semaphore_mem>>)
      %dma_wait3A_54 = arith.constant 0 : i32
      %dma_wait3A_55 = arith.constant 0 : i32
      %dma_wait3A_56 = tpu.memref_slice %arg4[%add3A, %dma_wait3A_54, %dma_wait3A_55] : memref<32x125x80xi32, #tpu.memory_space<hbm>> -> memref<1x125x80xi32, #tpu.memory_space<hbm>>
      %dma_wait3A_57 = tpu.memref_squeeze %dma_wait3A_56 : memref<1x125x80xi32, #tpu.memory_space<hbm>> -> memref<125x80xi32, #tpu.memory_space<hbm>>
      %dma_wait3A_58 = arith.constant 0 : i32
      %dma_wait3A_59 = arith.constant 0 : i32
      %dma_wait3A_60 = tpu.memref_slice %arg4[%add3A, %dma_wait3A_58, %dma_wait3A_59] : memref<32x125x80xi32, #tpu.memory_space<hbm>> -> memref<1x125x80xi32, #tpu.memory_space<hbm>>
      %dma_wait3A_61 = tpu.memref_squeeze %dma_wait3A_60 : memref<1x125x80xi32, #tpu.memory_space<hbm>> -> memref<125x80xi32, #tpu.memory_space<hbm>>
      tpu.wait_dma2 semaphore(%run_scoped3A_45 : memref<!tpu.dma_semaphore, #tpu.memory_space<semaphore_mem>>) src(%dma_wait3A_61 : memref<125x80xi32, #tpu.memory_space<hbm>>) dst(%arg8 : memref<125x80xi32, #tpu.memory_space<vmem>>)
      tpu.yield
    }) : () -> ()
    %barrier3A = arith.constant 0 : index
    tpu.barrier barrier_id(%barrier3A)
    %dma_start3A = arith.constant 0 : i32
    %dma_start3A_5 = arith.constant 0 : i32
    %dma_start3A_6 = tpu.memref_slice %arg9[%dma_start3A, %dma_start3A_5] : memref<80x64xf32, #tpu.memory_space<vmem>> -> memref<40x64xf32, #tpu.memory_space<vmem>>
    %dma_start3A_7 = arith.constant 0 : i32
    %dma_start3A_8 = tpu.memref_slice %arg7[%dma_start3A_7] : memref<10000xi32, #tpu.memory_space<vmem>> -> memref<40xi32, #tpu.memory_space<vmem>>
    %dma_start3A_9 = arith.constant 0 : i32
    %dma_start3A_10 = arith.constant 0 : i32
    %dma_start3A_11 = tpu.memref_slice %arg2[%dma_start3A_9, %dma_start3A_10] : memref<10240x64xf32, #tpu.memory_space<hbm>> -> memref<10240x64xf32, #tpu.memory_space<hbm>>
    tpu.enqueue_indirect_dma source(%dma_start3A_11 : memref<10240x64xf32, #tpu.memory_space<hbm>>) target(%dma_start3A_6 : memref<40x64xf32, #tpu.memory_space<vmem>>) offsets(%dma_start3A_8 : memref<40xi32, #tpu.memory_space<vmem>>) semaphore(%arg12 : memref<!tpu.dma_semaphore, #tpu.memory_space<semaphore_mem>>)
    %dma_start3A_12 = arith.constant 40 : i32
    %dma_start3A_13 = arith.constant 0 : i32
    %dma_start3A_14 = tpu.memref_slice %arg9[%dma_start3A_12, %dma_start3A_13] : memref<80x64xf32, #tpu.memory_space<vmem>> -> memref<40x64xf32, #tpu.memory_space<vmem>>
    %dma_start3A_15 = arith.constant 40 : i32
    %dma_start3A_16 = tpu.memref_slice %arg7[%dma_start3A_15] : memref<10000xi32, #tpu.memory_space<vmem>> -> memref<40xi32, #tpu.memory_space<vmem>>
    %dma_start3A_17 = arith.constant 0 : i32
    %dma_start3A_18 = arith.constant 0 : i32
    %dma_start3A_19 = tpu.memref_slice %arg2[%dma_start3A_17, %dma_start3A_18] : memref<10240x64xf32, #tpu.memory_space<hbm>> -> memref<10240x64xf32, #tpu.memory_space<hbm>>
    tpu.enqueue_indirect_dma source(%dma_start3A_19 : memref<10240x64xf32, #tpu.memory_space<hbm>>) target(%dma_start3A_14 : memref<40x64xf32, #tpu.memory_space<vmem>>) offsets(%dma_start3A_16 : memref<40xi32, #tpu.memory_space<vmem>>) semaphore(%arg13 : memref<!tpu.dma_semaphore, #tpu.memory_space<semaphore_mem>>)
    %scan3A = arith.constant 0 : i32
    %scan3A_20 = arith.constant 0 : i32
    %scan3A_21 = arith.constant 62 : i32
    %scan3A_22 = arith.addi %scan3A_20, %scan3A_21 : i32
    %scan3A_23 = arith.constant 1 : i32
    scf.for %scan3A_45 = %scan3A_20 to %scan3A_22 step %scan3A_23  : i32 {
      %mul3A_46 = arith.constant 2 : i32
      %mul3A_47 = arith.muli %mul3A_46, %scan3A_45 : i32
      %add3A_48 = arith.constant 1 : i32
      %add3A_49 = arith.addi %mul3A_47, %add3A_48 : i32
      %mul3A_50 = arith.constant 80 : i32
      %mul3A_51 = arith.muli %add3A_49, %mul3A_50 : i32
      %dma_start3A_52 = arith.constant 0 : i32
      %dma_start3A_53 = arith.constant 0 : i32
      %dma_start3A_54 = tpu.memref_slice %arg10[%dma_start3A_52, %dma_start3A_53] : memref<80x64xf32, #tpu.memory_space<vmem>> -> memref<40x64xf32, #tpu.memory_space<vmem>>
      %dma_start3A_55 = tpu.memref_slice %arg7[%mul3A_51] : memref<10000xi32, #tpu.memory_space<vmem>> -> memref<40xi32, #tpu.memory_space<vmem>>
      %dma_start3A_56 = arith.constant 0 : i32
      %dma_start3A_57 = arith.constant 0 : i32
      %dma_start3A_58 = tpu.memref_slice %arg2[%dma_start3A_56, %dma_start3A_57] : memref<10240x64xf32, #tpu.memory_space<hbm>> -> memref<10240x64xf32, #tpu.memory_space<hbm>>
      tpu.enqueue_indirect_dma source(%dma_start3A_58 : memref<10240x64xf32, #tpu.memory_space<hbm>>) target(%dma_start3A_54 : memref<40x64xf32, #tpu.memory_space<vmem>>) offsets(%dma_start3A_55 : memref<40xi32, #tpu.memory_space<vmem>>) semaphore(%arg14 : memref<!tpu.dma_semaphore, #tpu.memory_space<semaphore_mem>>)
      %mul3A_59 = arith.constant 80 : i32
      %mul3A_60 = arith.muli %add3A_49, %mul3A_59 : i32
      %add3A_61 = arith.constant 40 : i32
      %add3A_62 = arith.addi %mul3A_60, %add3A_61 : i32
      %dma_start3A_63 = arith.constant 40 : i32
      %dma_start3A_64 = arith.constant 0 : i32
      %dma_start3A_65 = tpu.memref_slice %arg10[%dma_start3A_63, %dma_start3A_64] : memref<80x64xf32, #tpu.memory_space<vmem>> -> memref<40x64xf32, #tpu.memory_space<vmem>>
      %dma_start3A_66 = tpu.memref_slice %arg7[%add3A_62] : memref<10000xi32, #tpu.memory_space<vmem>> -> memref<40xi32, #tpu.memory_space<vmem>>
      %dma_start3A_67 = arith.constant 0 : i32
      %dma_start3A_68 = arith.constant 0 : i32
      %dma_start3A_69 = tpu.memref_slice %arg2[%dma_start3A_67, %dma_start3A_68] : memref<10240x64xf32, #tpu.memory_space<hbm>> -> memref<10240x64xf32, #tpu.memory_space<hbm>>
      tpu.enqueue_indirect_dma source(%dma_start3A_69 : memref<10240x64xf32, #tpu.memory_space<hbm>>) target(%dma_start3A_65 : memref<40x64xf32, #tpu.memory_space<vmem>>) offsets(%dma_start3A_66 : memref<40xi32, #tpu.memory_space<vmem>>) semaphore(%arg15 : memref<!tpu.dma_semaphore, #tpu.memory_space<semaphore_mem>>)
      %dma_wait3A_70 = arith.constant 0 : i32
      %dma_wait3A_71 = arith.constant 0 : i32
      %dma_wait3A_72 = tpu.memref_slice %arg9[%dma_wait3A_70, %dma_wait3A_71] : memref<80x64xf32, #tpu.memory_space<vmem>> -> memref<40x64xf32, #tpu.memory_space<vmem>>
      %dma_wait3A_73 = arith.constant 0 : i32
      %dma_wait3A_74 = tpu.memref_slice %arg7[%dma_wait3A_73] : memref<10000xi32, #tpu.memory_space<vmem>> -> memref<40xi32, #tpu.memory_space<vmem>>
      %dma_wait3A_75 = arith.constant 0 : i32
      %dma_wait3A_76 = arith.constant 0 : i32
      %dma_wait3A_77 = tpu.memref_slice %arg2[%dma_wait3A_75, %dma_wait3A_76] : memref<10240x64xf32, #tpu.memory_space<hbm>> -> memref<10240x64xf32, #tpu.memory_space<hbm>>
      tpu.wait_indirect_dma semaphore(%arg12 : memref<!tpu.dma_semaphore, #tpu.memory_space<semaphore_mem>>) src(%dma_wait3A_77 : memref<10240x64xf32, #tpu.memory_space<hbm>>) dst(%dma_wait3A_72 : memref<40x64xf32, #tpu.memory_space<vmem>>)
      %dma_wait3A_78 = arith.constant 40 : i32
      %dma_wait3A_79 = arith.constant 0 : i32
      %dma_wait3A_80 = tpu.memref_slice %arg9[%dma_wait3A_78, %dma_wait3A_79] : memref<80x64xf32, #tpu.memory_space<vmem>> -> memref<40x64xf32, #tpu.memory_space<vmem>>
      %dma_wait3A_81 = arith.constant 0 : i32
      %dma_wait3A_82 = tpu.memref_slice %arg7[%dma_wait3A_81] : memref<10000xi32, #tpu.memory_space<vmem>> -> memref<40xi32, #tpu.memory_space<vmem>>
      %dma_wait3A_83 = arith.constant 0 : i32
      %dma_wait3A_84 = arith.constant 0 : i32
      %dma_wait3A_85 = tpu.memref_slice %arg2[%dma_wait3A_83, %dma_wait3A_84] : memref<10240x64xf32, #tpu.memory_space<hbm>> -> memref<10240x64xf32, #tpu.memory_space<hbm>>
      tpu.wait_indirect_dma semaphore(%arg13 : memref<!tpu.dma_semaphore, #tpu.memory_space<semaphore_mem>>) src(%dma_wait3A_85 : memref<10240x64xf32, #tpu.memory_space<hbm>>) dst(%dma_wait3A_80 : memref<40x64xf32, #tpu.memory_space<vmem>>)
      "tpu.region"() ({
        %run_scoped3A_124 = tpu.sem_alloc : memref<!tpu.dma_semaphore, #tpu.memory_space<semaphore_mem>>
        %dma_start3A_125 = arith.constant 0 : i32
        %dma_start3A_126 = tpu.memref_slice %arg8[%mul3A_47, %dma_start3A_125] : memref<125x80xi32, #tpu.memory_space<vmem>> -> memref<1x80xi32, #tpu.memory_space<vmem>>
        %dma_start3A_127 = tpu.memref_squeeze %dma_start3A_126 : memref<1x80xi32, #tpu.memory_space<vmem>> -> memref<80xi32, #tpu.memory_space<vmem>>
        %dma_start3A_128 = arith.constant 0 : i32
        %dma_start3A_129 = arith.constant 0 : i32
        %dma_start3A_130 = tpu.memref_slice %arg11[%dma_start3A_128, %dma_start3A_129] : memref<10240x64xf32, #tpu.memory_space<vmem_shared>> -> memref<10240x64xf32, #tpu.memory_space<vmem_shared>>
        tpu.enqueue_indirect_dma source(%arg9 : memref<80x64xf32, #tpu.memory_space<vmem>>) target(%dma_start3A_130 : memref<10240x64xf32, #tpu.memory_space<vmem_shared>>) offsets(%dma_start3A_127 : memref<80xi32, #tpu.memory_space<vmem>>) semaphore(%run_scoped3A_124 : memref<!tpu.dma_semaphore, #tpu.memory_space<semaphore_mem>>) {add = true}
        %dma_wait3A_131 = arith.constant 0 : i32
        %dma_wait3A_132 = tpu.memref_slice %arg8[%mul3A_47, %dma_wait3A_131] : memref<125x80xi32, #tpu.memory_space<vmem>> -> memref<1x80xi32, #tpu.memory_space<vmem>>
        %dma_wait3A_133 = tpu.memref_squeeze %dma_wait3A_132 : memref<1x80xi32, #tpu.memory_space<vmem>> -> memref<80xi32, #tpu.memory_space<vmem>>
        %dma_wait3A_134 = arith.constant 0 : i32
        %dma_wait3A_135 = arith.constant 0 : i32
        %dma_wait3A_136 = tpu.memref_slice %arg11[%dma_wait3A_134, %dma_wait3A_135] : memref<10240x64xf32, #tpu.memory_space<vmem_shared>> -> memref<10240x64xf32, #tpu.memory_space<vmem_shared>>
        tpu.wait_indirect_dma semaphore(%run_scoped3A_124 : memref<!tpu.dma_semaphore, #tpu.memory_space<semaphore_mem>>) src(%arg9 : memref<80x64xf32, #tpu.memory_space<vmem>>) dst(%dma_wait3A_136 : memref<10240x64xf32, #tpu.memory_space<vmem_shared>>)
        tpu.yield
      }) : () -> ()
      %add3A_86 = arith.constant 2 : i32
      %add3A_87 = arith.addi %mul3A_47, %add3A_86 : i32
      %mul3A_88 = arith.constant 80 : i32
      %mul3A_89 = arith.muli %add3A_87, %mul3A_88 : i32
      %dma_start3A_90 = arith.constant 0 : i32
      %dma_start3A_91 = arith.constant 0 : i32
      %dma_start3A_92 = tpu.memref_slice %arg9[%dma_start3A_90, %dma_start3A_91] : memref<80x64xf32, #tpu.memory_space<vmem>> -> memref<40x64xf32, #tpu.memory_space<vmem>>
      %dma_start3A_93 = tpu.memref_slice %arg7[%mul3A_89] : memref<10000xi32, #tpu.memory_space<vmem>> -> memref<40xi32, #tpu.memory_space<vmem>>
      %dma_start3A_94 = arith.constant 0 : i32
      %dma_start3A_95 = arith.constant 0 : i32
      %dma_start3A_96 = tpu.memref_slice %arg2[%dma_start3A_94, %dma_start3A_95] : memref<10240x64xf32, #tpu.memory_space<hbm>> -> memref<10240x64xf32, #tpu.memory_space<hbm>>
      tpu.enqueue_indirect_dma source(%dma_start3A_96 : memref<10240x64xf32, #tpu.memory_space<hbm>>) target(%dma_start3A_92 : memref<40x64xf32, #tpu.memory_space<vmem>>) offsets(%dma_start3A_93 : memref<40xi32, #tpu.memory_space<vmem>>) semaphore(%arg12 : memref<!tpu.dma_semaphore, #tpu.memory_space<semaphore_mem>>)
      %mul3A_97 = arith.constant 80 : i32
      %mul3A_98 = arith.muli %add3A_87, %mul3A_97 : i32
      %add3A_99 = arith.constant 40 : i32
      %add3A_100 = arith.addi %mul3A_98, %add3A_99 : i32
      %dma_start3A_101 = arith.constant 40 : i32
      %dma_start3A_102 = arith.constant 0 : i32
      %dma_start3A_103 = tpu.memref_slice %arg9[%dma_start3A_101, %dma_start3A_102] : memref<80x64xf32, #tpu.memory_space<vmem>> -> memref<40x64xf32, #tpu.memory_space<vmem>>
      %dma_start3A_104 = tpu.memref_slice %arg7[%add3A_100] : memref<10000xi32, #tpu.memory_space<vmem>> -> memref<40xi32, #tpu.memory_space<vmem>>
      %dma_start3A_105 = arith.constant 0 : i32
      %dma_start3A_106 = arith.constant 0 : i32
      %dma_start3A_107 = tpu.memref_slice %arg2[%dma_start3A_105, %dma_start3A_106] : memref<10240x64xf32, #tpu.memory_space<hbm>> -> memref<10240x64xf32, #tpu.memory_space<hbm>>
      tpu.enqueue_indirect_dma source(%dma_start3A_107 : memref<10240x64xf32, #tpu.memory_space<hbm>>) target(%dma_start3A_103 : memref<40x64xf32, #tpu.memory_space<vmem>>) offsets(%dma_start3A_104 : memref<40xi32, #tpu.memory_space<vmem>>) semaphore(%arg13 : memref<!tpu.dma_semaphore, #tpu.memory_space<semaphore_mem>>)
      %dma_wait3A_108 = arith.constant 0 : i32
      %dma_wait3A_109 = arith.constant 0 : i32
      %dma_wait3A_110 = tpu.memref_slice %arg10[%dma_wait3A_108, %dma_wait3A_109] : memref<80x64xf32, #tpu.memory_space<vmem>> -> memref<40x64xf32, #tpu.memory_space<vmem>>
      %dma_wait3A_111 = arith.constant 0 : i32
      %dma_wait3A_112 = tpu.memref_slice %arg7[%dma_wait3A_111] : memref<10000xi32, #tpu.memory_space<vmem>> -> memref<40xi32, #tpu.memory_space<vmem>>
      %dma_wait3A_113 = arith.constant 0 : i32
      %dma_wait3A_114 = arith.constant 0 : i32
      %dma_wait3A_115 = tpu.memref_slice %arg2[%dma_wait3A_113, %dma_wait3A_114] : memref<10240x64xf32, #tpu.memory_space<hbm>> -> memref<10240x64xf32, #tpu.memory_space<hbm>>
      tpu.wait_indirect_dma semaphore(%arg14 : memref<!tpu.dma_semaphore, #tpu.memory_space<semaphore_mem>>) src(%dma_wait3A_115 : memref<10240x64xf32, #tpu.memory_space<hbm>>) dst(%dma_wait3A_110 : memref<40x64xf32, #tpu.memory_space<vmem>>)
      %dma_wait3A_116 = arith.constant 40 : i32
      %dma_wait3A_117 = arith.constant 0 : i32
      %dma_wait3A_118 = tpu.memref_slice %arg10[%dma_wait3A_116, %dma_wait3A_117] : memref<80x64xf32, #tpu.memory_space<vmem>> -> memref<40x64xf32, #tpu.memory_space<vmem>>
      %dma_wait3A_119 = arith.constant 0 : i32
      %dma_wait3A_120 = tpu.memref_slice %arg7[%dma_wait3A_119] : memref<10000xi32, #tpu.memory_space<vmem>> -> memref<40xi32, #tpu.memory_space<vmem>>
      %dma_wait3A_121 = arith.constant 0 : i32
      %dma_wait3A_122 = arith.constant 0 : i32
      %dma_wait3A_123 = tpu.memref_slice %arg2[%dma_wait3A_121, %dma_wait3A_122] : memref<10240x64xf32, #tpu.memory_space<hbm>> -> memref<10240x64xf32, #tpu.memory_space<hbm>>
      tpu.wait_indirect_dma semaphore(%arg15 : memref<!tpu.dma_semaphore, #tpu.memory_space<semaphore_mem>>) src(%dma_wait3A_123 : memref<10240x64xf32, #tpu.memory_space<hbm>>) dst(%dma_wait3A_118 : memref<40x64xf32, #tpu.memory_space<vmem>>)
      "tpu.region"() ({
        %run_scoped3A_124 = tpu.sem_alloc : memref<!tpu.dma_semaphore, #tpu.memory_space<semaphore_mem>>
        %dma_start3A_125 = arith.constant 0 : i32
        %dma_start3A_126 = tpu.memref_slice %arg8[%add3A_49, %dma_start3A_125] : memref<125x80xi32, #tpu.memory_space<vmem>> -> memref<1x80xi32, #tpu.memory_space<vmem>>
        %dma_start3A_127 = tpu.memref_squeeze %dma_start3A_126 : memref<1x80xi32, #tpu.memory_space<vmem>> -> memref<80xi32, #tpu.memory_space<vmem>>
        %dma_start3A_128 = arith.constant 0 : i32
        %dma_start3A_129 = arith.constant 0 : i32
        %dma_start3A_130 = tpu.memref_slice %arg11[%dma_start3A_128, %dma_start3A_129] : memref<10240x64xf32, #tpu.memory_space<vmem_shared>> -> memref<10240x64xf32, #tpu.memory_space<vmem_shared>>
        tpu.enqueue_indirect_dma source(%arg10 : memref<80x64xf32, #tpu.memory_space<vmem>>) target(%dma_start3A_130 : memref<10240x64xf32, #tpu.memory_space<vmem_shared>>) offsets(%dma_start3A_127 : memref<80xi32, #tpu.memory_space<vmem>>) semaphore(%run_scoped3A_124 : memref<!tpu.dma_semaphore, #tpu.memory_space<semaphore_mem>>) {add = true}
        %dma_wait3A_131 = arith.constant 0 : i32
        %dma_wait3A_132 = tpu.memref_slice %arg8[%add3A_49, %dma_wait3A_131] : memref<125x80xi32, #tpu.memory_space<vmem>> -> memref<1x80xi32, #tpu.memory_space<vmem>>
        %dma_wait3A_133 = tpu.memref_squeeze %dma_wait3A_132 : memref<1x80xi32, #tpu.memory_space<vmem>> -> memref<80xi32, #tpu.memory_space<vmem>>
        %dma_wait3A_134 = arith.constant 0 : i32
        %dma_wait3A_135 = arith.constant 0 : i32
        %dma_wait3A_136 = tpu.memref_slice %arg11[%dma_wait3A_134, %dma_wait3A_135] : memref<10240x64xf32, #tpu.memory_space<vmem_shared>> -> memref<10240x64xf32, #tpu.memory_space<vmem_shared>>
        tpu.wait_indirect_dma semaphore(%run_scoped3A_124 : memref<!tpu.dma_semaphore, #tpu.memory_space<semaphore_mem>>) src(%arg10 : memref<80x64xf32, #tpu.memory_space<vmem>>) dst(%dma_wait3A_136 : memref<10240x64xf32, #tpu.memory_space<vmem_shared>>)
        tpu.yield
      }) : () -> ()
    }
    %scan3A_24 = arith.constant 62 : i32
    %dma_wait3A = arith.constant 0 : i32
    %dma_wait3A_25 = arith.constant 0 : i32
    %dma_wait3A_26 = tpu.memref_slice %arg9[%dma_wait3A, %dma_wait3A_25] : memref<80x64xf32, #tpu.memory_space<vmem>> -> memref<40x64xf32, #tpu.memory_space<vmem>>
    %dma_wait3A_27 = arith.constant 0 : i32
    %dma_wait3A_28 = tpu.memref_slice %arg7[%dma_wait3A_27] : memref<10000xi32, #tpu.memory_space<vmem>> -> memref<40xi32, #tpu.memory_space<vmem>>
    %dma_wait3A_29 = arith.constant 0 : i32
    %dma_wait3A_30 = arith.constant 0 : i32
    %dma_wait3A_31 = tpu.memref_slice %arg2[%dma_wait3A_29, %dma_wait3A_30] : memref<10240x64xf32, #tpu.memory_space<hbm>> -> memref<10240x64xf32, #tpu.memory_space<hbm>>
    tpu.wait_indirect_dma semaphore(%arg12 : memref<!tpu.dma_semaphore, #tpu.memory_space<semaphore_mem>>) src(%dma_wait3A_31 : memref<10240x64xf32, #tpu.memory_space<hbm>>) dst(%dma_wait3A_26 : memref<40x64xf32, #tpu.memory_space<vmem>>)
    %dma_wait3A_32 = arith.constant 40 : i32
    %dma_wait3A_33 = arith.constant 0 : i32
    %dma_wait3A_34 = tpu.memref_slice %arg9[%dma_wait3A_32, %dma_wait3A_33] : memref<80x64xf32, #tpu.memory_space<vmem>> -> memref<40x64xf32, #tpu.memory_space<vmem>>
    %dma_wait3A_35 = arith.constant 0 : i32
    %dma_wait3A_36 = tpu.memref_slice %arg7[%dma_wait3A_35] : memref<10000xi32, #tpu.memory_space<vmem>> -> memref<40xi32, #tpu.memory_space<vmem>>
    %dma_wait3A_37 = arith.constant 0 : i32
    %dma_wait3A_38 = arith.constant 0 : i32
    %dma_wait3A_39 = tpu.memref_slice %arg2[%dma_wait3A_37, %dma_wait3A_38] : memref<10240x64xf32, #tpu.memory_space<hbm>> -> memref<10240x64xf32, #tpu.memory_space<hbm>>
    tpu.wait_indirect_dma semaphore(%arg13 : memref<!tpu.dma_semaphore, #tpu.memory_space<semaphore_mem>>) src(%dma_wait3A_39 : memref<10240x64xf32, #tpu.memory_space<hbm>>) dst(%dma_wait3A_34 : memref<40x64xf32, #tpu.memory_space<vmem>>)
    %run_scoped3A = arith.constant 124 : i32
    "tpu.region"() ({
      %run_scoped3A_45 = tpu.sem_alloc : memref<!tpu.dma_semaphore, #tpu.memory_space<semaphore_mem>>
      %dma_start3A_46 = arith.constant 0 : i32
      %dma_start3A_47 = tpu.memref_slice %arg8[%run_scoped3A, %dma_start3A_46] : memref<125x80xi32, #tpu.memory_space<vmem>> -> memref<1x80xi32, #tpu.memory_space<vmem>>
      %dma_start3A_48 = tpu.memref_squeeze %dma_start3A_47 : memref<1x80xi32, #tpu.memory_space<vmem>> -> memref<80xi32, #tpu.memory_space<vmem>>
      %dma_start3A_49 = arith.constant 0 : i32
      %dma_start3A_50 = arith.constant 0 : i32
      %dma_start3A_51 = tpu.memref_slice %arg11[%dma_start3A_49, %dma_start3A_50] : memref<10240x64xf32, #tpu.memory_space<vmem_shared>> -> memref<10240x64xf32, #tpu.memory_space<vmem_shared>>
      tpu.enqueue_indirect_dma source(%arg9 : memref<80x64xf32, #tpu.memory_space<vmem>>) target(%dma_start3A_51 : memref<10240x64xf32, #tpu.memory_space<vmem_shared>>) offsets(%dma_start3A_48 : memref<80xi32, #tpu.memory_space<vmem>>) semaphore(%run_scoped3A_45 : memref<!tpu.dma_semaphore, #tpu.memory_space<semaphore_mem>>) {add = true}
      %dma_wait3A_52 = arith.constant 0 : i32
      %dma_wait3A_53 = tpu.memref_slice %arg8[%run_scoped3A, %dma_wait3A_52] : memref<125x80xi32, #tpu.memory_space<vmem>> -> memref<1x80xi32, #tpu.memory_space<vmem>>
      %dma_wait3A_54 = tpu.memref_squeeze %dma_wait3A_53 : memref<1x80xi32, #tpu.memory_space<vmem>> -> memref<80xi32, #tpu.memory_space<vmem>>
      %dma_wait3A_55 = arith.constant 0 : i32
      %dma_wait3A_56 = arith.constant 0 : i32
      %dma_wait3A_57 = tpu.memref_slice %arg11[%dma_wait3A_55, %dma_wait3A_56] : memref<10240x64xf32, #tpu.memory_space<vmem_shared>> -> memref<10240x64xf32, #tpu.memory_space<vmem_shared>>
      tpu.wait_indirect_dma semaphore(%run_scoped3A_45 : memref<!tpu.dma_semaphore, #tpu.memory_space<semaphore_mem>>) src(%arg9 : memref<80x64xf32, #tpu.memory_space<vmem>>) dst(%dma_wait3A_57 : memref<10240x64xf32, #tpu.memory_space<vmem_shared>>)
      tpu.yield
    }) : () -> ()
    %barrier3A_40 = arith.constant 0 : index
    tpu.barrier barrier_id(%barrier3A_40)
    %mul3A_41 = arith.constant 640 : i32
    %mul3A_42 = arith.muli %arg1, %mul3A_41 : i32
    %mul3A_43 = arith.constant 640 : i32
    %mul3A_44 = arith.muli %arg1, %mul3A_43 : i32
    "tpu.region"() ({
      %run_scoped3A_45 = tpu.sem_alloc : memref<!tpu.dma_semaphore, #tpu.memory_space<semaphore_mem>>
      %dma_start3A_46 = arith.constant 0 : i32
      %dma_start3A_47 = tpu.memref_slice %arg6[%arg0, %mul3A_44, %dma_start3A_46] : memref<2x10240x64xf32, #tpu.memory_space<hbm>> -> memref<1x640x64xf32, #tpu.memory_space<hbm>>
      %dma_start3A_48 = tpu.memref_squeeze %dma_start3A_47 : memref<1x640x64xf32, #tpu.memory_space<hbm>> -> memref<640x64xf32, #tpu.memory_space<hbm>>
      %dma_start3A_49 = arith.constant 0 : i32
      %dma_start3A_50 = tpu.memref_slice %arg11[%mul3A_42, %dma_start3A_49] : memref<10240x64xf32, #tpu.memory_space<vmem_shared>> -> memref<640x64xf32, #tpu.memory_space<vmem_shared>>
      tpu.enqueue_dma source(%dma_start3A_50 : memref<640x64xf32, #tpu.memory_space<vmem_shared>>) target(%dma_start3A_48 : memref<640x64xf32, #tpu.memory_space<hbm>>) target_semaphore(%run_scoped3A_45 : memref<!tpu.dma_semaphore, #tpu.memory_space<semaphore_mem>>)
      %dma_wait3A_51 = arith.constant 0 : i32
      %dma_wait3A_52 = tpu.memref_slice %arg6[%arg0, %mul3A_44, %dma_wait3A_51] : memref<2x10240x64xf32, #tpu.memory_space<hbm>> -> memref<1x640x64xf32, #tpu.memory_space<hbm>>
      %dma_wait3A_53 = tpu.memref_squeeze %dma_wait3A_52 : memref<1x640x64xf32, #tpu.memory_space<hbm>> -> memref<640x64xf32, #tpu.memory_space<hbm>>
      %dma_wait3A_54 = arith.constant 0 : i32
      %dma_wait3A_55 = tpu.memref_slice %arg11[%mul3A_42, %dma_wait3A_54] : memref<10240x64xf32, #tpu.memory_space<vmem_shared>> -> memref<640x64xf32, #tpu.memory_space<vmem_shared>>
      tpu.wait_dma2 semaphore(%run_scoped3A_45 : memref<!tpu.dma_semaphore, #tpu.memory_space<semaphore_mem>>) src(%dma_wait3A_55 : memref<640x64xf32, #tpu.memory_space<vmem_shared>>) dst(%dma_wait3A_53 : memref<640x64xf32, #tpu.memory_space<hbm>>)
      tpu.yield
    }) : () -> ()
    return
  }
}

module attributes {stable_mosaic.version = 14 : i64} {
  func.func @_first_y_body(%arg0: memref<10000x128xf32, #tpu.memory_space<vmem>>, %arg1: memref<128x128xf32, #tpu.memory_space<vmem>>, %arg2: memref<2x10240x16xf32, #tpu.memory_space<vmem>>, %arg3: memref<1024x1xf32, #tpu.memory_space<vmem>>, %arg4: memref<1x1xf32, #tpu.memory_space<vmem>>, %arg5: memref<1x1xf32, #tpu.memory_space<vmem>>, %arg6: memref<1x128xf32, #tpu.memory_space<vmem>>, %arg7: memref<1x128xf32, #tpu.memory_space<vmem>>, %arg8: memref<128x64xf32, #tpu.memory_space<vmem>>, %arg9: memref<1x64xf32, #tpu.memory_space<vmem>>, %arg10: memref<10000x1xf32, #tpu.memory_space<vmem>>, %arg11: memref<10240x128xf32, #tpu.memory_space<vmem>>, %arg12: memref<1024x64xf32, #tpu.memory_space<vmem>>) attributes {dimension_semantics = [], scalar_prefetch = 0 : i64, scratch_operands = 0 : i64, tpu.core_type = #tpu.core_type<tc>} {
    %get3A = arith.constant 0 : index
    %get3A_0 = arith.constant 0 : index
    %get3A_1 = arith.constant 0 : index
    %get3A_2 = vector.load %arg2[%get3A, %get3A_0, %get3A_1] : memref<2x10240x16xf32, #tpu.memory_space<vmem>>, vector<1x10000x1xf32>
    %get3A_3 = vector.shape_cast %get3A_2 : vector<1x10000x1xf32> to vector<10000x1xf32>
    %get3A_4 = arith.constant 1 : index
    %get3A_5 = arith.constant 0 : index
    %get3A_6 = arith.constant 0 : index
    %get3A_7 = vector.load %arg2[%get3A_4, %get3A_5, %get3A_6] : memref<2x10240x16xf32, #tpu.memory_space<vmem>>, vector<1x10000x1xf32>
    %get3A_8 = vector.shape_cast %get3A_7 : vector<1x10000x1xf32> to vector<10000x1xf32>
    %add3A = arith.addf %get3A_3, %get3A_8 : vector<10000x1xf32>
    %add3A_9 = arith.constant 1.000000e+00 : f32
    %add3A_10 = vector.broadcast %add3A_9 : f32 to vector<10000x1xf32>
    %add3A_11 = arith.addf %add3A, %add3A_10 : vector<10000x1xf32>
    %rsqrt3A = math.rsqrt %add3A_11 : vector<10000x1xf32>
    %swap3A = arith.constant 0 : index
    %swap3A_12 = arith.constant 0 : index
    %swap3A_13 = vector.load %arg10[%swap3A, %swap3A_12] : memref<10000x1xf32, #tpu.memory_space<vmem>>, vector<10000x1xf32>
    tpu.vector_store %arg10[%swap3A, %swap3A_12], %rsqrt3A {strides = array<i32>} : memref<10000x1xf32, #tpu.memory_space<vmem>>, vector<10000x1xf32>,
    %get3A_14 = arith.constant 0 : index
    %get3A_15 = arith.constant 0 : index
    %get3A_16 = vector.load %arg0[%get3A_14, %get3A_15] : memref<10000x128xf32, #tpu.memory_space<vmem>>, vector<10000x128xf32>
    %get3A_17 = arith.constant 0 : index
    %get3A_18 = arith.constant 0 : index
    %get3A_19 = vector.load %arg1[%get3A_17, %get3A_18] : memref<128x128xf32, #tpu.memory_space<vmem>>, vector<128x128xf32>
    %dot_general3A = arith.constant dense<0.000000e+00> : vector<10000x128xf32>
    %dot_general3A_20 = tpu.matmul %get3A_16, %get3A_19, %dot_general3A {dimension_numbers = #tpu.dot_dimension_numbers<[1], [0], [0], [1], [0, 0, 1, 1], [], []>, transpose_lhs_hint = false} : vector<10000x128xf32>, vector<128x128xf32>, vector<10000x128xf32> -> vector<10000x128xf32>
    %mul3A = vector.broadcast %rsqrt3A : vector<10000x1xf32> to vector<10000x128xf32>
    %mul3A_21 = arith.mulf %mul3A, %dot_general3A_20 : vector<10000x128xf32>
    %swap3A_22 = arith.constant 0 : index
    %swap3A_23 = arith.constant 0 : index
    %swap3A_24 = vector.load %arg11[%swap3A_22, %swap3A_23] : memref<10240x128xf32, #tpu.memory_space<vmem>>, vector<10000x128xf32>
    tpu.vector_store %arg11[%swap3A_22, %swap3A_23], %mul3A_21 {strides = array<i32>} : memref<10240x128xf32, #tpu.memory_space<vmem>>, vector<10000x128xf32>,
    %broadcast_in_dim3A = arith.constant 0.000000e+00 : f32
    %broadcast_in_dim3A_25 = vector.broadcast %broadcast_in_dim3A : f32 to vector<240x128xf32>
    %swap3A_26 = arith.constant 10000 : index
    %swap3A_27 = arith.constant 0 : index
    %swap3A_28 = vector.load %arg11[%swap3A_26, %swap3A_27] : memref<10240x128xf32, #tpu.memory_space<vmem>>, vector<240x128xf32>
    tpu.vector_store %arg11[%swap3A_26, %swap3A_27], %broadcast_in_dim3A_25 {strides = array<i32>} : memref<10240x128xf32, #tpu.memory_space<vmem>>, vector<240x128xf32>,
    %get3A_29 = arith.constant 0 : index
    %get3A_30 = arith.constant 0 : index
    %get3A_31 = vector.load %arg3[%get3A_29, %get3A_30] : memref<1024x1xf32, #tpu.memory_space<vmem>>, vector<1024x1xf32>
    %reduce_sum3A = arith.constant dense<0.000000e+00> : vector<1xf32>
    %reduce_sum3A_32 = vector.multi_reduction <add>, %get3A_31, %reduce_sum3A [0] : vector<1024x1xf32> to vector<1xf32>
    %broadcast_in_dim3A_33 = vector.shape_cast %reduce_sum3A_32 : vector<1xf32> to vector<1x1xf32>
    %div3A = arith.constant 1.024000e+03 : f32
    %div3A_34 = vector.broadcast %div3A : f32 to vector<1x1xf32>
    %div3A_35 = arith.divf %broadcast_in_dim3A_33, %div3A_34 : vector<1x1xf32>
    %sub3A = vector.broadcast %div3A_35 : vector<1x1xf32> to vector<1024x1xf32>
    %sub3A_36 = arith.subf %get3A_31, %sub3A : vector<1024x1xf32>
    %sub3A_37 = vector.broadcast %div3A_35 : vector<1x1xf32> to vector<1024x1xf32>
    %sub3A_38 = arith.subf %get3A_31, %sub3A_37 : vector<1024x1xf32>
    %mul3A_39 = arith.mulf %sub3A_36, %sub3A_38 : vector<1024x1xf32>
    %reduce_sum3A_40 = arith.constant dense<0.000000e+00> : vector<1xf32>
    %reduce_sum3A_41 = vector.multi_reduction <add>, %mul3A_39, %reduce_sum3A_40 [0] : vector<1024x1xf32> to vector<1xf32>
    %broadcast_in_dim3A_42 = vector.shape_cast %reduce_sum3A_41 : vector<1xf32> to vector<1x1xf32>
    %div3A_43 = arith.constant 1.024000e+03 : f32
    %div3A_44 = vector.broadcast %div3A_43 : f32 to vector<1x1xf32>
    %div3A_45 = arith.divf %broadcast_in_dim3A_42, %div3A_44 : vector<1x1xf32>
    %sub3A_46 = vector.broadcast %div3A_35 : vector<1x1xf32> to vector<1024x1xf32>
    %sub3A_47 = arith.subf %get3A_31, %sub3A_46 : vector<1024x1xf32>
    %add3A_48 = arith.constant 9.99999974E-6 : f32
    %add3A_49 = vector.broadcast %add3A_48 : f32 to vector<1x1xf32>
    %add3A_50 = arith.addf %div3A_45, %add3A_49 : vector<1x1xf32>
    %sqrt3A = math.sqrt %add3A_50 : vector<1x1xf32>
    %div3A_51 = vector.broadcast %sqrt3A : vector<1x1xf32> to vector<1024x1xf32>
    %div3A_52 = arith.divf %sub3A_47, %div3A_51 : vector<1024x1xf32>
    %get3A_53 = arith.constant 0 : index
    %get3A_54 = arith.constant 0 : index
    %get3A_55 = vector.load %arg4[%get3A_53, %get3A_54] : memref<1x1xf32, #tpu.memory_space<vmem>>, vector<1x1xf32>
    %mul3A_56 = vector.broadcast %get3A_55 : vector<1x1xf32> to vector<1024x1xf32>
    %mul3A_57 = arith.mulf %div3A_52, %mul3A_56 : vector<1024x1xf32>
    %get3A_58 = arith.constant 0 : index
    %get3A_59 = arith.constant 0 : index
    %get3A_60 = vector.load %arg5[%get3A_58, %get3A_59] : memref<1x1xf32, #tpu.memory_space<vmem>>, vector<1x1xf32>
    %add3A_61 = vector.broadcast %get3A_60 : vector<1x1xf32> to vector<1024x1xf32>
    %add3A_62 = arith.addf %mul3A_57, %add3A_61 : vector<1024x1xf32>
    %get3A_63 = arith.constant 0 : index
    %get3A_64 = arith.constant 0 : index
    %get3A_65 = vector.load %arg6[%get3A_63, %get3A_64] : memref<1x128xf32, #tpu.memory_space<vmem>>, vector<1x128xf32>
    %mul3A_66 = vector.broadcast %add3A_62 : vector<1024x1xf32> to vector<1024x128xf32>
    %mul3A_67 = vector.broadcast %get3A_65 : vector<1x128xf32> to vector<1024x128xf32>
    %mul3A_68 = arith.mulf %mul3A_66, %mul3A_67 : vector<1024x128xf32>
    %get3A_69 = arith.constant 0 : index
    %get3A_70 = arith.constant 0 : index
    %get3A_71 = vector.load %arg7[%get3A_69, %get3A_70] : memref<1x128xf32, #tpu.memory_space<vmem>>, vector<1x128xf32>
    %add3A_72 = vector.broadcast %get3A_71 : vector<1x128xf32> to vector<1024x128xf32>
    %add3A_73 = arith.addf %mul3A_68, %add3A_72 : vector<1024x128xf32>
    %max3A = arith.constant 0.000000e+00 : f32
    %max3A_74 = vector.broadcast %max3A : f32 to vector<1024x128xf32>
    %max3A_75 = arith.maximumf %add3A_73, %max3A_74 : vector<1024x128xf32>
    %get3A_76 = arith.constant 0 : index
    %get3A_77 = arith.constant 0 : index
    %get3A_78 = vector.load %arg8[%get3A_76, %get3A_77] : memref<128x64xf32, #tpu.memory_space<vmem>>, vector<128x64xf32>
    %dot_general3A_79 = arith.constant dense<0.000000e+00> : vector<1024x64xf32>
    %dot_general3A_80 = tpu.matmul %max3A_75, %get3A_78, %dot_general3A_79 {dimension_numbers = #tpu.dot_dimension_numbers<[1], [0], [0], [1], [0, 0, 1, 1], [], []>, transpose_lhs_hint = false} : vector<1024x128xf32>, vector<128x64xf32>, vector<1024x64xf32> -> vector<1024x64xf32>
    %get3A_81 = arith.constant 0 : index
    %get3A_82 = arith.constant 0 : index
    %get3A_83 = vector.load %arg9[%get3A_81, %get3A_82] : memref<1x64xf32, #tpu.memory_space<vmem>>, vector<1x64xf32>
    %add3A_84 = vector.broadcast %get3A_83 : vector<1x64xf32> to vector<1024x64xf32>
    %add3A_85 = arith.addf %dot_general3A_80, %add3A_84 : vector<1024x64xf32>
    %mul3A_86 = arith.mulf %add3A_85, %add3A_85 : vector<1024x64xf32>
    %reduce_sum3A_87 = arith.constant dense<0.000000e+00> : vector<1024xf32>
    %reduce_sum3A_88 = vector.multi_reduction <add>, %mul3A_86, %reduce_sum3A_87 [1] : vector<1024x64xf32> to vector<1024xf32>
    %broadcast_in_dim3A_89 = vector.shape_cast %reduce_sum3A_88 : vector<1024xf32> to vector<1024x1xf32>
    %sqrt3A_90 = math.sqrt %broadcast_in_dim3A_89 : vector<1024x1xf32>
    %max3A_91 = arith.constant 9.99999996E-13 : f32
    %max3A_92 = vector.broadcast %max3A_91 : f32 to vector<1024x1xf32>
    %max3A_93 = arith.maximumf %sqrt3A_90, %max3A_92 : vector<1024x1xf32>
    %div3A_94 = vector.broadcast %max3A_93 : vector<1024x1xf32> to vector<1024x64xf32>
    %div3A_95 = arith.divf %add3A_85, %div3A_94 : vector<1024x64xf32>
    %swap3A_96 = arith.constant 0 : index
    %swap3A_97 = arith.constant 0 : index
    %swap3A_98 = vector.load %arg12[%swap3A_96, %swap3A_97] : memref<1024x64xf32, #tpu.memory_space<vmem>>, vector<1024x64xf32>
    tpu.vector_store %arg12[%swap3A_96, %swap3A_97], %div3A_95 {strides = array<i32>} : memref<1024x64xf32, #tpu.memory_space<vmem>>, vector<1024x64xf32>,
    return
  }
}

module attributes {stable_mosaic.version = 14 : i64} {
  func.func @_mid_body(%arg0: memref<2x10240x128xf32, #tpu.memory_space<vmem>>, %arg1: memref<10240x128xf32, #tpu.memory_space<vmem>>, %arg2: memref<10000x1xf32, #tpu.memory_space<vmem>>, %arg3: memref<1x128xf32, #tpu.memory_space<vmem>>, %arg4: memref<128x128xf32, #tpu.memory_space<vmem>>, %arg5: memref<10240x128xf32, #tpu.memory_space<vmem>>) attributes {dimension_semantics = [], scalar_prefetch = 0 : i64, scratch_operands = 0 : i64, tpu.core_type = #tpu.core_type<tc>} {
    %get3A = arith.constant 0 : index
    %get3A_0 = arith.constant 0 : index
    %get3A_1 = vector.load %arg2[%get3A, %get3A_0] : memref<10000x1xf32, #tpu.memory_space<vmem>>, vector<10000x1xf32>
    %get3A_2 = arith.constant 0 : index
    %get3A_3 = arith.constant 0 : index
    %get3A_4 = arith.constant 0 : index
    %get3A_5 = vector.load %arg0[%get3A_2, %get3A_3, %get3A_4] : memref<2x10240x128xf32, #tpu.memory_space<vmem>>, vector<1x10000x128xf32>
    %get3A_6 = vector.shape_cast %get3A_5 : vector<1x10000x128xf32> to vector<10000x128xf32>
    %get3A_7 = arith.constant 1 : index
    %get3A_8 = arith.constant 0 : index
    %get3A_9 = arith.constant 0 : index
    %get3A_10 = vector.load %arg0[%get3A_7, %get3A_8, %get3A_9] : memref<2x10240x128xf32, #tpu.memory_space<vmem>>, vector<1x10000x128xf32>
    %get3A_11 = vector.shape_cast %get3A_10 : vector<1x10000x128xf32> to vector<10000x128xf32>
    %add3A = arith.addf %get3A_6, %get3A_11 : vector<10000x128xf32>
    %get3A_12 = arith.constant 0 : index
    %get3A_13 = arith.constant 0 : index
    %get3A_14 = vector.load %arg1[%get3A_12, %get3A_13] : memref<10240x128xf32, #tpu.memory_space<vmem>>, vector<10000x128xf32>
    %add3A_15 = arith.addf %add3A, %get3A_14 : vector<10000x128xf32>
    %mul3A = vector.broadcast %get3A_1 : vector<10000x1xf32> to vector<10000x128xf32>
    %mul3A_16 = arith.mulf %mul3A, %add3A_15 : vector<10000x128xf32>
    %get3A_17 = arith.constant 0 : index
    %get3A_18 = arith.constant 0 : index
    %get3A_19 = vector.load %arg3[%get3A_17, %get3A_18] : memref<1x128xf32, #tpu.memory_space<vmem>>, vector<1x128xf32>
    %add3A_20 = vector.broadcast %get3A_19 : vector<1x128xf32> to vector<10000x128xf32>
    %add3A_21 = arith.addf %mul3A_16, %add3A_20 : vector<10000x128xf32>
    %max3A = arith.constant 0.000000e+00 : f32
    %max3A_22 = vector.broadcast %max3A : f32 to vector<10000x128xf32>
    %max3A_23 = arith.maximumf %add3A_21, %max3A_22 : vector<10000x128xf32>
    %get3A_24 = arith.constant 0 : index
    %get3A_25 = arith.constant 0 : index
    %get3A_26 = vector.load %arg4[%get3A_24, %get3A_25] : memref<128x128xf32, #tpu.memory_space<vmem>>, vector<128x128xf32>
    %dot_general3A = arith.constant dense<0.000000e+00> : vector<10000x128xf32>
    %dot_general3A_27 = tpu.matmul %max3A_23, %get3A_26, %dot_general3A {dimension_numbers = #tpu.dot_dimension_numbers<[1], [0], [0], [1], [0, 0, 1, 1], [], []>, transpose_lhs_hint = false} : vector<10000x128xf32>, vector<128x128xf32>, vector<10000x128xf32> -> vector<10000x128xf32>
    %mul3A_28 = vector.broadcast %get3A_1 : vector<10000x1xf32> to vector<10000x128xf32>
    %mul3A_29 = arith.mulf %mul3A_28, %dot_general3A_27 : vector<10000x128xf32>
    %swap3A = arith.constant 0 : index
    %swap3A_30 = arith.constant 0 : index
    %swap3A_31 = vector.load %arg5[%swap3A, %swap3A_30] : memref<10240x128xf32, #tpu.memory_space<vmem>>, vector<10000x128xf32>
    tpu.vector_store %arg5[%swap3A, %swap3A_30], %mul3A_29 {strides = array<i32>} : memref<10240x128xf32, #tpu.memory_space<vmem>>, vector<10000x128xf32>,
    %broadcast_in_dim3A = arith.constant 0.000000e+00 : f32
    %broadcast_in_dim3A_32 = vector.broadcast %broadcast_in_dim3A : f32 to vector<240x128xf32>
    %swap3A_33 = arith.constant 10000 : index
    %swap3A_34 = arith.constant 0 : index
    %swap3A_35 = vector.load %arg5[%swap3A_33, %swap3A_34] : memref<10240x128xf32, #tpu.memory_space<vmem>>, vector<240x128xf32>
    tpu.vector_store %arg5[%swap3A_33, %swap3A_34], %broadcast_in_dim3A_32 {strides = array<i32>} : memref<10240x128xf32, #tpu.memory_space<vmem>>, vector<240x128xf32>,
    return
  }
}

module attributes {stable_mosaic.version = 14 : i64} {
  func.func @_mid_body(%arg0: memref<2x10240x128xf32, #tpu.memory_space<vmem>>, %arg1: memref<10240x128xf32, #tpu.memory_space<vmem>>, %arg2: memref<10000x1xf32, #tpu.memory_space<vmem>>, %arg3: memref<1x128xf32, #tpu.memory_space<vmem>>, %arg4: memref<128x64xf32, #tpu.memory_space<vmem>>, %arg5: memref<10240x64xf32, #tpu.memory_space<vmem>>) attributes {dimension_semantics = [], scalar_prefetch = 0 : i64, scratch_operands = 0 : i64, tpu.core_type = #tpu.core_type<tc>} {
    %get3A = arith.constant 0 : index
    %get3A_0 = arith.constant 0 : index
    %get3A_1 = vector.load %arg2[%get3A, %get3A_0] : memref<10000x1xf32, #tpu.memory_space<vmem>>, vector<10000x1xf32>
    %get3A_2 = arith.constant 0 : index
    %get3A_3 = arith.constant 0 : index
    %get3A_4 = arith.constant 0 : index
    %get3A_5 = vector.load %arg0[%get3A_2, %get3A_3, %get3A_4] : memref<2x10240x128xf32, #tpu.memory_space<vmem>>, vector<1x10000x128xf32>
    %get3A_6 = vector.shape_cast %get3A_5 : vector<1x10000x128xf32> to vector<10000x128xf32>
    %get3A_7 = arith.constant 1 : index
    %get3A_8 = arith.constant 0 : index
    %get3A_9 = arith.constant 0 : index
    %get3A_10 = vector.load %arg0[%get3A_7, %get3A_8, %get3A_9] : memref<2x10240x128xf32, #tpu.memory_space<vmem>>, vector<1x10000x128xf32>
    %get3A_11 = vector.shape_cast %get3A_10 : vector<1x10000x128xf32> to vector<10000x128xf32>
    %add3A = arith.addf %get3A_6, %get3A_11 : vector<10000x128xf32>
    %get3A_12 = arith.constant 0 : index
    %get3A_13 = arith.constant 0 : index
    %get3A_14 = vector.load %arg1[%get3A_12, %get3A_13] : memref<10240x128xf32, #tpu.memory_space<vmem>>, vector<10000x128xf32>
    %add3A_15 = arith.addf %add3A, %get3A_14 : vector<10000x128xf32>
    %mul3A = vector.broadcast %get3A_1 : vector<10000x1xf32> to vector<10000x128xf32>
    %mul3A_16 = arith.mulf %mul3A, %add3A_15 : vector<10000x128xf32>
    %get3A_17 = arith.constant 0 : index
    %get3A_18 = arith.constant 0 : index
    %get3A_19 = vector.load %arg3[%get3A_17, %get3A_18] : memref<1x128xf32, #tpu.memory_space<vmem>>, vector<1x128xf32>
    %add3A_20 = vector.broadcast %get3A_19 : vector<1x128xf32> to vector<10000x128xf32>
    %add3A_21 = arith.addf %mul3A_16, %add3A_20 : vector<10000x128xf32>
    %max3A = arith.constant 0.000000e+00 : f32
    %max3A_22 = vector.broadcast %max3A : f32 to vector<10000x128xf32>
    %max3A_23 = arith.maximumf %add3A_21, %max3A_22 : vector<10000x128xf32>
    %get3A_24 = arith.constant 0 : index
    %get3A_25 = arith.constant 0 : index
    %get3A_26 = vector.load %arg4[%get3A_24, %get3A_25] : memref<128x64xf32, #tpu.memory_space<vmem>>, vector<128x64xf32>
    %dot_general3A = arith.constant dense<0.000000e+00> : vector<10000x64xf32>
    %dot_general3A_27 = tpu.matmul %max3A_23, %get3A_26, %dot_general3A {dimension_numbers = #tpu.dot_dimension_numbers<[1], [0], [0], [1], [0, 0, 1, 1], [], []>, transpose_lhs_hint = false} : vector<10000x128xf32>, vector<128x64xf32>, vector<10000x64xf32> -> vector<10000x64xf32>
    %mul3A_28 = vector.broadcast %get3A_1 : vector<10000x1xf32> to vector<10000x64xf32>
    %mul3A_29 = arith.mulf %mul3A_28, %dot_general3A_27 : vector<10000x64xf32>
    %swap3A = arith.constant 0 : index
    %swap3A_30 = arith.constant 0 : index
    %swap3A_31 = vector.load %arg5[%swap3A, %swap3A_30] : memref<10240x64xf32, #tpu.memory_space<vmem>>, vector<10000x64xf32>
    tpu.vector_store %arg5[%swap3A, %swap3A_30], %mul3A_29 {strides = array<i32>} : memref<10240x64xf32, #tpu.memory_space<vmem>>, vector<10000x64xf32>,
    %broadcast_in_dim3A = arith.constant 0.000000e+00 : f32
    %broadcast_in_dim3A_32 = vector.broadcast %broadcast_in_dim3A : f32 to vector<240x64xf32>
    %swap3A_33 = arith.constant 10000 : index
    %swap3A_34 = arith.constant 0 : index
    %swap3A_35 = vector.load %arg5[%swap3A_33, %swap3A_34] : memref<10240x64xf32, #tpu.memory_space<vmem>>, vector<240x64xf32>
    tpu.vector_store %arg5[%swap3A_33, %swap3A_34], %broadcast_in_dim3A_32 {strides = array<i32>} : memref<10240x64xf32, #tpu.memory_space<vmem>>, vector<240x64xf32>,
    return
  }
}

module attributes {stable_mosaic.version = 14 : i64} {
  func.func @_last_body(%arg0: memref<2x10240x64xf32, #tpu.memory_space<vmem>>, %arg1: memref<10240x64xf32, #tpu.memory_space<vmem>>, %arg2: memref<10000x1xf32, #tpu.memory_space<vmem>>, %arg3: memref<1x64xf32, #tpu.memory_space<vmem>>, %arg4: memref<10000x64xf32, #tpu.memory_space<vmem>>) attributes {dimension_semantics = [], scalar_prefetch = 0 : i64, scratch_operands = 0 : i64, tpu.core_type = #tpu.core_type<tc>} {
    %get3A = arith.constant 0 : index
    %get3A_0 = arith.constant 0 : index
    %get3A_1 = vector.load %arg2[%get3A, %get3A_0] : memref<10000x1xf32, #tpu.memory_space<vmem>>, vector<10000x1xf32>
    %get3A_2 = arith.constant 0 : index
    %get3A_3 = arith.constant 0 : index
    %get3A_4 = arith.constant 0 : index
    %get3A_5 = vector.load %arg0[%get3A_2, %get3A_3, %get3A_4] : memref<2x10240x64xf32, #tpu.memory_space<vmem>>, vector<1x10000x64xf32>
    %get3A_6 = vector.shape_cast %get3A_5 : vector<1x10000x64xf32> to vector<10000x64xf32>
    %get3A_7 = arith.constant 1 : index
    %get3A_8 = arith.constant 0 : index
    %get3A_9 = arith.constant 0 : index
    %get3A_10 = vector.load %arg0[%get3A_7, %get3A_8, %get3A_9] : memref<2x10240x64xf32, #tpu.memory_space<vmem>>, vector<1x10000x64xf32>
    %get3A_11 = vector.shape_cast %get3A_10 : vector<1x10000x64xf32> to vector<10000x64xf32>
    %add3A = arith.addf %get3A_6, %get3A_11 : vector<10000x64xf32>
    %get3A_12 = arith.constant 0 : index
    %get3A_13 = arith.constant 0 : index
    %get3A_14 = vector.load %arg1[%get3A_12, %get3A_13] : memref<10240x64xf32, #tpu.memory_space<vmem>>, vector<10000x64xf32>
    %add3A_15 = arith.addf %add3A, %get3A_14 : vector<10000x64xf32>
    %mul3A = vector.broadcast %get3A_1 : vector<10000x1xf32> to vector<10000x64xf32>
    %mul3A_16 = arith.mulf %mul3A, %add3A_15 : vector<10000x64xf32>
    %get3A_17 = arith.constant 0 : index
    %get3A_18 = arith.constant 0 : index
    %get3A_19 = vector.load %arg3[%get3A_17, %get3A_18] : memref<1x64xf32, #tpu.memory_space<vmem>>, vector<1x64xf32>
    %add3A_20 = vector.broadcast %get3A_19 : vector<1x64xf32> to vector<10000x64xf32>
    %add3A_21 = arith.addf %mul3A_16, %add3A_20 : vector<10000x64xf32>
    %mul3A_22 = arith.mulf %add3A_21, %add3A_21 : vector<10000x64xf32>
    %reduce_sum3A = arith.constant dense<0.000000e+00> : vector<10000xf32>
    %reduce_sum3A_23 = vector.multi_reduction <add>, %mul3A_22, %reduce_sum3A [1] : vector<10000x64xf32> to vector<10000xf32>
    %broadcast_in_dim3A = vector.shape_cast %reduce_sum3A_23 : vector<10000xf32> to vector<10000x1xf32>
    %sqrt3A = math.sqrt %broadcast_in_dim3A : vector<10000x1xf32>
    %max3A = arith.constant 9.99999996E-13 : f32
    %max3A_24 = vector.broadcast %max3A : f32 to vector<10000x1xf32>
    %max3A_25 = arith.maximumf %sqrt3A, %max3A_24 : vector<10000x1xf32>
    %div3A = vector.broadcast %max3A_25 : vector<10000x1xf32> to vector<10000x64xf32>
    %div3A_26 = arith.divf %add3A_21, %div3A : vector<10000x64xf32>
    %swap3A = arith.constant 0 : index
    %swap3A_27 = arith.constant 0 : index
    %swap3A_28 = vector.load %arg4[%swap3A, %swap3A_27] : memref<10000x64xf32, #tpu.memory_space<vmem>>, vector<10000x64xf32>
    tpu.vector_store %arg4[%swap3A, %swap3A_27], %div3A_26 {strides = array<i32>} : memref<10000x64xf32, #tpu.memory_space<vmem>>, vector<10000x64xf32>,
    return
  }
}

</mosaic_0001>

<sc_bundles>
// kernel: kernel.10.cloned.1.call-start
scs
__scs_entry_jumppad:
0x0: {  	(pc) =	sbr.rel $0x88, $3  }
0x1: {  	(tag) =	ssettag $0x0;
	lr =	simm.s32 $0x1  }
0x2: {  	[smem:$0x3F92] =	sst lr;
	_ =	strace $0xD0000000  }
0x3: {  	_ = 	snop  }
0x4: {  	_ = 	snop  }
0x5: {  	_ = 	snop  }
0x6: {  	_ = 	snop  }
0x7: {  	_ = 	snop  }
__scs_overlays_trampoline_lowered:
0x8: {  	[smem:$0x3FA1] =	sst s0  }
0x9: {  	[smem:$0x3FA2] =	sst s1  }
0xa: {  	[smem:$0x3FA3] =	sst s2  }
0xb: {  	[smem:$0x3FA4] =	sst s3  }
0xc: {  	[smem:$0x3FA5] =	sst s4  }
0xd: {  	[smem:$0x3FA6] =	sst s5  }
0xe: {  	[smem:$0x3FA7] =	sst s6  }
0xf: {  	[smem:$0x3FA8] =	sst s7  }
0x10: {  	[smem:$0x3FA9] =	sst s8  }
0x11: {  	[smem:$0x3FAA] =	sst s9;
	s0 =	simm.s32 @!p0 $0x0  }
0x12: {  	s1 =	sld [smem:$0x3F90];
	s0 =	simm.s32 @p0 $0x1  }
0x13: {  	[smem:$0x3FAB] =	sst s0;
	s0 =	simm.s32 @!p1 $0x0  }
0x14: {  	s2 =	sld [smem:$0x3F8F];
	s0 =	simm.s32 @p1 $0x1  }
0x15: {  	[smem:$0x3FAC] =	sst s0;
	s0 =	simm.s32 @!p2 $0x0  }
0x16: {  	s3 =	sld [smem:$0x3FDB];
	s0 =	simm.s32 @p2 $0x1  }
0x17: {  	s4 =	simm.s32 $0x1BF5;
	[smem:$0x3FAE] =	sst s0  }
0x18: {  	s0 =	sld [smem:$0x3F91];
	_ =	swait.ge [sflag:s4], $0x0  }
0x19: {  	s7 =	sld [smem:$0x3F92]  }
0x1a: {  	s8 =	sadd.s32 $0xFFFFE003, lr  }
0x1b: {  	s9 =	sadd.s32 $0xFFFFFEF7, lr;
	s5 =	simm.s32 $0xFFFFFFFF;
	p2 =	slt.u32 s8, $0xFFFFF086  }
0x1c: {  	p1 =	slt.u32 s9, $0xF7A;
	s5 =	simm.s32 @!p2 $0x0  }
0x1d: {  	s5 =	simm.s32 @p1 $0x1;
	p0 =	seq.s32 s7, s2  }
0x1e: {  	s7 =	smul.u32 @!p0 $0xF7A, s2;
	p2 =	seq.s32 @!p0 s5, $0x0  }
0x1f: {  	s9 =	smul.u32 $0xF7A, s1;
	s8 =	simm.s32 @!p0 $0x1BF5;
	p2 =	por !p2, p0  }
0x20: {  	[sflag:s8] =	ssyncset.s32 @!p0 $0xFFFFF086;
	s6 =	sadd.s32 @!p0 s3, s7;
	s7 =	simm.s32 @!p0 $0x108  }
0x21: {  	s3 =	sadd.s32 s3, s9;
	s6 =	sadd.s32 @!p0 $0x88, s6;
	s7 =	simm.s32 @p2 $0x1082  }
0x22: {  	[simem:s7], [sflag:s8] =	dma.local @!p0 [hbm:s6], $0xF7A  }
0x23: {  	s9 =	sor.u32 $0xD0000000, s2;
	s6 =	simm.s32 $0x108;
	_ =	swait.ge @!p0 [sflag:s8], $0x0  }
0x24: {  	s3 =	sadd.s32 $0x88, s3;
	s6 =	simm.s32 @!p1 $0x1082;
	[sflag:s4] =	ssyncset.s32 $0xFFFFF086  }
0x25: {  	[simem:s6], [sflag:s4] =	dma.local [hbm:s3], $0xF7A  }
0x26: {  	[smem:$0x3F92] =	sst s1;
	(tag) =	ssettag s2;
	_ =	strace s9  }
0x27: {  	s1 =	sld [smem:$0x3FA2]  }
0x28: {  	s2 =	sld [smem:$0x3FA3]  }
0x29: {  	s4 =	sld [smem:$0x3FA5]  }
0x2a: {  	p0 =	seq.s32 s5, $0x0;
	s5 =	sld [smem:$0x3FA6]  }
0x2b: {  	s6 =	sld [smem:$0x3FA7]  }
0x2c: {  	s7 =	sld [smem:$0x3FA8]  }
0x2d: {  	s3 =	simm.s32 $0x108;
	s8 =	sld [smem:$0x3FA9]  }
0x2e: {  	s3 =	simm.s32 @!p0 $0x1082;
	s9 =	sld [smem:$0x3FAA]  }
0x2f: {  	lr =	sadd.s32 s0, s3;
	s0 =	sld [smem:$0x3FA1]  }
0x30: {  	s3 =	sld [smem:$0x3FA4]  }
0x31: {  	[smem:$0x3FAD] =	sst s10  }
0x32: {  	s10 =	sld [smem:$0x3FAB];
	_ =	sdelay $0x3  }
0x33: {  	p0 =	seq.s32 s10, $0x1;
	s10 =	sld [smem:$0x3FAD];
	_ =	sdelay $0x3  }
0x34: {  	[smem:$0x3FAD] =	sst s10  }
0x35: {  	s10 =	sld [smem:$0x3FAC];
	_ =	sdelay $0x3  }
0x36: {  	p1 =	seq.s32 s10, $0x1;
	s10 =	sld [smem:$0x3FAD];
	_ =	sdelay $0x3  }
0x37: {  	[smem:$0x3FAD] =	sst s10  }
0x38: {  	s10 =	sld [smem:$0x3FAE]  }
0x39: {  	_ = 	snop;
	(pc) =	sbr.ind lr, $3  }
0x3a: {  	_ = 	snop  }
0x3b: {  	_ = 	snop  }
0x3c: {  	p2 =	seq.s32 s10, $0x1;
	s10 =	sld [smem:$0x3FAD]  }
0x3d: {  	_ =	shalt  }
0x3e: {  	_ =	shalt  }
0x3f: {  	_ =	shalt  }
0x40: {  	_ =	shalt  }
0x41: {  	_ =	shalt  }
0x42: {  	_ =	shalt  }
0x43: {  	_ =	shalt  }
0x44: {  	_ =	shalt  }
0x45: {  	_ =	shalt  }
0x46: {  	_ =	shalt  }
0x47: {  	_ =	shalt  }
0x48: {  	_ =	shalt  }
0x49: {  	_ =	shalt  }
0x4a: {  	_ =	shalt  }
0x4b: {  	_ =	shalt  }
0x4c: {  	_ =	shalt  }
0x4d: {  	_ =	shalt  }
0x4e: {  	_ =	shalt  }
0x4f: {  	_ =	shalt  }
0x50: {  	_ =	shalt  }
0x51: {  	_ =	shalt  }
0x52: {  	_ =	shalt  }
0x53: {  	_ =	shalt  }
0x54: {  	_ =	shalt  }
0x55: {  	_ =	shalt  }
0x56: {  	_ =	shalt  }
0x57: {  	_ =	shalt  }
0x58: {  	_ =	shalt  }
0x59: {  	_ =	shalt  }
0x5a: {  	_ =	shalt  }
0x5b: {  	_ =	shalt  }
0x5c: {  	_ =	shalt  }
0x5d: {  	_ =	shalt  }
0x5e: {  	_ =	shalt  }
0x5f: {  	_ =	shalt  }
0x60: {  	_ =	shalt  }
0x61: {  	_ =	shalt  }
0x62: {  	_ =	shalt  }
0x63: {  	_ =	shalt  }
0x64: {  	_ =	shalt  }
0x65: {  	_ =	shalt  }
0x66: {  	_ =	shalt  }
0x67: {  	_ =	shalt  }
0x68: {  	_ =	shalt  }
0x69: {  	_ =	shalt  }
0x6a: {  	_ =	shalt  }
0x6b: {  	_ =	shalt  }
0x6c: {  	_ =	shalt  }
0x6d: {  	_ =	shalt  }
0x6e: {  	_ =	shalt  }
0x6f: {  	_ =	shalt  }
0x70: {  	_ =	shalt  }
0x71: {  	_ =	shalt  }
0x72: {  	_ =	shalt  }
0x73: {  	_ =	shalt  }
0x74: {  	_ =	shalt  }
0x75: {  	_ =	shalt  }
0x76: {  	_ =	shalt  }
0x77: {  	_ =	shalt  }
0x78: {  	_ =	shalt  }
0x79: {  	_ =	shalt  }
0x7a: {  	_ =	shalt  }
0x7b: {  	_ =	shalt  }
0x7c: {  	_ =	shalt  }
0x7d: {  	_ =	shalt  }
0x7e: {  	_ =	shalt  }
0x7f: {  	_ =	shalt  }
0x80: {  	_ =	shalt  }
0x81: {  	_ =	shalt  }
0x82: {  	_ =	shalt  }
0x83: {  	_ =	shalt  }
0x84: {  	_ =	shalt  }
0x85: {  	_ =	shalt  }
0x86: {  	_ =	shalt  }
0x87: {  	_ =	shalt  }
.Lfunc_end0:
.L_simem_size_0:
called_computation_lowered:
.L_overlay_start_0:
0x88: {  	s2 =	sld [smem:$0x3FD9]  }
0x89: {  	s3 =	sld [smem:$0x3FFE];
	_ =	sdelay $0x1  }
0x8a: {  	s1 =	srdreg.scid  }
0x8b: {  	s0 =	sand.u32 $0x1, s1  }
0x8c: {  	s14 =	sshll.u32 s0, $0xA;
	s2 =	sadd.s32 s3, s2  }
0x8d: {  	s2 =	sadd.s32 s2, s14  }
0x8e: {  	[smem:$0x3FB9] =	sst s2  }
0x8f: {  	_ = 	snop  }
0x90: {  	s2 =	sld [smem:$0x3FD0];
	_ =	sdelay $0x2  }
0x91: {  	s15 =	simm.s32 $0xA;
	s4 =	simm.s32 $0x10  }
0x92: {  	[smem:s4], [sflag:s15] =	dma.local [hbm:s2], $0x1  }
0x93: {  	_ =	swait.eq [sflag:s15], $0x1  }
0x94: {  	[sflag:s15] =	ssyncset.done $0x0  }
0x95: {  	s16 =	sld [smem:$0x10];
	[sflag:s15] =	ssyncadd.s32 $0xFFFFFFFF  }
0x96: {  	s17 =	sld [smem:$0x11];
	(tm) =	ssettm $0x1  }
0x97: {  	s18 =	sld [smem:$0x3FFB];
	_ =	sdelay $0x3  }
0x98: {  	_ =	strace s18  }
0x99: {  	s4 =	sld [smem:$0x3FFC];
	_ =	sdelay $0x3  }
0x9a: {  	_ =	strace s4  }
0x9b: {  	s4 =	sld [smem:$0x3FFD];
	_ =	sdelay $0x3  }
0x9c: {  	_ =	strace s4  }
0x9d: {  	_ =	strace $0x8FFFFFFF  }
0x9e: {  	s19 =	sld [smem:$0x3FDB];
	_ =	sdelay $0x1  }
0x9f: {  	s5 =	simm.s32 $_scs_section_size  }
0xa0: {  	s6 =	simm.s32 $_size__tile_overlayer_lowered;
	s7 =	simm.s32 $_tile_overlayer_lowered  }
0xa1: {  	s22 =	simm.s32 $0x1BFF;
	s21 =	sshll.u32 s7, $0x1;
	s4 =	sadd.s32 s5, s19  }
0xa2: {  	s8 =	simm.s32 $0x0;
	s20 =	sshll.u32 s6, $0x1;
	s6 =	sadd.s32 s21, s4  }
0xa3: {  	[timem:s8], [sflag:s22] =	dma.local [hbm:s6], s20  }
0xa4: {  	_ =	swait.ge [sflag:s22], s20  }
0xa5: {  	s5 =	ssub.s32 $0x0, s20;
	[sflag:s22] =	ssyncset.done $0x0  }
0xa6: {  	[sflag:s22] =	ssyncadd.s32 s5;
	_ =	sdelay $0x1  }
0xa7: {  	s23 =	simm.s32 $0x1B8B  }
0xa8: {  	_ =	swait.ge [sflag:s23], $0x1  }
0xa9: {  	[sflag:s23] =	ssyncset.done $0x0  }
0xaa: {  	s25 =	simm.s32 $0x1B8E;
	s24 =	sld [smem:$0x3FFE];
	[sflag:s23] =	ssyncadd.s32 $0xFFFFFFFF  }
0xab: {  	s26 =	simm.s32 $execute0_lowered;
	[smem:$0x3FD2] =	sst s25  }
0xac: {  	s6 =	sshll.u32 s26, $0x1;
	_ =	strace $0x80000046;
	[dreg:$0x1] =	wrdreg $0xFFFFFFFF  }
0xad: {  	s28 =	simm.s32 $_size_execute0_lowered;
	s4 =	sadd.s32 s4, s6;
	[dreg:$0x0] =	wrdreg $0x0  }
0xae: {  	s6 =	sshll.u32 s28, $0x1;
	[dreg:$0x2] =	wrdreg s4  }
0xaf: {  	[dreg:$0x3] =	wrdreg s6  }
0xb0: {  	[dreg:$0x4] =	wrdreg $0xC0  }
0xb1: {  	_ =	task [dreg:s8], $0x5FFFF  }
0xb2: {  	[dreg:$0x1] =	wrdreg $0xFFFFFFFF  }
0xb3: {  	[dreg:$0x0] =	wrdreg $0x60  }
0xb4: {  	[dreg:$0x2] =	wrdreg s24  }
0xb5: {  	[dreg:$0x3] =	wrdreg s17  }
0xb6: {  	[dreg:$0x4] =	wrdreg s16  }
0xb7: {  	[dreg:$0x5] =	wrdreg $0x2C100  }
0xb8: {  	[dreg:$0x6] =	wrdreg $0x9  }
0xb9: {  	_ =	task.clear_ibuf [dreg:s8], $0x7FFFF;
	_ =	strace $0x90000046  }
0xba: {  	s29 =	simm.s32 $0x9;
	_ =	strace $0x80000048  }
0xbb: {  	_ =	swait.ge [sflag:s29], $0x1  }
0xbc: {  	[sflag:s29] =	ssyncadd.s32 $0xFFFFFFFF  }
0xbd: {  	_ =	strace $0x90000048  }
0xbe: {  	_ =	sfence  }
0xbf: {  	s30 =	sld [smem:$0x0];
	_ =	sdelay $0x2  }
0xc0: {  	s31 =	sshll.u32 s1, $0xD;
	s1 =	sshrl.u32 s1, $0x2  }
0xc1: {  	s3 =	sand.u32 $0x4000, s31;
	s1 =	sadd.s32 s1, s30  }
0xc2: {  	s0 =	sor.u32 s3, s0;
	s1 =	sshll.u32 s1, $0x11  }
0xc3: {  	s0 =	sor.u32 s1, s0  }
0xc4: {  	s0 =	sadd.s32 $0x8F2B, s0  }
0xc5: {  	[sflag:s0] =	ssyncadd.remote.s32 $0x1  }
0xc6: {  	_ =	sfence.sel $0xFFFF  }
0xc7: {  	[dreg:$0x0] =	wrdreg $0xFFFFFFFF;
	(pc) =	sbr.abs _section_cstart, $3  }
0xc8: {  	[dreg:$0x1] =	wrdreg $0xFFFFFFFF  }
0xc9: {  	_ =	task.clear_ibuf [dreg:s8], $0x2FFFF;
	_ =	strace $0x9FFFFFFF  }
0xca: {  	(tm) =	ssettm $0x7FFFFFFF  }
0xcb: {  	_ =	shalt  }
tec
execute0_lowered:
.L_overlay_start_1:
0x0: {  	(tag) =	ssettag $0x1  }
0x1: {  	s5 =	rddreg [dreg:$0x0]  }
0x2: {  	s1 =	rddreg [dreg:$0x1]  }
0x3: {  	s8 =	rddreg [dreg:$0x2]  }
0x4: {  	s0 =	srdreg.scid;
	s3 =	rddreg [dreg:$0x3]  }
0x5: {  	s4 =	simm.s32 $0x0;
	s14 =	simm.s32 $0x1;
	s15 =	simm.s32 $0x0  }
0x6: {  	s6 =	sand.u32 $0x1, s0;
	s0 =	stileid.u32;
	[smem:$0x7FF] =	sst s4  }
0x7: {  	s2 =	sshll.u32 s6, $0x4;
	s9 =	smul.u32 $0x2800, s0;
	s10 =	ssub.s32 $0x2, s6  }
0x8: {  	s6 =	smul.u32 $0x28000, s6;
	s30 =	sshll.u32 s0, $0x6;
	s7 =	sor.u32 s0, s2  }
0x9: {  	s2 =	rddreg [dreg:$0x4];
	_ =	strace $0x80000047;
	s11 =	sshrl.u32 s10, $0x1  }
0xa: {  	s7 =	smul.u32 $0x4E2, s7;
	s10 =	ssub.s32 s10, s11;
	s12 =	sadd.s32 s9, s6  }
0xb: {  	s13 =	sadd.s32 s9, s3;
	s6 =	sor.u32 $0x1C02, s30;
	s11 =	simm.s32 $0x2  }
0xc: {  	s31 =	sshrl.u32 s12, $0x3;
	s9 =	smax.u32 s10, $0x1;
	s10 =	sshrl.u32 s13, $0x3  }
0xd: {  	s12 =	simm.s32 $0x2710;
	s13 =	simm.s32 $0x50;
	s7 =	sadd.s32 s7, s5  }
0xe: {  	s5 =	sadd.s32 $0x2A00, s5;
	s8 =	sadd.s32 s8, s31;
	s7 =	sadd.s32 $0xCA00, s7  }
.LBB2_1:
0xf: {  	[spmem:s10], [sflag:s6] =	dma.local [hbm:s1], $0x500  }
0x10: {  	_ =	swait.ge [sflag:s11], $0x500  }
0x11: {  	[sflag:s11] =	ssyncset.done $0x0  }
0x12: {  	[sflag:s11] =	ssyncadd.s32 $0xFFFFFB00  }
0x13: {  	[tilespmem:s12], [sflag:$0x2] =	stream.linear.gather [hbm4b:s5+s4], $0x500, $0x38;
	[tilespmem:$0x5410] =	vst v63  }
0x14: {  	_ =	swait.ge [sflag:s11], $0x500  }
0x15: {  	[sflag:s11] =	ssyncset.done $0x0  }
0x16: {  	[sflag:s11] =	ssyncadd.s32 $0xFFFFFB00  }
0x17: {  	[tilespmem:s4], [sflag:$0x2] =	stream.linear.gather [hbm4b:s7+s4], $0x2710, $0x38;
	[tilespmem:$0x5410] =	vst v63  }
0x18: {  	_ =	swait.ge [sflag:s11], $0x2710  }
0x19: {  	[sflag:s11] =	ssyncset.done $0x0  }
0x1a: {  	[sflag:s11] =	ssyncadd.s32 $0xFFFFD8F0  }
0x1b: {  	s16 =	simm.s32 $0x0;
	[bflag:$0x0] =	sbarrier.arrive $0xFFFF  }
.LBB2_2:
0x1c: {  	p0 =	sne.s32 s16, $0x9B00  }
.Ltmp0:
0x1d: {  	_ = 	snop;
	(pc) =	sbr.rel @p0 .LBB2_2-.Ltmp0, $3  }
0x1e: {  	_ =	sdelay $0x1  }
0x1f: {  	s17 =	sshra.s32 s16, $0x2;
	s16 =	sadd.s32 $0x140, s16  }
0x20: {  	[spmem:s3] =	stream.indirect.scatter.add.f32 [tilespmem:s12], [sflag:$0x1], $0x10, s17, s13, $0xb8;
	[tilespmem:$0x5410] =	vst v63  }
0x21: {  	_ =	swait.ge [sflag:s14], $0x500  }
0x22: {  	s16 =	simm.s32 $0x7C;
	[sflag:s14] =	ssyncset.done $0x0  }
.LBB2_4:
0x23: {  	p0 =	sne.s32 s16, $0x1;
	s16 =	sadd.s32 $0xFFFFFFFF, s16;
	[sflag:s14] =	ssyncadd.s32 $0xFFFFFB00  }
.Ltmp1:
0x24: {  	(pc) =	sbr.rel @p0 .LBB2_4-.Ltmp1, $3  }
0x25: {  	_ =	sdelay $0x1  }
0x26: {  	_ =	swait.ge [sflag:s14], $0x500  }
0x27: {  	[sflag:s14] =	ssyncset.done $0x0  }
0x28: {  	s15 =	sadd.s32 $0x1, s15  }
0x29: {  	[sflag:s14] =	ssyncadd.s32 $0xFFFFFB00;
	p0 =	sne.s32 s15, s9  }
.Ltmp2:
0x2a: {  	[bflag:$0x0] =	sbarrier.arrive $0xFFFF;
	(pc) =	sbr.rel @p0 .LBB2_1-.Ltmp2, $4  }
0x2b: {  	[hbm:s8], [sflag:s6] =	dma.local [spmem:s10], $0x500  }
0x2c: {  	_ =	swait.ge [sflag:s11], $0x500  }
0x2d: {  	[sflag:s11] =	ssyncset.done $0x0  }
0x2e: {  	[sflag:s11] =	ssyncadd.s32 $0xFFFFFB00  }
0x2f: {  	_ =	sfence.sel $0x180000  }
0x30: {  	[bflag:$0x0] =	sbarrier.arrive $0xFFFF  }
0x31: {  	p0 =	sne.s32 s0, $0x0;
	_ =	strace $0x90000047  }
0x32: {  	s0 =	sadd.s32 @!p0 $0x100000, s2;
	[bflag:$0x2] =	sbarrier.arrive $0xFFFF  }
0x33: {  	[sflag:s0] =	ssyncadd.tile.s32 @!p0 $0x1;
	_ =	shalt  }
.Lfunc_end2:
_tile_overlayer_lowered:
.L_overlay_start_2:
0x34: {  	(tag) =	ssettag $0x2  }
0x35: {  	s0 =	rddreg [dreg:$0x0];
	s2 =	stileid.u32  }
0x36: {  	s1 =	rddreg [dreg:$0x1];
	p0 =	sne.s32 s2, $0x0  }
0x37: {  	s3 =	rddreg [dreg:$0x2];
	[bflag:$0x3] =	sbarrier.arrive $0xFFFF;
	s2 =	simm.s32 @!p0 $0x1C02  }
0x38: {  	[timem:s3], [sflag:s2] =	dma.local @!p0 [hbm:s0], s1  }
0x39: {  	s0 =	simm.s32 @!p0 $0x2  }
0x3a: {  	_ =	swait.ge @!p0 [sflag:s0], s1  }
0x3b: {  	s1 =	ssub.s32 @!p0 $0x0, s1;
	[sflag:s0] =	ssyncset.done @!p0 $0x0  }
0x3c: {  	[sflag:s0] =	ssyncadd.s32 @!p0 s1  }
0x3d: {  	[bflag:$0x3] =	sbarrier.arrive $0xFFFF  }
0x3e: {  	_ =	shalt  }

// kernel: kernel.13.cloned.1.call-start
scs
__scs_entry_jumppad:
0x0: {  	(pc) =	sbr.rel $0x88, $3  }
0x1: {  	(tag) =	ssettag $0x0;
	lr =	simm.s32 $0x1  }
0x2: {  	[smem:$0x3F92] =	sst lr;
	_ =	strace $0xD0000000  }
0x3: {  	_ = 	snop  }
0x4: {  	_ = 	snop  }
0x5: {  	_ = 	snop  }
0x6: {  	_ = 	snop  }
0x7: {  	_ = 	snop  }
__scs_overlays_trampoline_lowered:
0x8: {  	[smem:$0x3FA1] =	sst s0  }
0x9: {  	[smem:$0x3FA2] =	sst s1  }
0xa: {  	[smem:$0x3FA3] =	sst s2  }
0xb: {  	[smem:$0x3FA4] =	sst s3  }
0xc: {  	[smem:$0x3FA5] =	sst s4  }
0xd: {  	[smem:$0x3FA6] =	sst s5  }
0xe: {  	[smem:$0x3FA7] =	sst s6  }
0xf: {  	[smem:$0x3FA8] =	sst s7  }
0x10: {  	[smem:$0x3FA9] =	sst s8  }
0x11: {  	[smem:$0x3FAA] =	sst s9;
	s0 =	simm.s32 @!p0 $0x0  }
0x12: {  	s1 =	sld [smem:$0x3F90];
	s0 =	simm.s32 @p0 $0x1  }
0x13: {  	[smem:$0x3FAB] =	sst s0;
	s0 =	simm.s32 @!p1 $0x0  }
0x14: {  	s2 =	sld [smem:$0x3F8F];
	s0 =	simm.s32 @p1 $0x1  }
0x15: {  	[smem:$0x3FAC] =	sst s0;
	s0 =	simm.s32 @!p2 $0x0  }
0x16: {  	s3 =	sld [smem:$0x3FDB];
	s0 =	simm.s32 @p2 $0x1  }
0x17: {  	s4 =	simm.s32 $0x1BF5;
	[smem:$0x3FAE] =	sst s0  }
0x18: {  	s0 =	sld [smem:$0x3F91];
	_ =	swait.ge [sflag:s4], $0x0  }
0x19: {  	s7 =	sld [smem:$0x3F92]  }
0x1a: {  	s8 =	sadd.s32 $0xFFFFE003, lr  }
0x1b: {  	s9 =	sadd.s32 $0xFFFFFEF7, lr;
	s5 =	simm.s32 $0xFFFFFFFF;
	p2 =	slt.u32 s8, $0xFFFFF086  }
0x1c: {  	p1 =	slt.u32 s9, $0xF7A;
	s5 =	simm.s32 @!p2 $0x0  }
0x1d: {  	s5 =	simm.s32 @p1 $0x1;
	p0 =	seq.s32 s7, s2  }
0x1e: {  	s7 =	smul.u32 @!p0 $0xF7A, s2;
	p2 =	seq.s32 @!p0 s5, $0x0  }
0x1f: {  	s9 =	smul.u32 $0xF7A, s1;
	s8 =	simm.s32 @!p0 $0x1BF5;
	p2 =	por !p2, p0  }
0x20: {  	[sflag:s8] =	ssyncset.s32 @!p0 $0xFFFFF086;
	s6 =	sadd.s32 @!p0 s3, s7;
	s7 =	simm.s32 @!p0 $0x108  }
0x21: {  	s3 =	sadd.s32 s3, s9;
	s6 =	sadd.s32 @!p0 $0x88, s6;
	s7 =	simm.s32 @p2 $0x1082  }
0x22: {  	[simem:s7], [sflag:s8] =	dma.local @!p0 [hbm:s6], $0xF7A  }
0x23: {  	s9 =	sor.u32 $0xD0000000, s2;
	s6 =	simm.s32 $0x108;
	_ =	swait.ge @!p0 [sflag:s8], $0x0  }
0x24: {  	s3 =	sadd.s32 $0x88, s3;
	s6 =	simm.s32 @!p1 $0x1082;
	[sflag:s4] =	ssyncset.s32 $0xFFFFF086  }
0x25: {  	[simem:s6], [sflag:s4] =	dma.local [hbm:s3], $0xF7A  }
0x26: {  	[smem:$0x3F92] =	sst s1;
	(tag) =	ssettag s2;
	_ =	strace s9  }
0x27: {  	s1 =	sld [smem:$0x3FA2]  }
0x28: {  	s2 =	sld [smem:$0x3FA3]  }
0x29: {  	s4 =	sld [smem:$0x3FA5]  }
0x2a: {  	p0 =	seq.s32 s5, $0x0;
	s5 =	sld [smem:$0x3FA6]  }
0x2b: {  	s6 =	sld [smem:$0x3FA7]  }
0x2c: {  	s7 =	sld [smem:$0x3FA8]  }
0x2d: {  	s3 =	simm.s32 $0x108;
	s8 =	sld [smem:$0x3FA9]  }
0x2e: {  	s3 =	simm.s32 @!p0 $0x1082;
	s9 =	sld [smem:$0x3FAA]  }
0x2f: {  	lr =	sadd.s32 s0, s3;
	s0 =	sld [smem:$0x3FA1]  }
0x30: {  	s3 =	sld [smem:$0x3FA4]  }
0x31: {  	[smem:$0x3FAD] =	sst s10  }
0x32: {  	s10 =	sld [smem:$0x3FAB];
	_ =	sdelay $0x3  }
0x33: {  	p0 =	seq.s32 s10, $0x1;
	s10 =	sld [smem:$0x3FAD];
	_ =	sdelay $0x3  }
0x34: {  	[smem:$0x3FAD] =	sst s10  }
0x35: {  	s10 =	sld [smem:$0x3FAC];
	_ =	sdelay $0x3  }
0x36: {  	p1 =	seq.s32 s10, $0x1;
	s10 =	sld [smem:$0x3FAD];
	_ =	sdelay $0x3  }
0x37: {  	[smem:$0x3FAD] =	sst s10  }
0x38: {  	s10 =	sld [smem:$0x3FAE]  }
0x39: {  	_ = 	snop;
	(pc) =	sbr.ind lr, $3  }
0x3a: {  	_ = 	snop  }
0x3b: {  	_ = 	snop  }
0x3c: {  	p2 =	seq.s32 s10, $0x1;
	s10 =	sld [smem:$0x3FAD]  }
0x3d: {  	_ =	shalt  }
0x3e: {  	_ =	shalt  }
0x3f: {  	_ =	shalt  }
0x40: {  	_ =	shalt  }
0x41: {  	_ =	shalt  }
0x42: {  	_ =	shalt  }
0x43: {  	_ =	shalt  }
0x44: {  	_ =	shalt  }
0x45: {  	_ =	shalt  }
0x46: {  	_ =	shalt  }
0x47: {  	_ =	shalt  }
0x48: {  	_ =	shalt  }
0x49: {  	_ =	shalt  }
0x4a: {  	_ =	shalt  }
0x4b: {  	_ =	shalt  }
0x4c: {  	_ =	shalt  }
0x4d: {  	_ =	shalt  }
0x4e: {  	_ =	shalt  }
0x4f: {  	_ =	shalt  }
0x50: {  	_ =	shalt  }
0x51: {  	_ =	shalt  }
0x52: {  	_ =	shalt  }
0x53: {  	_ =	shalt  }
0x54: {  	_ =	shalt  }
0x55: {  	_ =	shalt  }
0x56: {  	_ =	shalt  }
0x57: {  	_ =	shalt  }
0x58: {  	_ =	shalt  }
0x59: {  	_ =	shalt  }
0x5a: {  	_ =	shalt  }
0x5b: {  	_ =	shalt  }
0x5c: {  	_ =	shalt  }
0x5d: {  	_ =	shalt  }
0x5e: {  	_ =	shalt  }
0x5f: {  	_ =	shalt  }
0x60: {  	_ =	shalt  }
0x61: {  	_ =	shalt  }
0x62: {  	_ =	shalt  }
0x63: {  	_ =	shalt  }
0x64: {  	_ =	shalt  }
0x65: {  	_ =	shalt  }
0x66: {  	_ =	shalt  }
0x67: {  	_ =	shalt  }
0x68: {  	_ =	shalt  }
0x69: {  	_ =	shalt  }
0x6a: {  	_ =	shalt  }
0x6b: {  	_ =	shalt  }
0x6c: {  	_ =	shalt  }
0x6d: {  	_ =	shalt  }
0x6e: {  	_ =	shalt  }
0x6f: {  	_ =	shalt  }
0x70: {  	_ =	shalt  }
0x71: {  	_ =	shalt  }
0x72: {  	_ =	shalt  }
0x73: {  	_ =	shalt  }
0x74: {  	_ =	shalt  }
0x75: {  	_ =	shalt  }
0x76: {  	_ =	shalt  }
0x77: {  	_ =	shalt  }
0x78: {  	_ =	shalt  }
0x79: {  	_ =	shalt  }
0x7a: {  	_ =	shalt  }
0x7b: {  	_ =	shalt  }
0x7c: {  	_ =	shalt  }
0x7d: {  	_ =	shalt  }
0x7e: {  	_ =	shalt  }
0x7f: {  	_ =	shalt  }
0x80: {  	_ =	shalt  }
0x81: {  	_ =	shalt  }
0x82: {  	_ =	shalt  }
0x83: {  	_ =	shalt  }
0x84: {  	_ =	shalt  }
0x85: {  	_ =	shalt  }
0x86: {  	_ =	shalt  }
0x87: {  	_ =	shalt  }
.Lfunc_end0:
.L_simem_size_0:
called_computation.1_lowered:
.L_overlay_start_0:
0x88: {  	s2 =	sld [smem:$0x3FD9]  }
0x89: {  	s3 =	sld [smem:$0x3FFE];
	_ =	sdelay $0x1  }
0x8a: {  	s1 =	srdreg.scid  }
0x8b: {  	s0 =	sand.u32 $0x1, s1  }
0x8c: {  	s14 =	sshll.u32 s0, $0xA;
	s2 =	sadd.s32 s3, s2  }
0x8d: {  	s2 =	sadd.s32 s2, s14  }
0x8e: {  	[smem:$0x3FB9] =	sst s2  }
0x8f: {  	_ = 	snop  }
0x90: {  	s2 =	sld [smem:$0x3FD0];
	_ =	sdelay $0x2  }
0x91: {  	s15 =	simm.s32 $0xA;
	s4 =	simm.s32 $0x10  }
0x92: {  	[smem:s4], [sflag:s15] =	dma.local [hbm:s2], $0x1  }
0x93: {  	_ =	swait.eq [sflag:s15], $0x1  }
0x94: {  	[sflag:s15] =	ssyncset.done $0x0  }
0x95: {  	[sflag:s15] =	ssyncadd.s32 $0xFFFFFFFF  }
0x96: {  	s16 =	sld [smem:$0x10];
	(tm) =	ssettm $0x1  }
0x97: {  	s17 =	sld [smem:$0x3FFB];
	_ =	sdelay $0x3  }
0x98: {  	_ =	strace s17  }
0x99: {  	s3 =	sld [smem:$0x3FFC];
	_ =	sdelay $0x3  }
0x9a: {  	_ =	strace s3  }
0x9b: {  	s3 =	sld [smem:$0x3FFD];
	_ =	sdelay $0x3  }
0x9c: {  	_ =	strace s3  }
0x9d: {  	_ =	strace $0x8FFFFFFF  }
0x9e: {  	s18 =	sld [smem:$0x3FDB];
	_ =	sdelay $0x1  }
0x9f: {  	s19 =	simm.s32 $_scs_section_size  }
0xa0: {  	s5 =	simm.s32 $_size__tile_overlayer_lowered;
	s6 =	simm.s32 $_tile_overlayer_lowered  }
0xa1: {  	s22 =	simm.s32 $0x1BFF;
	s21 =	sshll.u32 s6, $0x1;
	s3 =	sadd.s32 s19, s18  }
0xa2: {  	s7 =	simm.s32 $0x0;
	s20 =	sshll.u32 s5, $0x1;
	s5 =	sadd.s32 s21, s3  }
0xa3: {  	[timem:s7], [sflag:s22] =	dma.local [hbm:s5], s20  }
0xa4: {  	_ =	swait.ge [sflag:s22], s20  }
0xa5: {  	s4 =	ssub.s32 $0x0, s20;
	[sflag:s22] =	ssyncset.done $0x0  }
0xa6: {  	[sflag:s22] =	ssyncadd.s32 s4;
	_ =	sdelay $0x1  }
0xa7: {  	s23 =	simm.s32 $0x1B8B  }
0xa8: {  	_ =	swait.ge [sflag:s23], $0x1  }
0xa9: {  	[sflag:s23] =	ssyncset.done $0x0  }
0xaa: {  	s25 =	simm.s32 $0x1B8E;
	s24 =	sld [smem:$0x3FFE];
	[sflag:s23] =	ssyncadd.s32 $0xFFFFFFFF  }
0xab: {  	s26 =	simm.s32 $execute0_lowered;
	[smem:$0x3FD2] =	sst s25  }
0xac: {  	s5 =	sshll.u32 s26, $0x1;
	_ =	strace $0x80000049;
	[dreg:$0x1] =	wrdreg $0xFFFFFFFF  }
0xad: {  	s28 =	simm.s32 $_size_execute0_lowered;
	s3 =	sadd.s32 s3, s5;
	[dreg:$0x0] =	wrdreg $0x0  }
0xae: {  	s5 =	sshll.u32 s28, $0x1;
	[dreg:$0x2] =	wrdreg s3  }
0xaf: {  	[dreg:$0x3] =	wrdreg s5  }
0xb0: {  	[dreg:$0x4] =	wrdreg $0xC0  }
0xb1: {  	_ =	task [dreg:s7], $0x5FFFF  }
0xb2: {  	[dreg:$0x1] =	wrdreg $0xFFFFFFFF  }
0xb3: {  	[dreg:$0x0] =	wrdreg $0x60  }
0xb4: {  	[dreg:$0x2] =	wrdreg s24  }
0xb5: {  	[dreg:$0x3] =	wrdreg s16  }
0xb6: {  	[dreg:$0x4] =	wrdreg $0x9E200  }
0xb7: {  	[dreg:$0x5] =	wrdreg $0x9  }
0xb8: {  	_ =	task.clear_ibuf [dreg:s7], $0x6FFFF;
	_ =	strace $0x90000049  }
0xb9: {  	s29 =	simm.s32 $0x9;
	_ =	strace $0x8000004B  }
0xba: {  	_ =	swait.ge [sflag:s29], $0x1  }
0xbb: {  	[sflag:s29] =	ssyncadd.s32 $0xFFFFFFFF  }
0xbc: {  	_ =	strace $0x9000004B  }
0xbd: {  	_ =	sfence  }
0xbe: {  	s30 =	sld [smem:$0x0];
	_ =	sdelay $0x2  }
0xbf: {  	s31 =	sshll.u32 s1, $0xD;
	s1 =	sshrl.u32 s1, $0x2  }
0xc0: {  	s3 =	sand.u32 $0x4000, s31;
	s1 =	sadd.s32 s1, s30  }
0xc1: {  	s0 =	sor.u32 s3, s0;
	s1 =	sshll.u32 s1, $0x11  }
0xc2: {  	s0 =	sor.u32 s1, s0  }
0xc3: {  	s0 =	sadd.s32 $0x8F2B, s0  }
0xc4: {  	[sflag:s0] =	ssyncadd.remote.s32 $0x1  }
0xc5: {  	_ =	sfence.sel $0xFFFF  }
0xc6: {  	[dreg:$0x0] =	wrdreg $0xFFFFFFFF;
	(pc) =	sbr.abs _section_cstart, $3  }
0xc7: {  	[dreg:$0x1] =	wrdreg $0xFFFFFFFF  }
0xc8: {  	_ =	task.clear_ibuf [dreg:s7], $0x2FFFF;
	_ =	strace $0x9FFFFFFF  }
0xc9: {  	(tm) =	ssettm $0x7FFFFFFF  }
tec
execute0_lowered:
.L_overlay_start_1:
0x0: {  	(tag) =	ssettag $0x1  }
0x1: {  	s6 =	rddreg [dreg:$0x0]  }
0x2: {  	s2 =	rddreg [dreg:$0x1]  }
0x3: {  	s3 =	rddreg [dreg:$0x2];
	s4 =	srdreg.scid  }
0x4: {  	s0 =	rddreg [dreg:$0x3];
	s1 =	stileid.u32  }
0x5: {  	s13 =	simm.s32 $0x2710;
	s14 =	simm.s32 $0x28;
	s15 =	simm.s32 $0x4E20  }
0x6: {  	s16 =	simm.s32 $0x6220;
	s17 =	simm.s32 $0x7620;
	s18 =	simm.s32 $0x8A20  }
0x7: {  	s19 =	simm.s32 $0x1;
	s20 =	simm.s32 $0x2;
	s21 =	simm.s32 $0x50  }
0x8: {  	s22 =	simm.s32 $0x3;
	s23 =	simm.s32 $0x4;
	s24 =	simm.s32 $0x4DD0  }
0x9: {  	s25 =	simm.s32 $0x0;
	s7 =	sand.u32 $0x1, s4;
	s4 =	simm.s32 $0x0  }
0xa: {  	s8 =	smul.u32 $0x14000, s1;
	s31 =	sshll.u32 s1, $0x6;
	s5 =	sshll.u32 s7, $0x4  }
0xb: {  	[smem:$0x7FF] =	sst s4;
	s9 =	smul.u32 $0x140000, s7;
	s7 =	ssub.s32 $0x2, s7  }
0xc: {  	s5 =	sor.u32 s1, s5;
	_ =	strace $0x8000004A;
	s11 =	sshrl.u32 s7, $0x1  }
0xd: {  	s12 =	sadd.s32 s8, s3;
	s10 =	smul.u32 $0x4E2, s5;
	s9 =	sadd.s32 s8, s9  }
0xe: {  	s5 =	sadd.s32 $0x16800, s6;
	s11 =	ssub.s32 s7, s11;
	s9 =	sshrl.u32 s9, $0x3  }
0xf: {  	s10 =	sadd.s32 s10, s6;
	s9 =	sadd.s32 s9, s6;
	s6 =	sor.u32 $0x1C05, s31  }
0x10: {  	s7 =	sadd.s32 $0x2C00, s10;
	s8 =	sadd.s32 $0xCA00, s10;
	s9 =	sadd.s32 $0x3E800, s9  }
0x11: {  	s10 =	smax.u32 s11, $0x1;
	s11 =	sshrl.u32 s12, $0x3;
	s12 =	simm.s32 $0x5  }
.LBB2_1:
0x12: {  	[spmem:s11], [sflag:s6] =	dma.local [hbm:s2], $0x2800  }
0x13: {  	_ =	swait.ge [sflag:s12], $0x2800  }
0x14: {  	[sflag:s12] =	ssyncset.done $0x0  }
0x15: {  	[sflag:s12] =	ssyncadd.s32 $0xFFFFD800  }
0x16: {  	[tilespmem:s4], [sflag:$0x5] =	stream.linear.gather [hbm4b:s7+s4], $0x2710, $0x38;
	[tilespmem:$0x1DE20] =	vst v63  }
0x17: {  	_ =	swait.ge [sflag:s12], $0x2710  }
0x18: {  	[sflag:s12] =	ssyncset.done $0x0  }
0x19: {  	[sflag:s12] =	ssyncadd.s32 $0xFFFFD8F0  }
0x1a: {  	[tilespmem:s13], [sflag:$0x5] =	stream.linear.gather [hbm4b:s8+s4], $0x2710, $0x38;
	[tilespmem:$0x1DE20] =	vst v63  }
0x1b: {  	_ =	swait.ge [sflag:s12], $0x2710  }
0x1c: {  	[sflag:s12] =	ssyncset.done $0x0  }
0x1d: {  	[sflag:s12] =	ssyncadd.s32 $0xFFFFD8F0  }
0x1e: {  	[bflag:$0x0] =	sbarrier.arrive $0xFFFF  }
0x1f: {  	[tilespmem:s15], [sflag:$0x1] =	stream.indirect.gather [hbm4b:s5+s14], $0x80, s4, s14, $0xb8;
	[tilespmem:$0x1DE20] =	vst v63  }
0x20: {  	_ = 	snop  }
0x21: {  	[tilespmem:s16], [sflag:$0x2] =	stream.indirect.gather [hbm4b:s5+s14], $0x80, s14, s14, $0xb8;
	[tilespmem:$0x1DE20] =	vst v63  }
0x22: {  	s26 =	simm.s32 $0x50  }
0x23: {  	[tilespmem:s17], [sflag:$0x3] =	stream.indirect.gather [hbm4b:s5+s14], $0x80, s26, s14, $0xb8;
	[tilespmem:$0x1DE20] =	vst v63  }
0x24: {  	s30 =	simm.s32 $0x78  }
0x25: {  	[tilespmem:s18], [sflag:$0x4] =	stream.indirect.gather [hbm4b:s5+s14], $0x80, s30, s14, $0xb8;
	[tilespmem:$0x1DE20] =	vst v63  }
0x26: {  	_ =	swait.ge [sflag:s19], $0x1400  }
0x27: {  	[sflag:s19] =	ssyncset.done $0x0  }
0x28: {  	[sflag:s19] =	ssyncadd.s32 $0xFFFFEC00  }
0x29: {  	_ =	swait.ge [sflag:s20], $0x1400  }
0x2a: {  	[sflag:s20] =	ssyncset.done $0x0  }
0x2b: {  	s31 =	simm.s32 $0x2710;
	[sflag:s20] =	ssyncadd.s32 $0xFFFFEC00  }
0x2c: {  	[spmem:s3] =	stream.indirect.scatter.add.f32 [tilespmem:s15], [sflag:$0x5], $0x80, s31, s21, $0xb8;
	[tilespmem:$0x1DE20] =	vst v63  }
0x2d: {  	_ =	swait.ge [sflag:s12], $0x2800  }
0x2e: {  	[sflag:s12] =	ssyncset.done $0x0  }
0x2f: {  	s29 =	simm.s32 $0xA0;
	[sflag:s12] =	ssyncadd.s32 $0xFFFFD800  }
0x30: {  	[tilespmem:s15], [sflag:$0x1] =	stream.indirect.gather [hbm4b:s5+s14], $0x80, s29, s14, $0xb8;
	[tilespmem:$0x1DE20] =	vst v63  }
0x31: {  	s30 =	simm.s32 $0xC8  }
0x32: {  	[tilespmem:s16], [sflag:$0x2] =	stream.indirect.gather [hbm4b:s5+s14], $0x80, s30, s14, $0xb8;
	[tilespmem:$0x1DE20] =	vst v63  }
0x33: {  	_ =	swait.ge [sflag:s22], $0x1400  }
0x34: {  	[sflag:s22] =	ssyncset.done $0x0  }
0x35: {  	[sflag:s22] =	ssyncadd.s32 $0xFFFFEC00  }
0x36: {  	_ =	swait.ge [sflag:s23], $0x1400  }
0x37: {  	[sflag:s23] =	ssyncset.done $0x0  }
0x38: {  	s31 =	simm.s32 $0x2760;
	[sflag:s23] =	ssyncadd.s32 $0xFFFFEC00  }
0x39: {  	[spmem:s3] =	stream.indirect.scatter.add.f32 [tilespmem:s17], [sflag:$0x5], $0x80, s31, s21, $0xb8;
	[tilespmem:$0x1DE20] =	vst v63  }
0x3a: {  	_ =	swait.ge [sflag:s12], $0x2800  }
0x3b: {  	s28 =	simm.s32 $0x500;
	s26 =	simm.s32 $0xA0;
	[sflag:s12] =	ssyncset.done $0x0  }
.LBB2_2:
0x3c: {  	s29 =	sadd.s32 $0x50, s26  }
0x3d: {  	[sflag:s12] =	ssyncadd.s32 $0xFFFFD800;
	s30 =	smov.u32 s28;
	s31 =	sadd.s32 $0x280, s28  }
0x3e: {  	[tilespmem:s17], [sflag:$0x3] =	stream.indirect.gather [hbm4b:s5+s14], $0x80, s29, s14, $0xb8;
	[tilespmem:$0x1DE20] =	vst v63  }
0x3f: {  	p0 =	sne.s32 s28, $0x9880;
	s28 =	sadd.s32 $0x78, s26  }
0x40: {  	[tilespmem:s18], [sflag:$0x4] =	stream.indirect.gather [hbm4b:s5+s14], $0x80, s28, s14, $0xb8;
	[tilespmem:$0x1DE20] =	vst v63  }
0x41: {  	_ =	swait.ge [sflag:s19], $0x1400  }
0x42: {  	[sflag:s19] =	ssyncset.done $0x0  }
0x43: {  	[sflag:s19] =	ssyncadd.s32 $0xFFFFEC00  }
0x44: {  	_ =	swait.ge [sflag:s20], $0x1400  }
0x45: {  	[sflag:s20] =	ssyncset.done $0x0  }
0x46: {  	s28 =	sadd.s32 $0x2710, s26;
	[sflag:s20] =	ssyncadd.s32 $0xFFFFEC00  }
0x47: {  	[spmem:s3] =	stream.indirect.scatter.add.f32 [tilespmem:s15], [sflag:$0x5], $0x80, s28, s21, $0xb8;
	[tilespmem:$0x1DE20] =	vst v63  }
0x48: {  	_ =	swait.ge [sflag:s12], $0x2800  }
0x49: {  	[sflag:s12] =	ssyncset.done $0x0  }
0x4a: {  	s28 =	sadd.s32 $0xA0, s26;
	[sflag:s12] =	ssyncadd.s32 $0xFFFFD800  }
0x4b: {  	[tilespmem:s15], [sflag:$0x1] =	stream.indirect.gather [hbm4b:s5+s14], $0x80, s28, s14, $0xb8;
	[tilespmem:$0x1DE20] =	vst v63  }
0x4c: {  	s28 =	sadd.s32 $0xC8, s26  }
0x4d: {  	[tilespmem:s16], [sflag:$0x2] =	stream.indirect.gather [hbm4b:s5+s14], $0x80, s28, s14, $0xb8;
	[tilespmem:$0x1DE20] =	vst v63  }
0x4e: {  	_ =	swait.ge [sflag:s22], $0x1400  }
0x4f: {  	[sflag:s22] =	ssyncset.done $0x0  }
0x50: {  	[sflag:s22] =	ssyncadd.s32 $0xFFFFEC00  }
0x51: {  	_ =	swait.ge [sflag:s23], $0x1400  }
.Ltmp0:
0x52: {  	[sflag:s23] =	ssyncset.done $0x0;
	(pc) =	sbr.rel @p0 .LBB2_2-.Ltmp0, $4  }
0x53: {  	s26 =	sadd.s32 $0x2760, s26;
	[sflag:s23] =	ssyncadd.s32 $0xFFFFEC00  }
0x54: {  	[spmem:s3] =	stream.indirect.scatter.add.f32 [tilespmem:s17], [sflag:$0x5], $0x80, s26, s21, $0xb8;
	[tilespmem:$0x1DE20] =	vst v63  }
0x55: {  	_ =	swait.ge [sflag:s12], $0x2800  }
0x56: {  	s28 =	smov.u32 s31;
	s26 =	sshra.s32 s30, $0x2;
	[sflag:s12] =	ssyncset.done $0x0  }
0x57: {  	s28 =	sadd.s32 $0x50, s26;
	[sflag:s12] =	ssyncadd.s32 $0xFFFFD800  }
0x58: {  	[tilespmem:s17], [sflag:$0x3] =	stream.indirect.gather [hbm4b:s5+s14], $0x80, s28, s14, $0xb8;
	[tilespmem:$0x1DE20] =	vst v63  }
0x59: {  	s30 =	sadd.s32 $0x78, s26  }
0x5a: {  	[tilespmem:s18], [sflag:$0x4] =	stream.indirect.gather [hbm4b:s5+s14], $0x80, s30, s14, $0xb8;
	[tilespmem:$0x1DE20] =	vst v63  }
0x5b: {  	_ =	swait.ge [sflag:s19], $0x1400  }
0x5c: {  	[sflag:s19] =	ssyncset.done $0x0  }
0x5d: {  	[sflag:s19] =	ssyncadd.s32 $0xFFFFEC00  }
0x5e: {  	_ =	swait.ge [sflag:s20], $0x1400  }
0x5f: {  	[sflag:s20] =	ssyncset.done $0x0  }
0x60: {  	s31 =	sadd.s32 $0x2710, s26;
	[sflag:s20] =	ssyncadd.s32 $0xFFFFEC00  }
0x61: {  	[spmem:s3] =	stream.indirect.scatter.add.f32 [tilespmem:s15], [sflag:$0x5], $0x80, s31, s21, $0xb8;
	[tilespmem:$0x1DE20] =	vst v63  }
0x62: {  	_ =	swait.ge [sflag:s12], $0x2800  }
0x63: {  	[sflag:s12] =	ssyncset.done $0x0  }
0x64: {  	s29 =	sadd.s32 $0xA0, s26;
	[sflag:s12] =	ssyncadd.s32 $0xFFFFD800  }
0x65: {  	[tilespmem:s15], [sflag:$0x1] =	stream.indirect.gather [hbm4b:s5+s14], $0x80, s29, s14, $0xb8;
	[tilespmem:$0x1DE20] =	vst v63  }
0x66: {  	s30 =	sadd.s32 $0xC8, s26  }
0x67: {  	[tilespmem:s16], [sflag:$0x2] =	stream.indirect.gather [hbm4b:s5+s14], $0x80, s30, s14, $0xb8;
	[tilespmem:$0x1DE20] =	vst v63  }
0x68: {  	_ =	swait.ge [sflag:s22], $0x1400  }
0x69: {  	[sflag:s22] =	ssyncset.done $0x0  }
0x6a: {  	[sflag:s22] =	ssyncadd.s32 $0xFFFFEC00  }
0x6b: {  	_ =	swait.ge [sflag:s23], $0x1400  }
0x6c: {  	[sflag:s23] =	ssyncset.done $0x0  }
0x6d: {  	s31 =	sadd.s32 $0x2760, s26;
	[sflag:s23] =	ssyncadd.s32 $0xFFFFEC00  }
0x6e: {  	[spmem:s3] =	stream.indirect.scatter.add.f32 [tilespmem:s17], [sflag:$0x5], $0x80, s31, s21, $0xb8;
	[tilespmem:$0x1DE20] =	vst v63  }
0x6f: {  	_ =	swait.ge [sflag:s12], $0x2800  }
0x70: {  	[sflag:s12] =	ssyncset.done $0x0  }
0x71: {  	[sflag:s12] =	ssyncadd.s32 $0xFFFFD800  }
0x72: {  	_ =	swait.ge [sflag:s19], $0x1400  }
0x73: {  	[sflag:s19] =	ssyncset.done $0x0  }
0x74: {  	[sflag:s19] =	ssyncadd.s32 $0xFFFFEC00  }
0x75: {  	_ =	swait.ge [sflag:s20], $0x1400  }
0x76: {  	[sflag:s20] =	ssyncset.done $0x0  }
0x77: {  	[sflag:s20] =	ssyncadd.s32 $0xFFFFEC00  }
0x78: {  	[spmem:s3] =	stream.indirect.scatter.add.f32 [tilespmem:s15], [sflag:$0x5], $0x80, s24, s21, $0xb8;
	[tilespmem:$0x1DE20] =	vst v63  }
0x79: {  	_ =	swait.ge [sflag:s12], $0x2800  }
0x7a: {  	s25 =	sadd.s32 $0x1, s25;
	[sflag:s12] =	ssyncset.done $0x0  }
0x7b: {  	p0 =	sne.s32 s25, s10;
	[sflag:s12] =	ssyncadd.s32 $0xFFFFD800  }
.Ltmp1:
0x7c: {  	[bflag:$0x0] =	sbarrier.arrive $0xFFFF;
	(pc) =	sbr.rel @p0 .LBB2_1-.Ltmp1, $4  }
0x7d: {  	[hbm:s9], [sflag:s6] =	dma.local [spmem:s11], $0x2800  }
0x7e: {  	_ =	swait.ge [sflag:s12], $0x2800  }
0x7f: {  	[sflag:s12] =	ssyncset.done $0x0  }
0x80: {  	[sflag:s12] =	ssyncadd.s32 $0xFFFFD800  }
0x81: {  	_ =	sfence.sel $0x180000  }
0x82: {  	[bflag:$0x0] =	sbarrier.arrive $0xFFFF  }
0x83: {  	p0 =	sne.s32 s1, $0x0;
	_ =	strace $0x9000004A  }
0x84: {  	s0 =	sadd.s32 @!p0 $0x100000, s0;
	[bflag:$0x2] =	sbarrier.arrive $0xFFFF  }
0x85: {  	[sflag:s0] =	ssyncadd.tile.s32 @!p0 $0x1;
	_ =	shalt  }
.Lfunc_end2:
_tile_overlayer_lowered:
.L_overlay_start_2:
0x86: {  	(tag) =	ssettag $0x2  }
0x87: {  	s0 =	rddreg [dreg:$0x0];
	s2 =	stileid.u32  }
0x88: {  	s1 =	rddreg [dreg:$0x1];
	p0 =	sne.s32 s2, $0x0  }
0x89: {  	s3 =	rddreg [dreg:$0x2];
	[bflag:$0x3] =	sbarrier.arrive $0xFFFF;
	s2 =	simm.s32 @!p0 $0x1C05  }
0x8a: {  	[timem:s3], [sflag:s2] =	dma.local @!p0 [hbm:s0], s1  }
0x8b: {  	s0 =	simm.s32 @!p0 $0x5  }
0x8c: {  	_ =	swait.ge @!p0 [sflag:s0], s1  }
0x8d: {  	s1 =	ssub.s32 @!p0 $0x0, s1;
	[sflag:s0] =	ssyncset.done @!p0 $0x0  }
0x8e: {  	[sflag:s0] =	ssyncadd.s32 @!p0 s1  }
0x8f: {  	[bflag:$0x3] =	sbarrier.arrive $0xFFFF  }
0x90: {  	_ =	shalt  }

// kernel: kernel.16.cloned.1.call-start
scs
__scs_entry_jumppad:
0x0: {  	(pc) =	sbr.rel $0x88, $3  }
0x1: {  	(tag) =	ssettag $0x0;
	lr =	simm.s32 $0x1  }
0x2: {  	[smem:$0x3F92] =	sst lr;
	_ =	strace $0xD0000000  }
0x3: {  	_ = 	snop  }
0x4: {  	_ = 	snop  }
0x5: {  	_ = 	snop  }
0x6: {  	_ = 	snop  }
0x7: {  	_ = 	snop  }
__scs_overlays_trampoline_lowered:
0x8: {  	[smem:$0x3FA1] =	sst s0  }
0x9: {  	[smem:$0x3FA2] =	sst s1  }
0xa: {  	[smem:$0x3FA3] =	sst s2  }
0xb: {  	[smem:$0x3FA4] =	sst s3  }
0xc: {  	[smem:$0x3FA5] =	sst s4  }
0xd: {  	[smem:$0x3FA6] =	sst s5  }
0xe: {  	[smem:$0x3FA7] =	sst s6  }
0xf: {  	[smem:$0x3FA8] =	sst s7  }
0x10: {  	[smem:$0x3FA9] =	sst s8  }
0x11: {  	[smem:$0x3FAA] =	sst s9;
	s0 =	simm.s32 @!p0 $0x0  }
0x12: {  	s1 =	sld [smem:$0x3F90];
	s0 =	simm.s32 @p0 $0x1  }
0x13: {  	[smem:$0x3FAB] =	sst s0;
	s0 =	simm.s32 @!p1 $0x0  }
0x14: {  	s2 =	sld [smem:$0x3F8F];
	s0 =	simm.s32 @p1 $0x1  }
0x15: {  	[smem:$0x3FAC] =	sst s0;
	s0 =	simm.s32 @!p2 $0x0  }
0x16: {  	s3 =	sld [smem:$0x3FDB];
	s0 =	simm.s32 @p2 $0x1  }
0x17: {  	s4 =	simm.s32 $0x1BF5;
	[smem:$0x3FAE] =	sst s0  }
0x18: {  	s0 =	sld [smem:$0x3F91];
	_ =	swait.ge [sflag:s4], $0x0  }
0x19: {  	s7 =	sld [smem:$0x3F92]  }
0x1a: {  	s8 =	sadd.s32 $0xFFFFE003, lr  }
0x1b: {  	s9 =	sadd.s32 $0xFFFFFEF7, lr;
	s5 =	simm.s32 $0xFFFFFFFF;
	p2 =	slt.u32 s8, $0xFFFFF086  }
0x1c: {  	p1 =	slt.u32 s9, $0xF7A;
	s5 =	simm.s32 @!p2 $0x0  }
0x1d: {  	s5 =	simm.s32 @p1 $0x1;
	p0 =	seq.s32 s7, s2  }
0x1e: {  	s7 =	smul.u32 @!p0 $0xF7A, s2;
	p2 =	seq.s32 @!p0 s5, $0x0  }
0x1f: {  	s9 =	smul.u32 $0xF7A, s1;
	s8 =	simm.s32 @!p0 $0x1BF5;
	p2 =	por !p2, p0  }
0x20: {  	[sflag:s8] =	ssyncset.s32 @!p0 $0xFFFFF086;
	s6 =	sadd.s32 @!p0 s3, s7;
	s7 =	simm.s32 @!p0 $0x108  }
0x21: {  	s3 =	sadd.s32 s3, s9;
	s6 =	sadd.s32 @!p0 $0x88, s6;
	s7 =	simm.s32 @p2 $0x1082  }
0x22: {  	[simem:s7], [sflag:s8] =	dma.local @!p0 [hbm:s6], $0xF7A  }
0x23: {  	s9 =	sor.u32 $0xD0000000, s2;
	s6 =	simm.s32 $0x108;
	_ =	swait.ge @!p0 [sflag:s8], $0x0  }
0x24: {  	s3 =	sadd.s32 $0x88, s3;
	s6 =	simm.s32 @!p1 $0x1082;
	[sflag:s4] =	ssyncset.s32 $0xFFFFF086  }
0x25: {  	[simem:s6], [sflag:s4] =	dma.local [hbm:s3], $0xF7A  }
0x26: {  	[smem:$0x3F92] =	sst s1;
	(tag) =	ssettag s2;
	_ =	strace s9  }
0x27: {  	s1 =	sld [smem:$0x3FA2]  }
0x28: {  	s2 =	sld [smem:$0x3FA3]  }
0x29: {  	s4 =	sld [smem:$0x3FA5]  }
0x2a: {  	p0 =	seq.s32 s5, $0x0;
	s5 =	sld [smem:$0x3FA6]  }
0x2b: {  	s6 =	sld [smem:$0x3FA7]  }
0x2c: {  	s7 =	sld [smem:$0x3FA8]  }
0x2d: {  	s3 =	simm.s32 $0x108;
	s8 =	sld [smem:$0x3FA9]  }
0x2e: {  	s3 =	simm.s32 @!p0 $0x1082;
	s9 =	sld [smem:$0x3FAA]  }
0x2f: {  	lr =	sadd.s32 s0, s3;
	s0 =	sld [smem:$0x3FA1]  }
0x30: {  	s3 =	sld [smem:$0x3FA4]  }
0x31: {  	[smem:$0x3FAD] =	sst s10  }
0x32: {  	s10 =	sld [smem:$0x3FAB];
	_ =	sdelay $0x3  }
0x33: {  	p0 =	seq.s32 s10, $0x1;
	s10 =	sld [smem:$0x3FAD];
	_ =	sdelay $0x3  }
0x34: {  	[smem:$0x3FAD] =	sst s10  }
0x35: {  	s10 =	sld [smem:$0x3FAC];
	_ =	sdelay $0x3  }
0x36: {  	p1 =	seq.s32 s10, $0x1;
	s10 =	sld [smem:$0x3FAD];
	_ =	sdelay $0x3  }
0x37: {  	[smem:$0x3FAD] =	sst s10  }
0x38: {  	s10 =	sld [smem:$0x3FAE]  }
0x39: {  	_ = 	snop;
	(pc) =	sbr.ind lr, $3  }
0x3a: {  	_ = 	snop  }
0x3b: {  	_ = 	snop  }
0x3c: {  	p2 =	seq.s32 s10, $0x1;
	s10 =	sld [smem:$0x3FAD]  }
0x3d: {  	_ =	shalt  }
0x3e: {  	_ =	shalt  }
0x3f: {  	_ =	shalt  }
0x40: {  	_ =	shalt  }
0x41: {  	_ =	shalt  }
0x42: {  	_ =	shalt  }
0x43: {  	_ =	shalt  }
0x44: {  	_ =	shalt  }
0x45: {  	_ =	shalt  }
0x46: {  	_ =	shalt  }
0x47: {  	_ =	shalt  }
0x48: {  	_ =	shalt  }
0x49: {  	_ =	shalt  }
0x4a: {  	_ =	shalt  }
0x4b: {  	_ =	shalt  }
0x4c: {  	_ =	shalt  }
0x4d: {  	_ =	shalt  }
0x4e: {  	_ =	shalt  }
0x4f: {  	_ =	shalt  }
0x50: {  	_ =	shalt  }
0x51: {  	_ =	shalt  }
0x52: {  	_ =	shalt  }
0x53: {  	_ =	shalt  }
0x54: {  	_ =	shalt  }
0x55: {  	_ =	shalt  }
0x56: {  	_ =	shalt  }
0x57: {  	_ =	shalt  }
0x58: {  	_ =	shalt  }
0x59: {  	_ =	shalt  }
0x5a: {  	_ =	shalt  }
0x5b: {  	_ =	shalt  }
0x5c: {  	_ =	shalt  }
0x5d: {  	_ =	shalt  }
0x5e: {  	_ =	shalt  }
0x5f: {  	_ =	shalt  }
0x60: {  	_ =	shalt  }
0x61: {  	_ =	shalt  }
0x62: {  	_ =	shalt  }
0x63: {  	_ =	shalt  }
0x64: {  	_ =	shalt  }
0x65: {  	_ =	shalt  }
0x66: {  	_ =	shalt  }
0x67: {  	_ =	shalt  }
0x68: {  	_ =	shalt  }
0x69: {  	_ =	shalt  }
0x6a: {  	_ =	shalt  }
0x6b: {  	_ =	shalt  }
0x6c: {  	_ =	shalt  }
0x6d: {  	_ =	shalt  }
0x6e: {  	_ =	shalt  }
0x6f: {  	_ =	shalt  }
0x70: {  	_ =	shalt  }
0x71: {  	_ =	shalt  }
0x72: {  	_ =	shalt  }
0x73: {  	_ =	shalt  }
0x74: {  	_ =	shalt  }
0x75: {  	_ =	shalt  }
0x76: {  	_ =	shalt  }
0x77: {  	_ =	shalt  }
0x78: {  	_ =	shalt  }
0x79: {  	_ =	shalt  }
0x7a: {  	_ =	shalt  }
0x7b: {  	_ =	shalt  }
0x7c: {  	_ =	shalt  }
0x7d: {  	_ =	shalt  }
0x7e: {  	_ =	shalt  }
0x7f: {  	_ =	shalt  }
0x80: {  	_ =	shalt  }
0x81: {  	_ =	shalt  }
0x82: {  	_ =	shalt  }
0x83: {  	_ =	shalt  }
0x84: {  	_ =	shalt  }
0x85: {  	_ =	shalt  }
0x86: {  	_ =	shalt  }
0x87: {  	_ =	shalt  }
.Lfunc_end0:
.L_simem_size_0:
called_computation.2_lowered:
.L_overlay_start_0:
0x88: {  	s2 =	sld [smem:$0x3FD9]  }
0x89: {  	s3 =	sld [smem:$0x3FFE];
	_ =	sdelay $0x1  }
0x8a: {  	s1 =	srdreg.scid  }
0x8b: {  	s0 =	sand.u32 $0x1, s1  }
0x8c: {  	s14 =	sshll.u32 s0, $0xA;
	s2 =	sadd.s32 s3, s2  }
0x8d: {  	s2 =	sadd.s32 s2, s14  }
0x8e: {  	[smem:$0x3FB9] =	sst s2  }
0x8f: {  	_ = 	snop  }
0x90: {  	s2 =	sld [smem:$0x3FD0];
	_ =	sdelay $0x2  }
0x91: {  	s15 =	simm.s32 $0xA;
	s4 =	simm.s32 $0x10  }
0x92: {  	[smem:s4], [sflag:s15] =	dma.local [hbm:s2], $0x1  }
0x93: {  	_ =	swait.eq [sflag:s15], $0x1  }
0x94: {  	[sflag:s15] =	ssyncset.done $0x0  }
0x95: {  	[sflag:s15] =	ssyncadd.s32 $0xFFFFFFFF  }
0x96: {  	s16 =	sld [smem:$0x10];
	(tm) =	ssettm $0x1  }
0x97: {  	s17 =	sld [smem:$0x3FFB];
	_ =	sdelay $0x3  }
0x98: {  	_ =	strace s17  }
0x99: {  	s3 =	sld [smem:$0x3FFC];
	_ =	sdelay $0x3  }
0x9a: {  	_ =	strace s3  }
0x9b: {  	s3 =	sld [smem:$0x3FFD];
	_ =	sdelay $0x3  }
0x9c: {  	_ =	strace s3  }
0x9d: {  	_ =	strace $0x8FFFFFFF  }
0x9e: {  	s18 =	sld [smem:$0x3FDB];
	_ =	sdelay $0x1  }
0x9f: {  	s19 =	simm.s32 $_scs_section_size  }
0xa0: {  	s5 =	simm.s32 $_size__tile_overlayer_lowered;
	s6 =	simm.s32 $_tile_overlayer_lowered  }
0xa1: {  	s22 =	simm.s32 $0x1BFF;
	s21 =	sshll.u32 s6, $0x1;
	s3 =	sadd.s32 s19, s18  }
0xa2: {  	s7 =	simm.s32 $0x0;
	s20 =	sshll.u32 s5, $0x1;
	s5 =	sadd.s32 s21, s3  }
0xa3: {  	[timem:s7], [sflag:s22] =	dma.local [hbm:s5], s20  }
0xa4: {  	_ =	swait.ge [sflag:s22], s20  }
0xa5: {  	s4 =	ssub.s32 $0x0, s20;
	[sflag:s22] =	ssyncset.done $0x0  }
0xa6: {  	[sflag:s22] =	ssyncadd.s32 s4;
	_ =	sdelay $0x1  }
0xa7: {  	s23 =	simm.s32 $0x1B8B  }
0xa8: {  	_ =	swait.ge [sflag:s23], $0x1  }
0xa9: {  	[sflag:s23] =	ssyncset.done $0x0  }
0xaa: {  	s25 =	simm.s32 $0x1B8E;
	s24 =	sld [smem:$0x3FFE];
	[sflag:s23] =	ssyncadd.s32 $0xFFFFFFFF  }
0xab: {  	s26 =	simm.s32 $execute0_lowered;
	[smem:$0x3FD2] =	sst s25  }
0xac: {  	s5 =	sshll.u32 s26, $0x1;
	_ =	strace $0x8000004C;
	[dreg:$0x1] =	wrdreg $0xFFFFFFFF  }
0xad: {  	s28 =	simm.s32 $_size_execute0_lowered;
	s3 =	sadd.s32 s3, s5;
	[dreg:$0x0] =	wrdreg $0x0  }
0xae: {  	s5 =	sshll.u32 s28, $0x1;
	[dreg:$0x2] =	wrdreg s3  }
0xaf: {  	[dreg:$0x3] =	wrdreg s5  }
0xb0: {  	[dreg:$0x4] =	wrdreg $0xC0  }
0xb1: {  	_ =	task [dreg:s7], $0x5FFFF  }
0xb2: {  	[dreg:$0x1] =	wrdreg $0xFFFFFFFF  }
0xb3: {  	[dreg:$0x0] =	wrdreg $0x60  }
0xb4: {  	[dreg:$0x2] =	wrdreg s24  }
0xb5: {  	[dreg:$0x3] =	wrdreg s16  }
0xb6: {  	[dreg:$0x4] =	wrdreg $0x9E200  }
0xb7: {  	[dreg:$0x5] =	wrdreg $0x9  }
0xb8: {  	_ =	task.clear_ibuf [dreg:s7], $0x6FFFF;
	_ =	strace $0x9000004C  }
0xb9: {  	s29 =	simm.s32 $0x9;
	_ =	strace $0x8000004E  }
0xba: {  	_ =	swait.ge [sflag:s29], $0x1  }
0xbb: {  	[sflag:s29] =	ssyncadd.s32 $0xFFFFFFFF  }
0xbc: {  	_ =	strace $0x9000004E  }
0xbd: {  	_ =	sfence  }
0xbe: {  	s30 =	sld [smem:$0x0];
	_ =	sdelay $0x2  }
0xbf: {  	s31 =	sshll.u32 s1, $0xD;
	s1 =	sshrl.u32 s1, $0x2  }
0xc0: {  	s3 =	sand.u32 $0x4000, s31;
	s1 =	sadd.s32 s1, s30  }
0xc1: {  	s0 =	sor.u32 s3, s0;
	s1 =	sshll.u32 s1, $0x11  }
0xc2: {  	s0 =	sor.u32 s1, s0  }
0xc3: {  	s0 =	sadd.s32 $0x8F2B, s0  }
0xc4: {  	[sflag:s0] =	ssyncadd.remote.s32 $0x1  }
0xc5: {  	_ =	sfence.sel $0xFFFF  }
0xc6: {  	[dreg:$0x0] =	wrdreg $0xFFFFFFFF;
	(pc) =	sbr.abs _section_cstart, $3  }
0xc7: {  	[dreg:$0x1] =	wrdreg $0xFFFFFFFF  }
0xc8: {  	_ =	task.clear_ibuf [dreg:s7], $0x2FFFF;
	_ =	strace $0x9FFFFFFF  }
0xc9: {  	(tm) =	ssettm $0x7FFFFFFF  }
tec
execute0_lowered:
.L_overlay_start_1:
0x0: {  	(tag) =	ssettag $0x1  }
0x1: {  	s6 =	rddreg [dreg:$0x0]  }
0x2: {  	s2 =	rddreg [dreg:$0x1]  }
0x3: {  	s3 =	rddreg [dreg:$0x2];
	s4 =	srdreg.scid  }
0x4: {  	s0 =	rddreg [dreg:$0x3];
	s1 =	stileid.u32  }
0x5: {  	s13 =	simm.s32 $0x2710;
	s14 =	simm.s32 $0x28;
	s15 =	simm.s32 $0x4E20  }
0x6: {  	s16 =	simm.s32 $0x6220;
	s17 =	simm.s32 $0x7620;
	s18 =	simm.s32 $0x8A20  }
0x7: {  	s19 =	simm.s32 $0x1;
	s20 =	simm.s32 $0x2;
	s21 =	simm.s32 $0x50  }
0x8: {  	s22 =	simm.s32 $0x3;
	s23 =	simm.s32 $0x4;
	s24 =	simm.s32 $0x4DD0  }
0x9: {  	s25 =	simm.s32 $0x0;
	s7 =	sand.u32 $0x1, s4;
	s4 =	simm.s32 $0x0  }
0xa: {  	s8 =	smul.u32 $0x14000, s1;
	s31 =	sshll.u32 s1, $0x6;
	s5 =	sshll.u32 s7, $0x4  }
0xb: {  	[smem:$0x7FF] =	sst s4;
	s9 =	smul.u32 $0x140000, s7;
	s7 =	ssub.s32 $0x2, s7  }
0xc: {  	s5 =	sor.u32 s1, s5;
	_ =	strace $0x8000004D;
	s11 =	sshrl.u32 s7, $0x1  }
0xd: {  	s12 =	sadd.s32 s8, s3;
	s10 =	smul.u32 $0x4E2, s5;
	s9 =	sadd.s32 s8, s9  }
0xe: {  	s5 =	sadd.s32 $0x16800, s6;
	s11 =	ssub.s32 s7, s11;
	s9 =	sshrl.u32 s9, $0x3  }
0xf: {  	s10 =	sadd.s32 s10, s6;
	s9 =	sadd.s32 s9, s6;
	s6 =	sor.u32 $0x1C05, s31  }
0x10: {  	s7 =	sadd.s32 $0x2C00, s10;
	s8 =	sadd.s32 $0xCA00, s10;
	s9 =	sadd.s32 $0x3E800, s9  }
0x11: {  	s10 =	smax.u32 s11, $0x1;
	s11 =	sshrl.u32 s12, $0x3;
	s12 =	simm.s32 $0x5  }
.LBB2_1:
0x12: {  	[spmem:s11], [sflag:s6] =	dma.local [hbm:s2], $0x2800  }
0x13: {  	_ =	swait.ge [sflag:s12], $0x2800  }
0x14: {  	[sflag:s12] =	ssyncset.done $0x0  }
0x15: {  	[sflag:s12] =	ssyncadd.s32 $0xFFFFD800  }
0x16: {  	[tilespmem:s4], [sflag:$0x5] =	stream.linear.gather [hbm4b:s7+s4], $0x2710, $0x38;
	[tilespmem:$0x1DE20] =	vst v63  }
0x17: {  	_ =	swait.ge [sflag:s12], $0x2710  }
0x18: {  	[sflag:s12] =	ssyncset.done $0x0  }
0x19: {  	[sflag:s12] =	ssyncadd.s32 $0xFFFFD8F0  }
0x1a: {  	[tilespmem:s13], [sflag:$0x5] =	stream.linear.gather [hbm4b:s8+s4], $0x2710, $0x38;
	[tilespmem:$0x1DE20] =	vst v63  }
0x1b: {  	_ =	swait.ge [sflag:s12], $0x2710  }
0x1c: {  	[sflag:s12] =	ssyncset.done $0x0  }
0x1d: {  	[sflag:s12] =	ssyncadd.s32 $0xFFFFD8F0  }
0x1e: {  	[bflag:$0x0] =	sbarrier.arrive $0xFFFF  }
0x1f: {  	[tilespmem:s15], [sflag:$0x1] =	stream.indirect.gather [hbm4b:s5+s14], $0x80, s4, s14, $0xb8;
	[tilespmem:$0x1DE20] =	vst v63  }
0x20: {  	_ = 	snop  }
0x21: {  	[tilespmem:s16], [sflag:$0x2] =	stream.indirect.gather [hbm4b:s5+s14], $0x80, s14, s14, $0xb8;
	[tilespmem:$0x1DE20] =	vst v63  }
0x22: {  	s26 =	simm.s32 $0x50  }
0x23: {  	[tilespmem:s17], [sflag:$0x3] =	stream.indirect.gather [hbm4b:s5+s14], $0x80, s26, s14, $0xb8;
	[tilespmem:$0x1DE20] =	vst v63  }
0x24: {  	s30 =	simm.s32 $0x78  }
0x25: {  	[tilespmem:s18], [sflag:$0x4] =	stream.indirect.gather [hbm4b:s5+s14], $0x80, s30, s14, $0xb8;
	[tilespmem:$0x1DE20] =	vst v63  }
0x26: {  	_ =	swait.ge [sflag:s19], $0x1400  }
0x27: {  	[sflag:s19] =	ssyncset.done $0x0  }
0x28: {  	[sflag:s19] =	ssyncadd.s32 $0xFFFFEC00  }
0x29: {  	_ =	swait.ge [sflag:s20], $0x1400  }
0x2a: {  	[sflag:s20] =	ssyncset.done $0x0  }
0x2b: {  	s31 =	simm.s32 $0x2710;
	[sflag:s20] =	ssyncadd.s32 $0xFFFFEC00  }
0x2c: {  	[spmem:s3] =	stream.indirect.scatter.add.f32 [tilespmem:s15], [sflag:$0x5], $0x80, s31, s21, $0xb8;
	[tilespmem:$0x1DE20] =	vst v63  }
0x2d: {  	_ =	swait.ge [sflag:s12], $0x2800  }
0x2e: {  	[sflag:s12] =	ssyncset.done $0x0  }
0x2f: {  	s29 =	simm.s32 $0xA0;
	[sflag:s12] =	ssyncadd.s32 $0xFFFFD800  }
0x30: {  	[tilespmem:s15], [sflag:$0x1] =	stream.indirect.gather [hbm4b:s5+s14], $0x80, s29, s14, $0xb8;
	[tilespmem:$0x1DE20] =	vst v63  }
0x31: {  	s30 =	simm.s32 $0xC8  }
0x32: {  	[tilespmem:s16], [sflag:$0x2] =	stream.indirect.gather [hbm4b:s5+s14], $0x80, s30, s14, $0xb8;
	[tilespmem:$0x1DE20] =	vst v63  }
0x33: {  	_ =	swait.ge [sflag:s22], $0x1400  }
0x34: {  	[sflag:s22] =	ssyncset.done $0x0  }
0x35: {  	[sflag:s22] =	ssyncadd.s32 $0xFFFFEC00  }
0x36: {  	_ =	swait.ge [sflag:s23], $0x1400  }
0x37: {  	[sflag:s23] =	ssyncset.done $0x0  }
0x38: {  	s31 =	simm.s32 $0x2760;
	[sflag:s23] =	ssyncadd.s32 $0xFFFFEC00  }
0x39: {  	[spmem:s3] =	stream.indirect.scatter.add.f32 [tilespmem:s17], [sflag:$0x5], $0x80, s31, s21, $0xb8;
	[tilespmem:$0x1DE20] =	vst v63  }
0x3a: {  	_ =	swait.ge [sflag:s12], $0x2800  }
0x3b: {  	s28 =	simm.s32 $0x500;
	s26 =	simm.s32 $0xA0;
	[sflag:s12] =	ssyncset.done $0x0  }
.LBB2_2:
0x3c: {  	s29 =	sadd.s32 $0x50, s26  }
0x3d: {  	[sflag:s12] =	ssyncadd.s32 $0xFFFFD800;
	s30 =	smov.u32 s28;
	s31 =	sadd.s32 $0x280, s28  }
0x3e: {  	[tilespmem:s17], [sflag:$0x3] =	stream.indirect.gather [hbm4b:s5+s14], $0x80, s29, s14, $0xb8;
	[tilespmem:$0x1DE20] =	vst v63  }
0x3f: {  	p0 =	sne.s32 s28, $0x9880;
	s28 =	sadd.s32 $0x78, s26  }
0x40: {  	[tilespmem:s18], [sflag:$0x4] =	stream.indirect.gather [hbm4b:s5+s14], $0x80, s28, s14, $0xb8;
	[tilespmem:$0x1DE20] =	vst v63  }
0x41: {  	_ =	swait.ge [sflag:s19], $0x1400  }
0x42: {  	[sflag:s19] =	ssyncset.done $0x0  }
0x43: {  	[sflag:s19] =	ssyncadd.s32 $0xFFFFEC00  }
0x44: {  	_ =	swait.ge [sflag:s20], $0x1400  }
0x45: {  	[sflag:s20] =	ssyncset.done $0x0  }
0x46: {  	s28 =	sadd.s32 $0x2710, s26;
	[sflag:s20] =	ssyncadd.s32 $0xFFFFEC00  }
0x47: {  	[spmem:s3] =	stream.indirect.scatter.add.f32 [tilespmem:s15], [sflag:$0x5], $0x80, s28, s21, $0xb8;
	[tilespmem:$0x1DE20] =	vst v63  }
0x48: {  	_ =	swait.ge [sflag:s12], $0x2800  }
0x49: {  	[sflag:s12] =	ssyncset.done $0x0  }
0x4a: {  	s28 =	sadd.s32 $0xA0, s26;
	[sflag:s12] =	ssyncadd.s32 $0xFFFFD800  }
0x4b: {  	[tilespmem:s15], [sflag:$0x1] =	stream.indirect.gather [hbm4b:s5+s14], $0x80, s28, s14, $0xb8;
	[tilespmem:$0x1DE20] =	vst v63  }
0x4c: {  	s28 =	sadd.s32 $0xC8, s26  }
0x4d: {  	[tilespmem:s16], [sflag:$0x2] =	stream.indirect.gather [hbm4b:s5+s14], $0x80, s28, s14, $0xb8;
	[tilespmem:$0x1DE20] =	vst v63  }
0x4e: {  	_ =	swait.ge [sflag:s22], $0x1400  }
0x4f: {  	[sflag:s22] =	ssyncset.done $0x0  }
0x50: {  	[sflag:s22] =	ssyncadd.s32 $0xFFFFEC00  }
0x51: {  	_ =	swait.ge [sflag:s23], $0x1400  }
.Ltmp0:
0x52: {  	[sflag:s23] =	ssyncset.done $0x0;
	(pc) =	sbr.rel @p0 .LBB2_2-.Ltmp0, $4  }
0x53: {  	s26 =	sadd.s32 $0x2760, s26;
	[sflag:s23] =	ssyncadd.s32 $0xFFFFEC00  }
0x54: {  	[spmem:s3] =	stream.indirect.scatter.add.f32 [tilespmem:s17], [sflag:$0x5], $0x80, s26, s21, $0xb8;
	[tilespmem:$0x1DE20] =	vst v63  }
0x55: {  	_ =	swait.ge [sflag:s12], $0x2800  }
0x56: {  	s28 =	smov.u32 s31;
	s26 =	sshra.s32 s30, $0x2;
	[sflag:s12] =	ssyncset.done $0x0  }
0x57: {  	s28 =	sadd.s32 $0x50, s26;
	[sflag:s12] =	ssyncadd.s32 $0xFFFFD800  }
0x58: {  	[tilespmem:s17], [sflag:$0x3] =	stream.indirect.gather [hbm4b:s5+s14], $0x80, s28, s14, $0xb8;
	[tilespmem:$0x1DE20] =	vst v63  }
0x59: {  	s30 =	sadd.s32 $0x78, s26  }
0x5a: {  	[tilespmem:s18], [sflag:$0x4] =	stream.indirect.gather [hbm4b:s5+s14], $0x80, s30, s14, $0xb8;
	[tilespmem:$0x1DE20] =	vst v63  }
0x5b: {  	_ =	swait.ge [sflag:s19], $0x1400  }
0x5c: {  	[sflag:s19] =	ssyncset.done $0x0  }
0x5d: {  	[sflag:s19] =	ssyncadd.s32 $0xFFFFEC00  }
0x5e: {  	_ =	swait.ge [sflag:s20], $0x1400  }
0x5f: {  	[sflag:s20] =	ssyncset.done $0x0  }
0x60: {  	s31 =	sadd.s32 $0x2710, s26;
	[sflag:s20] =	ssyncadd.s32 $0xFFFFEC00  }
0x61: {  	[spmem:s3] =	stream.indirect.scatter.add.f32 [tilespmem:s15], [sflag:$0x5], $0x80, s31, s21, $0xb8;
	[tilespmem:$0x1DE20] =	vst v63  }
0x62: {  	_ =	swait.ge [sflag:s12], $0x2800  }
0x63: {  	[sflag:s12] =	ssyncset.done $0x0  }
0x64: {  	s29 =	sadd.s32 $0xA0, s26;
	[sflag:s12] =	ssyncadd.s32 $0xFFFFD800  }
0x65: {  	[tilespmem:s15], [sflag:$0x1] =	stream.indirect.gather [hbm4b:s5+s14], $0x80, s29, s14, $0xb8;
	[tilespmem:$0x1DE20] =	vst v63  }
0x66: {  	s30 =	sadd.s32 $0xC8, s26  }
0x67: {  	[tilespmem:s16], [sflag:$0x2] =	stream.indirect.gather [hbm4b:s5+s14], $0x80, s30, s14, $0xb8;
	[tilespmem:$0x1DE20] =	vst v63  }
0x68: {  	_ =	swait.ge [sflag:s22], $0x1400  }
0x69: {  	[sflag:s22] =	ssyncset.done $0x0  }
0x6a: {  	[sflag:s22] =	ssyncadd.s32 $0xFFFFEC00  }
0x6b: {  	_ =	swait.ge [sflag:s23], $0x1400  }
0x6c: {  	[sflag:s23] =	ssyncset.done $0x0  }
0x6d: {  	s31 =	sadd.s32 $0x2760, s26;
	[sflag:s23] =	ssyncadd.s32 $0xFFFFEC00  }
0x6e: {  	[spmem:s3] =	stream.indirect.scatter.add.f32 [tilespmem:s17], [sflag:$0x5], $0x80, s31, s21, $0xb8;
	[tilespmem:$0x1DE20] =	vst v63  }
0x6f: {  	_ =	swait.ge [sflag:s12], $0x2800  }
0x70: {  	[sflag:s12] =	ssyncset.done $0x0  }
0x71: {  	[sflag:s12] =	ssyncadd.s32 $0xFFFFD800  }
0x72: {  	_ =	swait.ge [sflag:s19], $0x1400  }
0x73: {  	[sflag:s19] =	ssyncset.done $0x0  }
0x74: {  	[sflag:s19] =	ssyncadd.s32 $0xFFFFEC00  }
0x75: {  	_ =	swait.ge [sflag:s20], $0x1400  }
0x76: {  	[sflag:s20] =	ssyncset.done $0x0  }
0x77: {  	[sflag:s20] =	ssyncadd.s32 $0xFFFFEC00  }
0x78: {  	[spmem:s3] =	stream.indirect.scatter.add.f32 [tilespmem:s15], [sflag:$0x5], $0x80, s24, s21, $0xb8;
	[tilespmem:$0x1DE20] =	vst v63  }
0x79: {  	_ =	swait.ge [sflag:s12], $0x2800  }
0x7a: {  	s25 =	sadd.s32 $0x1, s25;
	[sflag:s12] =	ssyncset.done $0x0  }
0x7b: {  	p0 =	sne.s32 s25, s10;
	[sflag:s12] =	ssyncadd.s32 $0xFFFFD800  }
.Ltmp1:
0x7c: {  	[bflag:$0x0] =	sbarrier.arrive $0xFFFF;
	(pc) =	sbr.rel @p0 .LBB2_1-.Ltmp1, $4  }
0x7d: {  	[hbm:s9], [sflag:s6] =	dma.local [spmem:s11], $0x2800  }
0x7e: {  	_ =	swait.ge [sflag:s12], $0x2800  }
0x7f: {  	[sflag:s12] =	ssyncset.done $0x0  }
0x80: {  	[sflag:s12] =	ssyncadd.s32 $0xFFFFD800  }
0x81: {  	_ =	sfence.sel $0x180000  }
0x82: {  	[bflag:$0x0] =	sbarrier.arrive $0xFFFF  }
0x83: {  	p0 =	sne.s32 s1, $0x0;
	_ =	strace $0x9000004D  }
0x84: {  	s0 =	sadd.s32 @!p0 $0x100000, s0;
	[bflag:$0x2] =	sbarrier.arrive $0xFFFF  }
0x85: {  	[sflag:s0] =	ssyncadd.tile.s32 @!p0 $0x1;
	_ =	shalt  }
.Lfunc_end2:
_tile_overlayer_lowered:
.L_overlay_start_2:
0x86: {  	(tag) =	ssettag $0x2  }
0x87: {  	s0 =	rddreg [dreg:$0x0];
	s2 =	stileid.u32  }
0x88: {  	s1 =	rddreg [dreg:$0x1];
	p0 =	sne.s32 s2, $0x0  }
0x89: {  	s3 =	rddreg [dreg:$0x2];
	[bflag:$0x3] =	sbarrier.arrive $0xFFFF;
	s2 =	simm.s32 @!p0 $0x1C05  }
0x8a: {  	[timem:s3], [sflag:s2] =	dma.local @!p0 [hbm:s0], s1  }
0x8b: {  	s0 =	simm.s32 @!p0 $0x5  }
0x8c: {  	_ =	swait.ge @!p0 [sflag:s0], s1  }
0x8d: {  	s1 =	ssub.s32 @!p0 $0x0, s1;
	[sflag:s0] =	ssyncset.done @!p0 $0x0  }
0x8e: {  	[sflag:s0] =	ssyncadd.s32 @!p0 s1  }
0x8f: {  	[bflag:$0x3] =	sbarrier.arrive $0xFFFF  }
0x90: {  	_ =	shalt  }

// kernel: kernel.19.cloned.1.call-start
scs
__scs_entry_jumppad:
0x0: {  	(pc) =	sbr.rel $0x88, $3  }
0x1: {  	(tag) =	ssettag $0x0;
	lr =	simm.s32 $0x1  }
0x2: {  	[smem:$0x3F92] =	sst lr;
	_ =	strace $0xD0000000  }
0x3: {  	_ = 	snop  }
0x4: {  	_ = 	snop  }
0x5: {  	_ = 	snop  }
0x6: {  	_ = 	snop  }
0x7: {  	_ = 	snop  }
__scs_overlays_trampoline_lowered:
0x8: {  	[smem:$0x3FA1] =	sst s0  }
0x9: {  	[smem:$0x3FA2] =	sst s1  }
0xa: {  	[smem:$0x3FA3] =	sst s2  }
0xb: {  	[smem:$0x3FA4] =	sst s3  }
0xc: {  	[smem:$0x3FA5] =	sst s4  }
0xd: {  	[smem:$0x3FA6] =	sst s5  }
0xe: {  	[smem:$0x3FA7] =	sst s6  }
0xf: {  	[smem:$0x3FA8] =	sst s7  }
0x10: {  	[smem:$0x3FA9] =	sst s8  }
0x11: {  	[smem:$0x3FAA] =	sst s9;
	s0 =	simm.s32 @!p0 $0x0  }
0x12: {  	s1 =	sld [smem:$0x3F90];
	s0 =	simm.s32 @p0 $0x1  }
0x13: {  	[smem:$0x3FAB] =	sst s0;
	s0 =	simm.s32 @!p1 $0x0  }
0x14: {  	s2 =	sld [smem:$0x3F8F];
	s0 =	simm.s32 @p1 $0x1  }
0x15: {  	[smem:$0x3FAC] =	sst s0;
	s0 =	simm.s32 @!p2 $0x0  }
0x16: {  	s3 =	sld [smem:$0x3FDB];
	s0 =	simm.s32 @p2 $0x1  }
0x17: {  	s4 =	simm.s32 $0x1BF5;
	[smem:$0x3FAE] =	sst s0  }
0x18: {  	s0 =	sld [smem:$0x3F91];
	_ =	swait.ge [sflag:s4], $0x0  }
0x19: {  	s7 =	sld [smem:$0x3F92]  }
0x1a: {  	s8 =	sadd.s32 $0xFFFFE003, lr  }
0x1b: {  	s9 =	sadd.s32 $0xFFFFFEF7, lr;
	s5 =	simm.s32 $0xFFFFFFFF;
	p2 =	slt.u32 s8, $0xFFFFF086  }
0x1c: {  	p1 =	slt.u32 s9, $0xF7A;
	s5 =	simm.s32 @!p2 $0x0  }
0x1d: {  	s5 =	simm.s32 @p1 $0x1;
	p0 =	seq.s32 s7, s2  }
0x1e: {  	s7 =	smul.u32 @!p0 $0xF7A, s2;
	p2 =	seq.s32 @!p0 s5, $0x0  }
0x1f: {  	s9 =	smul.u32 $0xF7A, s1;
	s8 =	simm.s32 @!p0 $0x1BF5;
	p2 =	por !p2, p0  }
0x20: {  	[sflag:s8] =	ssyncset.s32 @!p0 $0xFFFFF086;
	s6 =	sadd.s32 @!p0 s3, s7;
	s7 =	simm.s32 @!p0 $0x108  }
0x21: {  	s3 =	sadd.s32 s3, s9;
	s6 =	sadd.s32 @!p0 $0x88, s6;
	s7 =	simm.s32 @p2 $0x1082  }
0x22: {  	[simem:s7], [sflag:s8] =	dma.local @!p0 [hbm:s6], $0xF7A  }
0x23: {  	s9 =	sor.u32 $0xD0000000, s2;
	s6 =	simm.s32 $0x108;
	_ =	swait.ge @!p0 [sflag:s8], $0x0  }
0x24: {  	s3 =	sadd.s32 $0x88, s3;
	s6 =	simm.s32 @!p1 $0x1082;
	[sflag:s4] =	ssyncset.s32 $0xFFFFF086  }
0x25: {  	[simem:s6], [sflag:s4] =	dma.local [hbm:s3], $0xF7A  }
0x26: {  	[smem:$0x3F92] =	sst s1;
	(tag) =	ssettag s2;
	_ =	strace s9  }
0x27: {  	s1 =	sld [smem:$0x3FA2]  }
0x28: {  	s2 =	sld [smem:$0x3FA3]  }
0x29: {  	s4 =	sld [smem:$0x3FA5]  }
0x2a: {  	p0 =	seq.s32 s5, $0x0;
	s5 =	sld [smem:$0x3FA6]  }
0x2b: {  	s6 =	sld [smem:$0x3FA7]  }
0x2c: {  	s7 =	sld [smem:$0x3FA8]  }
0x2d: {  	s3 =	simm.s32 $0x108;
	s8 =	sld [smem:$0x3FA9]  }
0x2e: {  	s3 =	simm.s32 @!p0 $0x1082;
	s9 =	sld [smem:$0x3FAA]  }
0x2f: {  	lr =	sadd.s32 s0, s3;
	s0 =	sld [smem:$0x3FA1]  }
0x30: {  	s3 =	sld [smem:$0x3FA4]  }
0x31: {  	[smem:$0x3FAD] =	sst s10  }
0x32: {  	s10 =	sld [smem:$0x3FAB];
	_ =	sdelay $0x3  }
0x33: {  	p0 =	seq.s32 s10, $0x1;
	s10 =	sld [smem:$0x3FAD];
	_ =	sdelay $0x3  }
0x34: {  	[smem:$0x3FAD] =	sst s10  }
0x35: {  	s10 =	sld [smem:$0x3FAC];
	_ =	sdelay $0x3  }
0x36: {  	p1 =	seq.s32 s10, $0x1;
	s10 =	sld [smem:$0x3FAD];
	_ =	sdelay $0x3  }
0x37: {  	[smem:$0x3FAD] =	sst s10  }
0x38: {  	s10 =	sld [smem:$0x3FAE]  }
0x39: {  	_ = 	snop;
	(pc) =	sbr.ind lr, $3  }
0x3a: {  	_ = 	snop  }
0x3b: {  	_ = 	snop  }
0x3c: {  	p2 =	seq.s32 s10, $0x1;
	s10 =	sld [smem:$0x3FAD]  }
0x3d: {  	_ =	shalt  }
0x3e: {  	_ =	shalt  }
0x3f: {  	_ =	shalt  }
0x40: {  	_ =	shalt  }
0x41: {  	_ =	shalt  }
0x42: {  	_ =	shalt  }
0x43: {  	_ =	shalt  }
0x44: {  	_ =	shalt  }
0x45: {  	_ =	shalt  }
0x46: {  	_ =	shalt  }
0x47: {  	_ =	shalt  }
0x48: {  	_ =	shalt  }
0x49: {  	_ =	shalt  }
0x4a: {  	_ =	shalt  }
0x4b: {  	_ =	shalt  }
0x4c: {  	_ =	shalt  }
0x4d: {  	_ =	shalt  }
0x4e: {  	_ =	shalt  }
0x4f: {  	_ =	shalt  }
0x50: {  	_ =	shalt  }
0x51: {  	_ =	shalt  }
0x52: {  	_ =	shalt  }
0x53: {  	_ =	shalt  }
0x54: {  	_ =	shalt  }
0x55: {  	_ =	shalt  }
0x56: {  	_ =	shalt  }
0x57: {  	_ =	shalt  }
0x58: {  	_ =	shalt  }
0x59: {  	_ =	shalt  }
0x5a: {  	_ =	shalt  }
0x5b: {  	_ =	shalt  }
0x5c: {  	_ =	shalt  }
0x5d: {  	_ =	shalt  }
0x5e: {  	_ =	shalt  }
0x5f: {  	_ =	shalt  }
0x60: {  	_ =	shalt  }
0x61: {  	_ =	shalt  }
0x62: {  	_ =	shalt  }
0x63: {  	_ =	shalt  }
0x64: {  	_ =	shalt  }
0x65: {  	_ =	shalt  }
0x66: {  	_ =	shalt  }
0x67: {  	_ =	shalt  }
0x68: {  	_ =	shalt  }
0x69: {  	_ =	shalt  }
0x6a: {  	_ =	shalt  }
0x6b: {  	_ =	shalt  }
0x6c: {  	_ =	shalt  }
0x6d: {  	_ =	shalt  }
0x6e: {  	_ =	shalt  }
0x6f: {  	_ =	shalt  }
0x70: {  	_ =	shalt  }
0x71: {  	_ =	shalt  }
0x72: {  	_ =	shalt  }
0x73: {  	_ =	shalt  }
0x74: {  	_ =	shalt  }
0x75: {  	_ =	shalt  }
0x76: {  	_ =	shalt  }
0x77: {  	_ =	shalt  }
0x78: {  	_ =	shalt  }
0x79: {  	_ =	shalt  }
0x7a: {  	_ =	shalt  }
0x7b: {  	_ =	shalt  }
0x7c: {  	_ =	shalt  }
0x7d: {  	_ =	shalt  }
0x7e: {  	_ =	shalt  }
0x7f: {  	_ =	shalt  }
0x80: {  	_ =	shalt  }
0x81: {  	_ =	shalt  }
0x82: {  	_ =	shalt  }
0x83: {  	_ =	shalt  }
0x84: {  	_ =	shalt  }
0x85: {  	_ =	shalt  }
0x86: {  	_ =	shalt  }
0x87: {  	_ =	shalt  }
.Lfunc_end0:
.L_simem_size_0:
called_computation.3_lowered:
.L_overlay_start_0:
0x88: {  	s2 =	sld [smem:$0x3FD9]  }
0x89: {  	s3 =	sld [smem:$0x3FFE];
	_ =	sdelay $0x1  }
0x8a: {  	s1 =	srdreg.scid  }
0x8b: {  	s0 =	sand.u32 $0x1, s1  }
0x8c: {  	s14 =	sshll.u32 s0, $0xA;
	s2 =	sadd.s32 s3, s2  }
0x8d: {  	s2 =	sadd.s32 s2, s14  }
0x8e: {  	[smem:$0x3FB9] =	sst s2  }
0x8f: {  	_ = 	snop  }
0x90: {  	s2 =	sld [smem:$0x3FD0];
	_ =	sdelay $0x2  }
0x91: {  	s15 =	simm.s32 $0xA;
	s4 =	simm.s32 $0x10  }
0x92: {  	[smem:s4], [sflag:s15] =	dma.local [hbm:s2], $0x1  }
0x93: {  	_ =	swait.eq [sflag:s15], $0x1  }
0x94: {  	[sflag:s15] =	ssyncset.done $0x0  }
0x95: {  	[sflag:s15] =	ssyncadd.s32 $0xFFFFFFFF  }
0x96: {  	s16 =	sld [smem:$0x10];
	(tm) =	ssettm $0x1  }
0x97: {  	s17 =	sld [smem:$0x3FFB];
	_ =	sdelay $0x3  }
0x98: {  	_ =	strace s17  }
0x99: {  	s3 =	sld [smem:$0x3FFC];
	_ =	sdelay $0x3  }
0x9a: {  	_ =	strace s3  }
0x9b: {  	s3 =	sld [smem:$0x3FFD];
	_ =	sdelay $0x3  }
0x9c: {  	_ =	strace s3  }
0x9d: {  	_ =	strace $0x8FFFFFFF  }
0x9e: {  	s18 =	sld [smem:$0x3FDB];
	_ =	sdelay $0x1  }
0x9f: {  	s19 =	simm.s32 $_scs_section_size  }
0xa0: {  	s5 =	simm.s32 $_size__tile_overlayer_lowered;
	s6 =	simm.s32 $_tile_overlayer_lowered  }
0xa1: {  	s22 =	simm.s32 $0x1BFF;
	s21 =	sshll.u32 s6, $0x1;
	s3 =	sadd.s32 s19, s18  }
0xa2: {  	s7 =	simm.s32 $0x0;
	s20 =	sshll.u32 s5, $0x1;
	s5 =	sadd.s32 s21, s3  }
0xa3: {  	[timem:s7], [sflag:s22] =	dma.local [hbm:s5], s20  }
0xa4: {  	_ =	swait.ge [sflag:s22], s20  }
0xa5: {  	s4 =	ssub.s32 $0x0, s20;
	[sflag:s22] =	ssyncset.done $0x0  }
0xa6: {  	[sflag:s22] =	ssyncadd.s32 s4;
	_ =	sdelay $0x1  }
0xa7: {  	s23 =	simm.s32 $0x1B8B  }
0xa8: {  	_ =	swait.ge [sflag:s23], $0x1  }
0xa9: {  	[sflag:s23] =	ssyncset.done $0x0  }
0xaa: {  	s25 =	simm.s32 $0x1B8E;
	s24 =	sld [smem:$0x3FFE];
	[sflag:s23] =	ssyncadd.s32 $0xFFFFFFFF  }
0xab: {  	s26 =	simm.s32 $execute0_lowered;
	[smem:$0x3FD2] =	sst s25  }
0xac: {  	s5 =	sshll.u32 s26, $0x1;
	_ =	strace $0x8000004F;
	[dreg:$0x1] =	wrdreg $0xFFFFFFFF  }
0xad: {  	s28 =	simm.s32 $_size_execute0_lowered;
	s3 =	sadd.s32 s3, s5;
	[dreg:$0x0] =	wrdreg $0x0  }
0xae: {  	s5 =	sshll.u32 s28, $0x1;
	[dreg:$0x2] =	wrdreg s3  }
0xaf: {  	[dreg:$0x3] =	wrdreg s5  }
0xb0: {  	[dreg:$0x4] =	wrdreg $0xC0  }
0xb1: {  	_ =	task [dreg:s7], $0x5FFFF  }
0xb2: {  	[dreg:$0x1] =	wrdreg $0xFFFFFFFF  }
0xb3: {  	[dreg:$0x0] =	wrdreg $0x60  }
0xb4: {  	[dreg:$0x2] =	wrdreg s24  }
0xb5: {  	[dreg:$0x3] =	wrdreg s16  }
0xb6: {  	[dreg:$0x4] =	wrdreg $0x76200  }
0xb7: {  	[dreg:$0x5] =	wrdreg $0x9  }
0xb8: {  	_ =	task.clear_ibuf [dreg:s7], $0x6FFFF;
	_ =	strace $0x9000004F  }
0xb9: {  	s29 =	simm.s32 $0x9;
	_ =	strace $0x80000051  }
0xba: {  	_ =	swait.ge [sflag:s29], $0x1  }
0xbb: {  	[sflag:s29] =	ssyncadd.s32 $0xFFFFFFFF  }
0xbc: {  	_ =	strace $0x90000051  }
0xbd: {  	_ =	sfence  }
0xbe: {  	s30 =	sld [smem:$0x0];
	_ =	sdelay $0x2  }
0xbf: {  	s31 =	sshll.u32 s1, $0xD;
	s1 =	sshrl.u32 s1, $0x2  }
0xc0: {  	s3 =	sand.u32 $0x4000, s31;
	s1 =	sadd.s32 s1, s30  }
0xc1: {  	s0 =	sor.u32 s3, s0;
	s1 =	sshll.u32 s1, $0x11  }
0xc2: {  	s0 =	sor.u32 s1, s0  }
0xc3: {  	s0 =	sadd.s32 $0x8F2B, s0  }
0xc4: {  	[sflag:s0] =	ssyncadd.remote.s32 $0x1  }
0xc5: {  	_ =	sfence.sel $0xFFFF  }
0xc6: {  	[dreg:$0x0] =	wrdreg $0xFFFFFFFF;
	(pc) =	sbr.abs _section_cstart, $3  }
0xc7: {  	[dreg:$0x1] =	wrdreg $0xFFFFFFFF  }
0xc8: {  	_ =	task.clear_ibuf [dreg:s7], $0x2FFFF;
	_ =	strace $0x9FFFFFFF  }
0xc9: {  	(tm) =	ssettm $0x7FFFFFFF  }
tec
execute0_lowered:
.L_overlay_start_1:
0x0: {  	(tag) =	ssettag $0x1  }
0x1: {  	s6 =	rddreg [dreg:$0x0]  }
0x2: {  	s2 =	rddreg [dreg:$0x1]  }
0x3: {  	s3 =	rddreg [dreg:$0x2];
	s4 =	srdreg.scid  }
0x4: {  	s0 =	rddreg [dreg:$0x3];
	s1 =	stileid.u32  }
0x5: {  	s13 =	simm.s32 $0x2710;
	s14 =	simm.s32 $0x28;
	s15 =	simm.s32 $0x4E20  }
0x6: {  	s16 =	simm.s32 $0x5820;
	s17 =	simm.s32 $0x6220;
	s18 =	simm.s32 $0x6C20  }
0x7: {  	s19 =	simm.s32 $0x1;
	s20 =	simm.s32 $0x2;
	s21 =	simm.s32 $0x50  }
0x8: {  	s22 =	simm.s32 $0x3;
	s23 =	simm.s32 $0x4;
	s24 =	simm.s32 $0x4DD0  }
0x9: {  	s25 =	simm.s32 $0x0;
	s7 =	sand.u32 $0x1, s4;
	s4 =	simm.s32 $0x0  }
0xa: {  	s8 =	smul.u32 $0xA000, s1;
	s31 =	sshll.u32 s1, $0x6;
	s5 =	sshll.u32 s7, $0x4  }
0xb: {  	[smem:$0x7FF] =	sst s4;
	s9 =	smul.u32 $0xA0000, s7;
	s7 =	ssub.s32 $0x2, s7  }
0xc: {  	s5 =	sor.u32 s1, s5;
	_ =	strace $0x80000050;
	s11 =	sshrl.u32 s7, $0x1  }
0xd: {  	s12 =	sadd.s32 s8, s3;
	s10 =	smul.u32 $0x4E2, s5;
	s9 =	sadd.s32 s8, s9  }
0xe: {  	s5 =	sadd.s32 $0x16800, s6;
	s11 =	ssub.s32 s7, s11;
	s9 =	sshrl.u32 s9, $0x3  }
0xf: {  	s10 =	sadd.s32 s10, s6;
	s9 =	sadd.s32 s9, s6;
	s6 =	sor.u32 $0x1C05, s31  }
0x10: {  	s7 =	sadd.s32 $0x2C00, s10;
	s8 =	sadd.s32 $0xCA00, s10;
	s9 =	sadd.s32 $0x2A800, s9  }
0x11: {  	s10 =	smax.u32 s11, $0x1;
	s11 =	sshrl.u32 s12, $0x3;
	s12 =	simm.s32 $0x5  }
.LBB2_1:
0x12: {  	[spmem:s11], [sflag:s6] =	dma.local [hbm:s2], $0x1400  }
0x13: {  	_ =	swait.ge [sflag:s12], $0x1400  }
0x14: {  	[sflag:s12] =	ssyncset.done $0x0  }
0x15: {  	[sflag:s12] =	ssyncadd.s32 $0xFFFFEC00  }
0x16: {  	[tilespmem:s4], [sflag:$0x5] =	stream.linear.gather [hbm4b:s7+s4], $0x2710, $0x38;
	[tilespmem:$0x11620] =	vst v63  }
0x17: {  	_ =	swait.ge [sflag:s12], $0x2710  }
0x18: {  	[sflag:s12] =	ssyncset.done $0x0  }
0x19: {  	[sflag:s12] =	ssyncadd.s32 $0xFFFFD8F0  }
0x1a: {  	[tilespmem:s13], [sflag:$0x5] =	stream.linear.gather [hbm4b:s8+s4], $0x2710, $0x38;
	[tilespmem:$0x11620] =	vst v63  }
0x1b: {  	_ =	swait.ge [sflag:s12], $0x2710  }
0x1c: {  	[sflag:s12] =	ssyncset.done $0x0  }
0x1d: {  	[sflag:s12] =	ssyncadd.s32 $0xFFFFD8F0  }
0x1e: {  	[bflag:$0x0] =	sbarrier.arrive $0xFFFF  }
0x1f: {  	[tilespmem:s15], [sflag:$0x1] =	stream.indirect.gather [hbm4b:s5+s14], $0x40, s4, s14, $0xb8;
	[tilespmem:$0x11620] =	vst v63  }
0x20: {  	_ = 	snop  }
0x21: {  	[tilespmem:s16], [sflag:$0x2] =	stream.indirect.gather [hbm4b:s5+s14], $0x40, s14, s14, $0xb8;
	[tilespmem:$0x11620] =	vst v63  }
0x22: {  	s26 =	simm.s32 $0x50  }
0x23: {  	[tilespmem:s17], [sflag:$0x3] =	stream.indirect.gather [hbm4b:s5+s14], $0x40, s26, s14, $0xb8;
	[tilespmem:$0x11620] =	vst v63  }
0x24: {  	s30 =	simm.s32 $0x78  }
0x25: {  	[tilespmem:s18], [sflag:$0x4] =	stream.indirect.gather [hbm4b:s5+s14], $0x40, s30, s14, $0xb8;
	[tilespmem:$0x11620] =	vst v63  }
0x26: {  	_ =	swait.ge [sflag:s19], $0xA00  }
0x27: {  	[sflag:s19] =	ssyncset.done $0x0  }
0x28: {  	[sflag:s19] =	ssyncadd.s32 $0xFFFFF600  }
0x29: {  	_ =	swait.ge [sflag:s20], $0xA00  }
0x2a: {  	[sflag:s20] =	ssyncset.done $0x0  }
0x2b: {  	s31 =	simm.s32 $0x2710;
	[sflag:s20] =	ssyncadd.s32 $0xFFFFF600  }
0x2c: {  	[spmem:s3] =	stream.indirect.scatter.add.f32 [tilespmem:s15], [sflag:$0x5], $0x40, s31, s21, $0xb8;
	[tilespmem:$0x11620] =	vst v63  }
0x2d: {  	_ =	swait.ge [sflag:s12], $0x1400  }
0x2e: {  	[sflag:s12] =	ssyncset.done $0x0  }
0x2f: {  	s29 =	simm.s32 $0xA0;
	[sflag:s12] =	ssyncadd.s32 $0xFFFFEC00  }
0x30: {  	[tilespmem:s15], [sflag:$0x1] =	stream.indirect.gather [hbm4b:s5+s14], $0x40, s29, s14, $0xb8;
	[tilespmem:$0x11620] =	vst v63  }
0x31: {  	s30 =	simm.s32 $0xC8  }
0x32: {  	[tilespmem:s16], [sflag:$0x2] =	stream.indirect.gather [hbm4b:s5+s14], $0x40, s30, s14, $0xb8;
	[tilespmem:$0x11620] =	vst v63  }
0x33: {  	_ =	swait.ge [sflag:s22], $0xA00  }
0x34: {  	[sflag:s22] =	ssyncset.done $0x0  }
0x35: {  	[sflag:s22] =	ssyncadd.s32 $0xFFFFF600  }
0x36: {  	_ =	swait.ge [sflag:s23], $0xA00  }
0x37: {  	[sflag:s23] =	ssyncset.done $0x0  }
0x38: {  	s31 =	simm.s32 $0x2760;
	[sflag:s23] =	ssyncadd.s32 $0xFFFFF600  }
0x39: {  	[spmem:s3] =	stream.indirect.scatter.add.f32 [tilespmem:s17], [sflag:$0x5], $0x40, s31, s21, $0xb8;
	[tilespmem:$0x11620] =	vst v63  }
0x3a: {  	_ =	swait.ge [sflag:s12], $0x1400  }
0x3b: {  	s28 =	simm.s32 $0x500;
	s26 =	simm.s32 $0xA0;
	[sflag:s12] =	ssyncset.done $0x0  }
.LBB2_2:
0x3c: {  	s29 =	sadd.s32 $0x50, s26  }
0x3d: {  	[sflag:s12] =	ssyncadd.s32 $0xFFFFEC00;
	s30 =	smov.u32 s28;
	s31 =	sadd.s32 $0x280, s28  }
0x3e: {  	[tilespmem:s17], [sflag:$0x3] =	stream.indirect.gather [hbm4b:s5+s14], $0x40, s29, s14, $0xb8;
	[tilespmem:$0x11620] =	vst v63  }
0x3f: {  	p0 =	sne.s32 s28, $0x9880;
	s28 =	sadd.s32 $0x78, s26  }
0x40: {  	[tilespmem:s18], [sflag:$0x4] =	stream.indirect.gather [hbm4b:s5+s14], $0x40, s28, s14, $0xb8;
	[tilespmem:$0x11620] =	vst v63  }
0x41: {  	_ =	swait.ge [sflag:s19], $0xA00  }
0x42: {  	[sflag:s19] =	ssyncset.done $0x0  }
0x43: {  	[sflag:s19] =	ssyncadd.s32 $0xFFFFF600  }
0x44: {  	_ =	swait.ge [sflag:s20], $0xA00  }
0x45: {  	[sflag:s20] =	ssyncset.done $0x0  }
0x46: {  	s28 =	sadd.s32 $0x2710, s26;
	[sflag:s20] =	ssyncadd.s32 $0xFFFFF600  }
0x47: {  	[spmem:s3] =	stream.indirect.scatter.add.f32 [tilespmem:s15], [sflag:$0x5], $0x40, s28, s21, $0xb8;
	[tilespmem:$0x11620] =	vst v63  }
0x48: {  	_ =	swait.ge [sflag:s12], $0x1400  }
0x49: {  	[sflag:s12] =	ssyncset.done $0x0  }
0x4a: {  	s28 =	sadd.s32 $0xA0, s26;
	[sflag:s12] =	ssyncadd.s32 $0xFFFFEC00  }
0x4b: {  	[tilespmem:s15], [sflag:$0x1] =	stream.indirect.gather [hbm4b:s5+s14], $0x40, s28, s14, $0xb8;
	[tilespmem:$0x11620] =	vst v63  }
0x4c: {  	s28 =	sadd.s32 $0xC8, s26  }
0x4d: {  	[tilespmem:s16], [sflag:$0x2] =	stream.indirect.gather [hbm4b:s5+s14], $0x40, s28, s14, $0xb8;
	[tilespmem:$0x11620] =	vst v63  }
0x4e: {  	_ =	swait.ge [sflag:s22], $0xA00  }
0x4f: {  	[sflag:s22] =	ssyncset.done $0x0  }
0x50: {  	[sflag:s22] =	ssyncadd.s32 $0xFFFFF600  }
0x51: {  	_ =	swait.ge [sflag:s23], $0xA00  }
.Ltmp0:
0x52: {  	[sflag:s23] =	ssyncset.done $0x0;
	(pc) =	sbr.rel @p0 .LBB2_2-.Ltmp0, $4  }
0x53: {  	s26 =	sadd.s32 $0x2760, s26;
	[sflag:s23] =	ssyncadd.s32 $0xFFFFF600  }
0x54: {  	[spmem:s3] =	stream.indirect.scatter.add.f32 [tilespmem:s17], [sflag:$0x5], $0x40, s26, s21, $0xb8;
	[tilespmem:$0x11620] =	vst v63  }
0x55: {  	_ =	swait.ge [sflag:s12], $0x1400  }
0x56: {  	s28 =	smov.u32 s31;
	s26 =	sshra.s32 s30, $0x2;
	[sflag:s12] =	ssyncset.done $0x0  }
0x57: {  	s28 =	sadd.s32 $0x50, s26;
	[sflag:s12] =	ssyncadd.s32 $0xFFFFEC00  }
0x58: {  	[tilespmem:s17], [sflag:$0x3] =	stream.indirect.gather [hbm4b:s5+s14], $0x40, s28, s14, $0xb8;
	[tilespmem:$0x11620] =	vst v63  }
0x59: {  	s30 =	sadd.s32 $0x78, s26  }
0x5a: {  	[tilespmem:s18], [sflag:$0x4] =	stream.indirect.gather [hbm4b:s5+s14], $0x40, s30, s14, $0xb8;
	[tilespmem:$0x11620] =	vst v63  }
0x5b: {  	_ =	swait.ge [sflag:s19], $0xA00  }
0x5c: {  	[sflag:s19] =	ssyncset.done $0x0  }
0x5d: {  	[sflag:s19] =	ssyncadd.s32 $0xFFFFF600  }
0x5e: {  	_ =	swait.ge [sflag:s20], $0xA00  }
0x5f: {  	[sflag:s20] =	ssyncset.done $0x0  }
0x60: {  	s31 =	sadd.s32 $0x2710, s26;
	[sflag:s20] =	ssyncadd.s32 $0xFFFFF600  }
0x61: {  	[spmem:s3] =	stream.indirect.scatter.add.f32 [tilespmem:s15], [sflag:$0x5], $0x40, s31, s21, $0xb8;
	[tilespmem:$0x11620] =	vst v63  }
0x62: {  	_ =	swait.ge [sflag:s12], $0x1400  }
0x63: {  	[sflag:s12] =	ssyncset.done $0x0  }
0x64: {  	s29 =	sadd.s32 $0xA0, s26;
	[sflag:s12] =	ssyncadd.s32 $0xFFFFEC00  }
0x65: {  	[tilespmem:s15], [sflag:$0x1] =	stream.indirect.gather [hbm4b:s5+s14], $0x40, s29, s14, $0xb8;
	[tilespmem:$0x11620] =	vst v63  }
0x66: {  	s30 =	sadd.s32 $0xC8, s26  }
0x67: {  	[tilespmem:s16], [sflag:$0x2] =	stream.indirect.gather [hbm4b:s5+s14], $0x40, s30, s14, $0xb8;
	[tilespmem:$0x11620] =	vst v63  }
0x68: {  	_ =	swait.ge [sflag:s22], $0xA00  }
0x69: {  	[sflag:s22] =	ssyncset.done $0x0  }
0x6a: {  	[sflag:s22] =	ssyncadd.s32 $0xFFFFF600  }
0x6b: {  	_ =	swait.ge [sflag:s23], $0xA00  }
0x6c: {  	[sflag:s23] =	ssyncset.done $0x0  }
0x6d: {  	s31 =	sadd.s32 $0x2760, s26;
	[sflag:s23] =	ssyncadd.s32 $0xFFFFF600  }
0x6e: {  	[spmem:s3] =	stream.indirect.scatter.add.f32 [tilespmem:s17], [sflag:$0x5], $0x40, s31, s21, $0xb8;
	[tilespmem:$0x11620] =	vst v63  }
0x6f: {  	_ =	swait.ge [sflag:s12], $0x1400  }
0x70: {  	[sflag:s12] =	ssyncset.done $0x0  }
0x71: {  	[sflag:s12] =	ssyncadd.s32 $0xFFFFEC00  }
0x72: {  	_ =	swait.ge [sflag:s19], $0xA00  }
0x73: {  	[sflag:s19] =	ssyncset.done $0x0  }
0x74: {  	[sflag:s19] =	ssyncadd.s32 $0xFFFFF600  }
0x75: {  	_ =	swait.ge [sflag:s20], $0xA00  }
0x76: {  	[sflag:s20] =	ssyncset.done $0x0  }
0x77: {  	[sflag:s20] =	ssyncadd.s32 $0xFFFFF600  }
0x78: {  	[spmem:s3] =	stream.indirect.scatter.add.f32 [tilespmem:s15], [sflag:$0x5], $0x40, s24, s21, $0xb8;
	[tilespmem:$0x11620] =	vst v63  }
0x79: {  	_ =	swait.ge [sflag:s12], $0x1400  }
0x7a: {  	s25 =	sadd.s32 $0x1, s25;
	[sflag:s12] =	ssyncset.done $0x0  }
0x7b: {  	p0 =	sne.s32 s25, s10;
	[sflag:s12] =	ssyncadd.s32 $0xFFFFEC00  }
.Ltmp1:
0x7c: {  	[bflag:$0x0] =	sbarrier.arrive $0xFFFF;
	(pc) =	sbr.rel @p0 .LBB2_1-.Ltmp1, $4  }
0x7d: {  	[hbm:s9], [sflag:s6] =	dma.local [spmem:s11], $0x1400  }
0x7e: {  	_ =	swait.ge [sflag:s12], $0x1400  }
0x7f: {  	[sflag:s12] =	ssyncset.done $0x0  }
0x80: {  	[sflag:s12] =	ssyncadd.s32 $0xFFFFEC00  }
0x81: {  	_ =	sfence.sel $0x180000  }
0x82: {  	[bflag:$0x0] =	sbarrier.arrive $0xFFFF  }
0x83: {  	p0 =	sne.s32 s1, $0x0;
	_ =	strace $0x90000050  }
0x84: {  	s0 =	sadd.s32 @!p0 $0x100000, s0;
	[bflag:$0x2] =	sbarrier.arrive $0xFFFF  }
0x85: {  	[sflag:s0] =	ssyncadd.tile.s32 @!p0 $0x1;
	_ =	shalt  }
.Lfunc_end2:
_tile_overlayer_lowered:
.L_overlay_start_2:
0x86: {  	(tag) =	ssettag $0x2  }
0x87: {  	s0 =	rddreg [dreg:$0x0];
	s2 =	stileid.u32  }
0x88: {  	s1 =	rddreg [dreg:$0x1];
	p0 =	sne.s32 s2, $0x0  }
0x89: {  	s3 =	rddreg [dreg:$0x2];
	[bflag:$0x3] =	sbarrier.arrive $0xFFFF;
	s2 =	simm.s32 @!p0 $0x1C05  }
0x8a: {  	[timem:s3], [sflag:s2] =	dma.local @!p0 [hbm:s0], s1  }
0x8b: {  	s0 =	simm.s32 @!p0 $0x5  }
0x8c: {  	_ =	swait.ge @!p0 [sflag:s0], s1  }
0x8d: {  	s1 =	ssub.s32 @!p0 $0x0, s1;
	[sflag:s0] =	ssyncset.done @!p0 $0x0  }
0x8e: {  	[sflag:s0] =	ssyncadd.s32 @!p0 s1  }
0x8f: {  	[bflag:$0x3] =	sbarrier.arrive $0xFFFF  }
0x90: {  	_ =	shalt  }

</sc_bundles>
